<compile_context>
chip_gen: v7x
topology: tpu7x:2x2x1
jax: 0.10.2.dev20260603
libtpu: 0.0.44.dev20260713+nightly
codegen_flags: <defaults>
</compile_context>

<pallas_src>
import jax
import jax.numpy as jnp
from jax import lax
from jax.experimental import pallas as pl
from jax.experimental.pallas import tpu as pltpu
from jax.experimental.pallas import tpu_sc as plsc

_B, _L, _D = 1024, 200, 64
_NSEG = 3
_CH = 128
_NBUF = 5
_info = plsc.get_sparse_core_info()
_NC = _info.num_cores
_NW = _info.num_cores * _info.num_subcores
_ROWS_W = _B * _L // _NW
_NCH = _ROWS_W // _CH
_NSUP = _NCH // _NBUF
_LP = _L // _NBUF


def _body(seq_hbm, seg_hbm, tok_hbm, segtab_hbm, pe_hbm, out_hbm,
          idx_v, sidx_v, pe_v, segtab_v, peseg_sh, tok, ps, st, ss, so):
    c = lax.axis_index("c")
    s = lax.axis_index("s")
    wid = s * _NC + c
    r0 = wid * _NCH

    pltpu.sync_copy(seq_hbm.at[wid], idx_v)
    pltpu.sync_copy(seg_hbm.at[wid], sidx_v)

    iota = lax.iota(jnp.int32, 16)

    def comb_chunk(ci, cr):
        base = ci * _CH
        for k in range(_CH // 16):
            sl = pl.ds(base + k * 16, 16)
            lrow = lax.rem(base + k * 16 + iota, _L)
            sidx_v[sl] = lrow * _NSEG + sidx_v[sl]
        return cr

    lax.fori_loop(0, _NCH, comb_chunk, 0)

    @pl.when(s == 0)
    def _():
        pltpu.sync_copy(pe_hbm, pe_v)
        pltpu.sync_copy(segtab_hbm, segtab_v)
        for p in range(_NBUF):
            def build_row(l2, cr, p=p):
                l = p * _LP + l2
                for sg in range(_NSEG):
                    for q in range(_D // 16):
                        sl = pl.ds(q * 16, 16)
                        ps[0][l2 * _NSEG + sg, sl] = (pe_v[l, sl]
                                                      + segtab_v[sg, sl])
                return cr

            lax.fori_loop(0, _LP, build_row, 0)
            pltpu.sync_copy(ps[0].at[pl.ds(0, _LP * _NSEG)],
                            peseg_sh.at[pl.ds(p * _LP * _NSEG, _LP * _NSEG)])

    plsc.subcore_barrier()

    def issue(ci, k):
        isl = pl.ds(ci * _CH, _CH)
        pltpu.async_copy(tok_hbm.at[idx_v.at[isl]], tok[k], st[k])
        pltpu.async_copy(peseg_sh.at[sidx_v.at[isl]], ps[k], ss[k])

    def wait_g(k):
        isl = pl.ds(0, _CH)
        pltpu.make_async_copy(tok_hbm.at[idx_v.at[isl]], tok[k], st[k]).wait()
        pltpu.make_async_copy(peseg_sh.at[sidx_v.at[isl]], ps[k], ss[k]).wait()

    def wait_st(k):
        pltpu.make_async_copy(ps[k], out_hbm.at[pl.ds(0, _CH)],
                              so[k]).wait()

    def add_and_store(ci, k):
        def row(l, cr):
            for q in range(_D // 16):
                sl = pl.ds(q * 16, 16)
                ps[k][l, sl] = ps[k][l, sl] + tok[k][l, sl]
            return cr

        lax.fori_loop(0, _CH, row, 0)
        pltpu.async_copy(ps[k], out_hbm.at[pl.ds((r0 + ci) * _CH, _CH)],
                         so[k])

    for k in range(_NBUF - 1):
        issue(k, k)

    def super_iter(su, carry):
        for k in range(_NBUF):
            ci = su * _NBUF + k
            prev = (k + _NBUF - 1) % _NBUF

            @pl.when(ci >= 1)
            def _(prev=prev):
                wait_st(prev)

            @pl.when(ci + _NBUF - 1 < _NCH)
            def _(ci=ci, prev=prev):
                issue(ci + _NBUF - 1, prev)

            wait_g(k)
            add_and_store(ci, k)
        return carry

    lax.fori_loop(0, _NSUP, super_iter, 0)
    wait_st((_NCH - 1) % _NBUF)


def kernel(sequence, segment_label, token_table, seg_table, pe):
    b, l = sequence.shape
    v, d = token_table.shape
    seqf = sequence.astype(jnp.int32).reshape(_NW, _ROWS_W)
    segf = segment_label.astype(jnp.int32).reshape(_NW, _ROWS_W)
    pe2 = pe[0, :l, :]
    row_buf = pltpu.VMEM((_CH, _D), jnp.float32)
    k = pl.kernel(
        _body,
        out_type=jax.ShapeDtypeStruct((b * l, d), jnp.float32),
        mesh=plsc.VectorSubcoreMesh(core_axis_name="c", subcore_axis_name="s"),
        compiler_params=pltpu.CompilerParams(use_tc_tiling_on_sc=False,
                                             needs_layout_passes=False),
        scratch_types=[
            pltpu.VMEM((_ROWS_W,), jnp.int32),
            pltpu.VMEM((_ROWS_W,), jnp.int32),
            pltpu.VMEM((_L, _D), jnp.float32),
            pltpu.VMEM((_NSEG, _D), jnp.float32),
            pltpu.VMEM_SHARED((_L * _NSEG, _D), jnp.float32),
            [row_buf] * _NBUF,
            [row_buf] * _NBUF,
            [pltpu.SemaphoreType.DMA] * _NBUF,
            [pltpu.SemaphoreType.DMA] * _NBUF,
            [pltpu.SemaphoreType.DMA] * _NBUF,
        ],
    )
    out = k(seqf, segf, token_table, seg_table, pe2)
    return out.reshape(b, l, d)

# --- scband reference (transcript-rebuilt; emitter-appended) ---
"""Pipeline reference for scband-bertembedding-74354473828934 (READ-ONLY COPY).

The authoritative reference and input builder live on the scoring server;
editing this copy changes nothing except your own understanding.
"""

import jax, jax.numpy as jnp
import numpy as np
import math

B, L, V, D, ML = 1024, 200, 100000, 64, 512

def make_pe(max_len, d_model):
    position = np.arange(max_len, dtype=np.float32)[:, None]
    div_term = np.exp(np.arange(0, d_model, 2, dtype=np.float32) * -(math.log(10000.0) / d_model))
    pe = np.zeros((max_len, d_model), dtype=np.float32)
    pe[:, 0::2] = np.sin(position * div_term)
    pe[:, 1::2] = np.cos(position * div_term)
    return jnp.asarray(pe[None])  # [1, max_len, d_model]

def setup_inputs(seed: int = 0) -> dict:
    key = jax.random.key(seed)
    k1, k2, k3, k4 = jax.random.split(key, 4)
    sequence = jax.random.randint(k1, (B, L), 0, V, dtype=jnp.int64) if jax.config.jax_enable_x64 else jax.random.randint(k1, (B, L), 0, V)
    segment_label = jax.random.randint(k2, (B, L), 0, 3)
    token_table = jax.random.normal(k3, (V, D), dtype=jnp.float32) * 0.02
    token_table = token_table.at[0].set(0.0)  # padding_idx=0
    seg_table = jax.random.normal(k4, (3, D), dtype=jnp.float32) * 0.02
    seg_table = seg_table.at[0].set(0.0)      # padding_idx=0
    pe = make_pe(ML, D)
    return {"sequence": sequence, "segment_label": segment_label,
            "token_table": token_table, "seg_table": seg_table, "pe": pe}

def reference(sequence, segment_label, token_table, seg_table, pe):
    # x = PositionalEmbedding(sequence)  -> pe[:, :seq_len]
    seq_len = sequence.shape[1]
    x = pe[:, :seq_len]
    # x = x + TokenEmbedding(sequence)
    x = x + jnp.take(token_table, sequence, axis=0)
    # x = x + SegmentEmbedding(segment_label)
    x = x + jnp.take(seg_table, segment_label, axis=0)
    # is_time=False -> no time embedding; dropout is identity in eval mode
    return x

if __name__ == "__main__":
    import jax
    _d = setup_inputs()
    print(jax.jit(kernel)(*tuple(_d.values())))

</pallas_src>

<mosaic_0001>
#map = affine_map<(d0, d1) -> (0, 0)>
module attributes {stable_mosaic.version = 14 : i64} {
  func.func @_body(%arg0: i32, %arg1: i32, %arg2: memref<32x6400xi32, #tpu.memory_space<hbm>>, %arg3: memref<32x6400xi32, #tpu.memory_space<hbm>>, %arg4: memref<100000x64xf32, #tpu.memory_space<hbm>>, %arg5: memref<3x64xf32, #tpu.memory_space<hbm>>, %arg6: memref<200x64xf32, #tpu.memory_space<hbm>>, %arg7: memref<204800x64xf32, #tpu.memory_space<hbm>>, %arg8: memref<6400xi32, #tpu.memory_space<vmem>>, %arg9: memref<6400xi32, #tpu.memory_space<vmem>>, %arg10: memref<200x64xf32, #tpu.memory_space<vmem>>, %arg11: memref<3x64xf32, #tpu.memory_space<vmem>>, %arg12: memref<600x64xf32, #tpu.memory_space<vmem_shared>>, %arg13: memref<128x64xf32, #tpu.memory_space<vmem>>, %arg14: memref<128x64xf32, #tpu.memory_space<vmem>>, %arg15: memref<128x64xf32, #tpu.memory_space<vmem>>, %arg16: memref<128x64xf32, #tpu.memory_space<vmem>>, %arg17: memref<128x64xf32, #tpu.memory_space<vmem>>, %arg18: memref<128x64xf32, #tpu.memory_space<vmem>>, %arg19: memref<128x64xf32, #tpu.memory_space<vmem>>, %arg20: memref<128x64xf32, #tpu.memory_space<vmem>>, %arg21: memref<128x64xf32, #tpu.memory_space<vmem>>, %arg22: memref<128x64xf32, #tpu.memory_space<vmem>>, %arg23: memref<!tpu.dma_semaphore, #tpu.memory_space<semaphore_mem>>, %arg24: memref<!tpu.dma_semaphore, #tpu.memory_space<semaphore_mem>>, %arg25: memref<!tpu.dma_semaphore, #tpu.memory_space<semaphore_mem>>, %arg26: memref<!tpu.dma_semaphore, #tpu.memory_space<semaphore_mem>>, %arg27: memref<!tpu.dma_semaphore, #tpu.memory_space<semaphore_mem>>, %arg28: memref<!tpu.dma_semaphore, #tpu.memory_space<semaphore_mem>>, %arg29: memref<!tpu.dma_semaphore, #tpu.memory_space<semaphore_mem>>, %arg30: memref<!tpu.dma_semaphore, #tpu.memory_space<semaphore_mem>>, %arg31: memref<!tpu.dma_semaphore, #tpu.memory_space<semaphore_mem>>, %arg32: memref<!tpu.dma_semaphore, #tpu.memory_space<semaphore_mem>>, %arg33: memref<!tpu.dma_semaphore, #tpu.memory_space<semaphore_mem>>, %arg34: memref<!tpu.dma_semaphore, #tpu.memory_space<semaphore_mem>>, %arg35: memref<!tpu.dma_semaphore, #tpu.memory_space<semaphore_mem>>, %arg36: memref<!tpu.dma_semaphore, #tpu.memory_space<semaphore_mem>>, %arg37: memref<!tpu.dma_semaphore, #tpu.memory_space<semaphore_mem>>) attributes {dimension_semantics = [#tpu.dimension_semantics<core_parallel>, #tpu.dimension_semantics<subcore_parallel>], iteration_bounds = array<i64: 2, 16>, scalar_prefetch = 0 : i64, scratch_operands = 30 : i64, tpu.core_type = #tpu.core_type<sc_vector_subcore>, window_params = [{transform_indices = #map}, {transform_indices = #map}, {transform_indices = #map}, {transform_indices = #map}, {transform_indices = #map}, {transform_indices = #map}]} {
    %mul3A = arith.constant 2 : i32
    %mul3A_0 = arith.muli %arg1, %mul3A : i32
    %add3A = arith.addi %mul3A_0, %arg0 : i32
    %mul3A_1 = arith.constant 50 : i32
    %mul3A_2 = arith.muli %add3A, %mul3A_1 : i32
    "tpu.region"() ({
      %run_scoped3A = tpu.sem_alloc : memref<!tpu.dma_semaphore, #tpu.memory_space<semaphore_mem>>
      %dma_start3A_60 = arith.constant 0 : i32
      %dma_start3A_61 = tpu.memref_slice %arg2[%add3A, %dma_start3A_60] : memref<32x6400xi32, #tpu.memory_space<hbm>> -> memref<1x6400xi32, #tpu.memory_space<hbm>>
      %dma_start3A_62 = tpu.memref_squeeze %dma_start3A_61 : memref<1x6400xi32, #tpu.memory_space<hbm>> -> memref<6400xi32, #tpu.memory_space<hbm>>
      %dma_start3A_63 = arith.constant 0 : i32
      %dma_start3A_64 = tpu.memref_slice %arg2[%add3A, %dma_start3A_63] : memref<32x6400xi32, #tpu.memory_space<hbm>> -> memref<1x6400xi32, #tpu.memory_space<hbm>>
      %dma_start3A_65 = tpu.memref_squeeze %dma_start3A_64 : memref<1x6400xi32, #tpu.memory_space<hbm>> -> memref<6400xi32, #tpu.memory_space<hbm>>
      tpu.enqueue_dma source(%dma_start3A_65 : memref<6400xi32, #tpu.memory_space<hbm>>) target(%arg8 : memref<6400xi32, #tpu.memory_space<vmem>>) target_semaphore(%run_scoped3A : memref<!tpu.dma_semaphore, #tpu.memory_space<semaphore_mem>>)
      %dma_wait3A_66 = arith.constant 0 : i32
      %dma_wait3A_67 = tpu.memref_slice %arg2[%add3A, %dma_wait3A_66] : memref<32x6400xi32, #tpu.memory_space<hbm>> -> memref<1x6400xi32, #tpu.memory_space<hbm>>
      %dma_wait3A_68 = tpu.memref_squeeze %dma_wait3A_67 : memref<1x6400xi32, #tpu.memory_space<hbm>> -> memref<6400xi32, #tpu.memory_space<hbm>>
      %dma_wait3A_69 = arith.constant 0 : i32
      %dma_wait3A_70 = tpu.memref_slice %arg2[%add3A, %dma_wait3A_69] : memref<32x6400xi32, #tpu.memory_space<hbm>> -> memref<1x6400xi32, #tpu.memory_space<hbm>>
      %dma_wait3A_71 = tpu.memref_squeeze %dma_wait3A_70 : memref<1x6400xi32, #tpu.memory_space<hbm>> -> memref<6400xi32, #tpu.memory_space<hbm>>
      tpu.wait_dma2 semaphore(%run_scoped3A : memref<!tpu.dma_semaphore, #tpu.memory_space<semaphore_mem>>) src(%dma_wait3A_71 : memref<6400xi32, #tpu.memory_space<hbm>>) dst(%arg8 : memref<6400xi32, #tpu.memory_space<vmem>>)
      tpu.yield
    }) : () -> ()
    "tpu.region"() ({
      %run_scoped3A = tpu.sem_alloc : memref<!tpu.dma_semaphore, #tpu.memory_space<semaphore_mem>>
      %dma_start3A_60 = arith.constant 0 : i32
      %dma_start3A_61 = tpu.memref_slice %arg3[%add3A, %dma_start3A_60] : memref<32x6400xi32, #tpu.memory_space<hbm>> -> memref<1x6400xi32, #tpu.memory_space<hbm>>
      %dma_start3A_62 = tpu.memref_squeeze %dma_start3A_61 : memref<1x6400xi32, #tpu.memory_space<hbm>> -> memref<6400xi32, #tpu.memory_space<hbm>>
      %dma_start3A_63 = arith.constant 0 : i32
      %dma_start3A_64 = tpu.memref_slice %arg3[%add3A, %dma_start3A_63] : memref<32x6400xi32, #tpu.memory_space<hbm>> -> memref<1x6400xi32, #tpu.memory_space<hbm>>
      %dma_start3A_65 = tpu.memref_squeeze %dma_start3A_64 : memref<1x6400xi32, #tpu.memory_space<hbm>> -> memref<6400xi32, #tpu.memory_space<hbm>>
      tpu.enqueue_dma source(%dma_start3A_65 : memref<6400xi32, #tpu.memory_space<hbm>>) target(%arg9 : memref<6400xi32, #tpu.memory_space<vmem>>) target_semaphore(%run_scoped3A : memref<!tpu.dma_semaphore, #tpu.memory_space<semaphore_mem>>)
      %dma_wait3A_66 = arith.constant 0 : i32
      %dma_wait3A_67 = tpu.memref_slice %arg3[%add3A, %dma_wait3A_66] : memref<32x6400xi32, #tpu.memory_space<hbm>> -> memref<1x6400xi32, #tpu.memory_space<hbm>>
      %dma_wait3A_68 = tpu.memref_squeeze %dma_wait3A_67 : memref<1x6400xi32, #tpu.memory_space<hbm>> -> memref<6400xi32, #tpu.memory_space<hbm>>
      %dma_wait3A_69 = arith.constant 0 : i32
      %dma_wait3A_70 = tpu.memref_slice %arg3[%add3A, %dma_wait3A_69] : memref<32x6400xi32, #tpu.memory_space<hbm>> -> memref<1x6400xi32, #tpu.memory_space<hbm>>
      %dma_wait3A_71 = tpu.memref_squeeze %dma_wait3A_70 : memref<1x6400xi32, #tpu.memory_space<hbm>> -> memref<6400xi32, #tpu.memory_space<hbm>>
      tpu.wait_dma2 semaphore(%run_scoped3A : memref<!tpu.dma_semaphore, #tpu.memory_space<semaphore_mem>>) src(%dma_wait3A_71 : memref<6400xi32, #tpu.memory_space<hbm>>) dst(%arg9 : memref<6400xi32, #tpu.memory_space<vmem>>)
      tpu.yield
    }) : () -> ()
    %iota3A = tpu.iota {dimensions = array<i32: 0>} : vector<16xi32>
    %scan3A = arith.constant 0 : i32
    %scan3A_3 = arith.constant 0 : i32
    %scan3A_4 = arith.constant 50 : i32
    %scan3A_5 = arith.addi %scan3A_3, %scan3A_4 : i32
    %scan3A_6 = arith.constant 1 : i32
    scf.for %scan3A_60 = %scan3A_3 to %scan3A_5 step %scan3A_6  : i32 {
      %mul3A_61 = arith.constant 128 : i32
      %mul3A_62 = arith.muli %scan3A_60, %mul3A_61 : i32
      %add3A_63 = arith.constant 0 : i32
      %add3A_64 = arith.addi %mul3A_62, %add3A_63 : i32
      %add3A_65 = arith.constant 0 : i32
      %add3A_66 = arith.addi %mul3A_62, %add3A_65 : i32
      %add3A_67 = vector.broadcast %add3A_66 : i32 to vector<16xi32>
      %add3A_68 = arith.addi %add3A_67, %iota3A : vector<16xi32>
      %rem3A = arith.constant 200 : i32
      %rem3A_69 = vector.broadcast %rem3A : i32 to vector<16xi32>
      %rem3A_70 = arith.remsi %add3A_68, %rem3A_69 : vector<16xi32>
      %mul3A_71 = arith.constant 3 : i32
      %mul3A_72 = vector.broadcast %mul3A_71 : i32 to vector<16xi32>
      %mul3A_73 = arith.muli %rem3A_70, %mul3A_72 : vector<16xi32>
      %get3A = arith.index_cast %add3A_64 : i32 to index
      %get3A_74 = tpu.vector_load %arg9[%get3A] {strides = array<i32>} : memref<6400xi32, #tpu.memory_space<vmem>>, vector<16xi32>,
      %add3A_75 = arith.addi %mul3A_73, %get3A_74 : vector<16xi32>
      %swap3A = arith.index_cast %add3A_64 : i32 to index
      %swap3A_76 = tpu.vector_load %arg9[%swap3A] {strides = array<i32>} : memref<6400xi32, #tpu.memory_space<vmem>>, vector<16xi32>,
      tpu.vector_store %arg9[%swap3A], %add3A_75 {strides = array<i32>} : memref<6400xi32, #tpu.memory_space<vmem>>, vector<16xi32>,
      %add3A_77 = arith.constant 16 : i32
      %add3A_78 = arith.addi %mul3A_62, %add3A_77 : i32
      %add3A_79 = arith.constant 16 : i32
      %add3A_80 = arith.addi %mul3A_62, %add3A_79 : i32
      %add3A_81 = vector.broadcast %add3A_80 : i32 to vector<16xi32>
      %add3A_82 = arith.addi %add3A_81, %iota3A : vector<16xi32>
      %rem3A_83 = arith.constant 200 : i32
      %rem3A_84 = vector.broadcast %rem3A_83 : i32 to vector<16xi32>
      %rem3A_85 = arith.remsi %add3A_82, %rem3A_84 : vector<16xi32>
      %mul3A_86 = arith.constant 3 : i32
      %mul3A_87 = vector.broadcast %mul3A_86 : i32 to vector<16xi32>
      %mul3A_88 = arith.muli %rem3A_85, %mul3A_87 : vector<16xi32>
      %get3A_89 = arith.index_cast %add3A_78 : i32 to index
      %get3A_90 = tpu.vector_load %arg9[%get3A_89] {strides = array<i32>} : memref<6400xi32, #tpu.memory_space<vmem>>, vector<16xi32>,
      %add3A_91 = arith.addi %mul3A_88, %get3A_90 : vector<16xi32>
      %swap3A_92 = arith.index_cast %add3A_78 : i32 to index
      %swap3A_93 = tpu.vector_load %arg9[%swap3A_92] {strides = array<i32>} : memref<6400xi32, #tpu.memory_space<vmem>>, vector<16xi32>,
      tpu.vector_store %arg9[%swap3A_92], %add3A_91 {strides = array<i32>} : memref<6400xi32, #tpu.memory_space<vmem>>, vector<16xi32>,
      %add3A_94 = arith.constant 32 : i32
      %add3A_95 = arith.addi %mul3A_62, %add3A_94 : i32
      %add3A_96 = arith.constant 32 : i32
      %add3A_97 = arith.addi %mul3A_62, %add3A_96 : i32
      %add3A_98 = vector.broadcast %add3A_97 : i32 to vector<16xi32>
      %add3A_99 = arith.addi %add3A_98, %iota3A : vector<16xi32>
      %rem3A_100 = arith.constant 200 : i32
      %rem3A_101 = vector.broadcast %rem3A_100 : i32 to vector<16xi32>
      %rem3A_102 = arith.remsi %add3A_99, %rem3A_101 : vector<16xi32>
      %mul3A_103 = arith.constant 3 : i32
      %mul3A_104 = vector.broadcast %mul3A_103 : i32 to vector<16xi32>
      %mul3A_105 = arith.muli %rem3A_102, %mul3A_104 : vector<16xi32>
      %get3A_106 = arith.index_cast %add3A_95 : i32 to index
      %get3A_107 = tpu.vector_load %arg9[%get3A_106] {strides = array<i32>} : memref<6400xi32, #tpu.memory_space<vmem>>, vector<16xi32>,
      %add3A_108 = arith.addi %mul3A_105, %get3A_107 : vector<16xi32>
      %swap3A_109 = arith.index_cast %add3A_95 : i32 to index
      %swap3A_110 = tpu.vector_load %arg9[%swap3A_109] {strides = array<i32>} : memref<6400xi32, #tpu.memory_space<vmem>>, vector<16xi32>,
      tpu.vector_store %arg9[%swap3A_109], %add3A_108 {strides = array<i32>} : memref<6400xi32, #tpu.memory_space<vmem>>, vector<16xi32>,
      %add3A_111 = arith.constant 48 : i32
      %add3A_112 = arith.addi %mul3A_62, %add3A_111 : i32
      %add3A_113 = arith.constant 48 : i32
      %add3A_114 = arith.addi %mul3A_62, %add3A_113 : i32
      %add3A_115 = vector.broadcast %add3A_114 : i32 to vector<16xi32>
      %add3A_116 = arith.addi %add3A_115, %iota3A : vector<16xi32>
      %rem3A_117 = arith.constant 200 : i32
      %rem3A_118 = vector.broadcast %rem3A_117 : i32 to vector<16xi32>
      %rem3A_119 = arith.remsi %add3A_116, %rem3A_118 : vector<16xi32>
      %mul3A_120 = arith.constant 3 : i32
      %mul3A_121 = vector.broadcast %mul3A_120 : i32 to vector<16xi32>
      %mul3A_122 = arith.muli %rem3A_119, %mul3A_121 : vector<16xi32>
      %get3A_123 = arith.index_cast %add3A_112 : i32 to index
      %get3A_124 = tpu.vector_load %arg9[%get3A_123] {strides = array<i32>} : memref<6400xi32, #tpu.memory_space<vmem>>, vector<16xi32>,
      %add3A_125 = arith.addi %mul3A_122, %get3A_124 : vector<16xi32>
      %swap3A_126 = arith.index_cast %add3A_112 : i32 to index
      %swap3A_127 = tpu.vector_load %arg9[%swap3A_126] {strides = array<i32>} : memref<6400xi32, #tpu.memory_space<vmem>>, vector<16xi32>,
      tpu.vector_store %arg9[%swap3A_126], %add3A_125 {strides = array<i32>} : memref<6400xi32, #tpu.memory_space<vmem>>, vector<16xi32>,
      %add3A_128 = arith.constant 64 : i32
      %add3A_129 = arith.addi %mul3A_62, %add3A_128 : i32
      %add3A_130 = arith.constant 64 : i32
      %add3A_131 = arith.addi %mul3A_62, %add3A_130 : i32
      %add3A_132 = vector.broadcast %add3A_131 : i32 to vector<16xi32>
      %add3A_133 = arith.addi %add3A_132, %iota3A : vector<16xi32>
      %rem3A_134 = arith.constant 200 : i32
      %rem3A_135 = vector.broadcast %rem3A_134 : i32 to vector<16xi32>
      %rem3A_136 = arith.remsi %add3A_133, %rem3A_135 : vector<16xi32>
      %mul3A_137 = arith.constant 3 : i32
      %mul3A_138 = vector.broadcast %mul3A_137 : i32 to vector<16xi32>
      %mul3A_139 = arith.muli %rem3A_136, %mul3A_138 : vector<16xi32>
      %get3A_140 = arith.index_cast %add3A_129 : i32 to index
      %get3A_141 = tpu.vector_load %arg9[%get3A_140] {strides = array<i32>} : memref<6400xi32, #tpu.memory_space<vmem>>, vector<16xi32>,
      %add3A_142 = arith.addi %mul3A_139, %get3A_141 : vector<16xi32>
      %swap3A_143 = arith.index_cast %add3A_129 : i32 to index
      %swap3A_144 = tpu.vector_load %arg9[%swap3A_143] {strides = array<i32>} : memref<6400xi32, #tpu.memory_space<vmem>>, vector<16xi32>,
      tpu.vector_store %arg9[%swap3A_143], %add3A_142 {strides = array<i32>} : memref<6400xi32, #tpu.memory_space<vmem>>, vector<16xi32>,
      %add3A_145 = arith.constant 80 : i32
      %add3A_146 = arith.addi %mul3A_62, %add3A_145 : i32
      %add3A_147 = arith.constant 80 : i32
      %add3A_148 = arith.addi %mul3A_62, %add3A_147 : i32
      %add3A_149 = vector.broadcast %add3A_148 : i32 to vector<16xi32>
      %add3A_150 = arith.addi %add3A_149, %iota3A : vector<16xi32>
      %rem3A_151 = arith.constant 200 : i32
      %rem3A_152 = vector.broadcast %rem3A_151 : i32 to vector<16xi32>
      %rem3A_153 = arith.remsi %add3A_150, %rem3A_152 : vector<16xi32>
      %mul3A_154 = arith.constant 3 : i32
      %mul3A_155 = vector.broadcast %mul3A_154 : i32 to vector<16xi32>
      %mul3A_156 = arith.muli %rem3A_153, %mul3A_155 : vector<16xi32>
      %get3A_157 = arith.index_cast %add3A_146 : i32 to index
      %get3A_158 = tpu.vector_load %arg9[%get3A_157] {strides = array<i32>} : memref<6400xi32, #tpu.memory_space<vmem>>, vector<16xi32>,
      %add3A_159 = arith.addi %mul3A_156, %get3A_158 : vector<16xi32>
      %swap3A_160 = arith.index_cast %add3A_146 : i32 to index
      %swap3A_161 = tpu.vector_load %arg9[%swap3A_160] {strides = array<i32>} : memref<6400xi32, #tpu.memory_space<vmem>>, vector<16xi32>,
      tpu.vector_store %arg9[%swap3A_160], %add3A_159 {strides = array<i32>} : memref<6400xi32, #tpu.memory_space<vmem>>, vector<16xi32>,
      %add3A_162 = arith.constant 96 : i32
      %add3A_163 = arith.addi %mul3A_62, %add3A_162 : i32
      %add3A_164 = arith.constant 96 : i32
      %add3A_165 = arith.addi %mul3A_62, %add3A_164 : i32
      %add3A_166 = vector.broadcast %add3A_165 : i32 to vector<16xi32>
      %add3A_167 = arith.addi %add3A_166, %iota3A : vector<16xi32>
      %rem3A_168 = arith.constant 200 : i32
      %rem3A_169 = vector.broadcast %rem3A_168 : i32 to vector<16xi32>
      %rem3A_170 = arith.remsi %add3A_167, %rem3A_169 : vector<16xi32>
      %mul3A_171 = arith.constant 3 : i32
      %mul3A_172 = vector.broadcast %mul3A_171 : i32 to vector<16xi32>
      %mul3A_173 = arith.muli %rem3A_170, %mul3A_172 : vector<16xi32>
      %get3A_174 = arith.index_cast %add3A_163 : i32 to index
      %get3A_175 = tpu.vector_load %arg9[%get3A_174] {strides = array<i32>} : memref<6400xi32, #tpu.memory_space<vmem>>, vector<16xi32>,
      %add3A_176 = arith.addi %mul3A_173, %get3A_175 : vector<16xi32>
      %swap3A_177 = arith.index_cast %add3A_163 : i32 to index
      %swap3A_178 = tpu.vector_load %arg9[%swap3A_177] {strides = array<i32>} : memref<6400xi32, #tpu.memory_space<vmem>>, vector<16xi32>,
      tpu.vector_store %arg9[%swap3A_177], %add3A_176 {strides = array<i32>} : memref<6400xi32, #tpu.memory_space<vmem>>, vector<16xi32>,
      %add3A_179 = arith.constant 112 : i32
      %add3A_180 = arith.addi %mul3A_62, %add3A_179 : i32
      %add3A_181 = arith.constant 112 : i32
      %add3A_182 = arith.addi %mul3A_62, %add3A_181 : i32
      %add3A_183 = vector.broadcast %add3A_182 : i32 to vector<16xi32>
      %add3A_184 = arith.addi %add3A_183, %iota3A : vector<16xi32>
      %rem3A_185 = arith.constant 200 : i32
      %rem3A_186 = vector.broadcast %rem3A_185 : i32 to vector<16xi32>
      %rem3A_187 = arith.remsi %add3A_184, %rem3A_186 : vector<16xi32>
      %mul3A_188 = arith.constant 3 : i32
      %mul3A_189 = vector.broadcast %mul3A_188 : i32 to vector<16xi32>
      %mul3A_190 = arith.muli %rem3A_187, %mul3A_189 : vector<16xi32>
      %get3A_191 = arith.index_cast %add3A_180 : i32 to index
      %get3A_192 = tpu.vector_load %arg9[%get3A_191] {strides = array<i32>} : memref<6400xi32, #tpu.memory_space<vmem>>, vector<16xi32>,
      %add3A_193 = arith.addi %mul3A_190, %get3A_192 : vector<16xi32>
      %swap3A_194 = arith.index_cast %add3A_180 : i32 to index
      %swap3A_195 = tpu.vector_load %arg9[%swap3A_194] {strides = array<i32>} : memref<6400xi32, #tpu.memory_space<vmem>>, vector<16xi32>,
      tpu.vector_store %arg9[%swap3A_194], %add3A_193 {strides = array<i32>} : memref<6400xi32, #tpu.memory_space<vmem>>, vector<16xi32>,
    }
    %scan3A_7 = arith.constant 50 : i32
    %eq3A = arith.constant 0 : i32
    %eq3A_8 = arith.cmpi eq, %arg1, %eq3A : i32
    %convert_element_type3A = arith.extui %eq3A_8 : i1 to i32
    %cond3A = arith.constant 0 : i32
    %cond3A_9 = arith.cmpi ne, %convert_element_type3A, %cond3A : i32
    scf.if %cond3A_9 {
      "tpu.region"() ({
        %run_scoped3A = tpu.sem_alloc : memref<!tpu.dma_semaphore, #tpu.memory_space<semaphore_mem>>
        tpu.enqueue_dma source(%arg6 : memref<200x64xf32, #tpu.memory_space<hbm>>) target(%arg10 : memref<200x64xf32, #tpu.memory_space<vmem>>) target_semaphore(%run_scoped3A : memref<!tpu.dma_semaphore, #tpu.memory_space<semaphore_mem>>)
        tpu.wait_dma2 semaphore(%run_scoped3A : memref<!tpu.dma_semaphore, #tpu.memory_space<semaphore_mem>>) src(%arg6 : memref<200x64xf32, #tpu.memory_space<hbm>>) dst(%arg10 : memref<200x64xf32, #tpu.memory_space<vmem>>)
        tpu.yield
      }) : () -> ()
      "tpu.region"() ({
        %run_scoped3A = tpu.sem_alloc : memref<!tpu.dma_semaphore, #tpu.memory_space<semaphore_mem>>
        tpu.enqueue_dma source(%arg5 : memref<3x64xf32, #tpu.memory_space<hbm>>) target(%arg11 : memref<3x64xf32, #tpu.memory_space<vmem>>) target_semaphore(%run_scoped3A : memref<!tpu.dma_semaphore, #tpu.memory_space<semaphore_mem>>)
        tpu.wait_dma2 semaphore(%run_scoped3A : memref<!tpu.dma_semaphore, #tpu.memory_space<semaphore_mem>>) src(%arg5 : memref<3x64xf32, #tpu.memory_space<hbm>>) dst(%arg11 : memref<3x64xf32, #tpu.memory_space<vmem>>)
        tpu.yield
      }) : () -> ()
      %scan3A_60 = arith.constant 0 : i32
      %scan3A_61 = arith.constant 0 : i32
      %scan3A_62 = arith.constant 40 : i32
      %scan3A_63 = arith.addi %scan3A_61, %scan3A_62 : i32
      %scan3A_64 = arith.constant 1 : i32
      scf.for %scan3A_90 = %scan3A_61 to %scan3A_63 step %scan3A_64  : i32 {
        %add3A_91 = arith.constant 0 : i32
        %add3A_92 = arith.addi %add3A_91, %scan3A_90 : i32
        %get3A = arith.index_cast %add3A_92 : i32 to index
        %get3A_93 = arith.constant 0 : index
        %get3A_94 = tpu.vector_load %arg10[%get3A, %get3A_93] {strides = array<i32>} : memref<200x64xf32, #tpu.memory_space<vmem>>, vector<16xf32>,
        %get3A_95 = arith.constant 0 : i32
        %get3A_96 = arith.index_cast %get3A_95 : i32 to index
        %get3A_97 = arith.constant 0 : index
        %get3A_98 = tpu.vector_load %arg11[%get3A_96, %get3A_97] {strides = array<i32>} : memref<3x64xf32, #tpu.memory_space<vmem>>, vector<16xf32>,
        %add3A_99 = arith.addf %get3A_94, %get3A_98 : vector<16xf32>
        %mul3A_100 = arith.constant 3 : i32
        %mul3A_101 = arith.muli %scan3A_90, %mul3A_100 : i32
        %add3A_102 = arith.constant 0 : i32
        %add3A_103 = arith.addi %mul3A_101, %add3A_102 : i32
        %swap3A = arith.index_cast %add3A_103 : i32 to index
        %swap3A_104 = arith.constant 0 : index
        %swap3A_105 = tpu.vector_load %arg18[%swap3A, %swap3A_104] {strides = array<i32>} : memref<128x64xf32, #tpu.memory_space<vmem>>, vector<16xf32>,
        tpu.vector_store %arg18[%swap3A, %swap3A_104], %add3A_99 {strides = array<i32>} : memref<128x64xf32, #tpu.memory_space<vmem>>, vector<16xf32>,
        %get3A_106 = arith.index_cast %add3A_92 : i32 to index
        %get3A_107 = arith.constant 16 : index
        %get3A_108 = tpu.vector_load %arg10[%get3A_106, %get3A_107] {strides = array<i32>} : memref<200x64xf32, #tpu.memory_space<vmem>>, vector<16xf32>,
        %get3A_109 = arith.constant 0 : i32
        %get3A_110 = arith.index_cast %get3A_109 : i32 to index
        %get3A_111 = arith.constant 16 : index
        %get3A_112 = tpu.vector_load %arg11[%get3A_110, %get3A_111] {strides = array<i32>} : memref<3x64xf32, #tpu.memory_space<vmem>>, vector<16xf32>,
        %add3A_113 = arith.addf %get3A_108, %get3A_112 : vector<16xf32>
        %mul3A_114 = arith.constant 3 : i32
        %mul3A_115 = arith.muli %scan3A_90, %mul3A_114 : i32
        %add3A_116 = arith.constant 0 : i32
        %add3A_117 = arith.addi %mul3A_115, %add3A_116 : i32
        %swap3A_118 = arith.index_cast %add3A_117 : i32 to index
        %swap3A_119 = arith.constant 16 : index
        %swap3A_120 = tpu.vector_load %arg18[%swap3A_118, %swap3A_119] {strides = array<i32>} : memref<128x64xf32, #tpu.memory_space<vmem>>, vector<16xf32>,
        tpu.vector_store %arg18[%swap3A_118, %swap3A_119], %add3A_113 {strides = array<i32>} : memref<128x64xf32, #tpu.memory_space<vmem>>, vector<16xf32>,
        %get3A_121 = arith.index_cast %add3A_92 : i32 to index
        %get3A_122 = arith.constant 32 : index
        %get3A_123 = tpu.vector_load %arg10[%get3A_121, %get3A_122] {strides = array<i32>} : memref<200x64xf32, #tpu.memory_space<vmem>>, vector<16xf32>,
        %get3A_124 = arith.constant 0 : i32
        %get3A_125 = arith.index_cast %get3A_124 : i32 to index
        %get3A_126 = arith.constant 32 : index
        %get3A_127 = tpu.vector_load %arg11[%get3A_125, %get3A_126] {strides = array<i32>} : memref<3x64xf32, #tpu.memory_space<vmem>>, vector<16xf32>,
        %add3A_128 = arith.addf %get3A_123, %get3A_127 : vector<16xf32>
        %mul3A_129 = arith.constant 3 : i32
        %mul3A_130 = arith.muli %scan3A_90, %mul3A_129 : i32
        %add3A_131 = arith.constant 0 : i32
        %add3A_132 = arith.addi %mul3A_130, %add3A_131 : i32
        %swap3A_133 = arith.index_cast %add3A_132 : i32 to index
        %swap3A_134 = arith.constant 32 : index
        %swap3A_135 = tpu.vector_load %arg18[%swap3A_133, %swap3A_134] {strides = array<i32>} : memref<128x64xf32, #tpu.memory_space<vmem>>, vector<16xf32>,
        tpu.vector_store %arg18[%swap3A_133, %swap3A_134], %add3A_128 {strides = array<i32>} : memref<128x64xf32, #tpu.memory_space<vmem>>, vector<16xf32>,
        %get3A_136 = arith.index_cast %add3A_92 : i32 to index
        %get3A_137 = arith.constant 48 : index
        %get3A_138 = tpu.vector_load %arg10[%get3A_136, %get3A_137] {strides = array<i32>} : memref<200x64xf32, #tpu.memory_space<vmem>>, vector<16xf32>,
        %get3A_139 = arith.constant 0 : i32
        %get3A_140 = arith.index_cast %get3A_139 : i32 to index
        %get3A_141 = arith.constant 48 : index
        %get3A_142 = tpu.vector_load %arg11[%get3A_140, %get3A_141] {strides = array<i32>} : memref<3x64xf32, #tpu.memory_space<vmem>>, vector<16xf32>,
        %add3A_143 = arith.addf %get3A_138, %get3A_142 : vector<16xf32>
        %mul3A_144 = arith.constant 3 : i32
        %mul3A_145 = arith.muli %scan3A_90, %mul3A_144 : i32
        %add3A_146 = arith.constant 0 : i32
        %add3A_147 = arith.addi %mul3A_145, %add3A_146 : i32
        %swap3A_148 = arith.index_cast %add3A_147 : i32 to index
        %swap3A_149 = arith.constant 48 : index
        %swap3A_150 = tpu.vector_load %arg18[%swap3A_148, %swap3A_149] {strides = array<i32>} : memref<128x64xf32, #tpu.memory_space<vmem>>, vector<16xf32>,
        tpu.vector_store %arg18[%swap3A_148, %swap3A_149], %add3A_143 {strides = array<i32>} : memref<128x64xf32, #tpu.memory_space<vmem>>, vector<16xf32>,
        %get3A_151 = arith.index_cast %add3A_92 : i32 to index
        %get3A_152 = arith.constant 0 : index
        %get3A_153 = tpu.vector_load %arg10[%get3A_151, %get3A_152] {strides = array<i32>} : memref<200x64xf32, #tpu.memory_space<vmem>>, vector<16xf32>,
        %get3A_154 = arith.constant 1 : i32
        %get3A_155 = arith.index_cast %get3A_154 : i32 to index
        %get3A_156 = arith.constant 0 : index
        %get3A_157 = tpu.vector_load %arg11[%get3A_155, %get3A_156] {strides = array<i32>} : memref<3x64xf32, #tpu.memory_space<vmem>>, vector<16xf32>,
        %add3A_158 = arith.addf %get3A_153, %get3A_157 : vector<16xf32>
        %mul3A_159 = arith.constant 3 : i32
        %mul3A_160 = arith.muli %scan3A_90, %mul3A_159 : i32
        %add3A_161 = arith.constant 1 : i32
        %add3A_162 = arith.addi %mul3A_160, %add3A_161 : i32
        %swap3A_163 = arith.index_cast %add3A_162 : i32 to index
        %swap3A_164 = arith.constant 0 : index
        %swap3A_165 = tpu.vector_load %arg18[%swap3A_163, %swap3A_164] {strides = array<i32>} : memref<128x64xf32, #tpu.memory_space<vmem>>, vector<16xf32>,
        tpu.vector_store %arg18[%swap3A_163, %swap3A_164], %add3A_158 {strides = array<i32>} : memref<128x64xf32, #tpu.memory_space<vmem>>, vector<16xf32>,
        %get3A_166 = arith.index_cast %add3A_92 : i32 to index
        %get3A_167 = arith.constant 16 : index
        %get3A_168 = tpu.vector_load %arg10[%get3A_166, %get3A_167] {strides = array<i32>} : memref<200x64xf32, #tpu.memory_space<vmem>>, vector<16xf32>,
        %get3A_169 = arith.constant 1 : i32
        %get3A_170 = arith.index_cast %get3A_169 : i32 to index
        %get3A_171 = arith.constant 16 : index
        %get3A_172 = tpu.vector_load %arg11[%get3A_170, %get3A_171] {strides = array<i32>} : memref<3x64xf32, #tpu.memory_space<vmem>>, vector<16xf32>,
        %add3A_173 = arith.addf %get3A_168, %get3A_172 : vector<16xf32>
        %mul3A_174 = arith.constant 3 : i32
        %mul3A_175 = arith.muli %scan3A_90, %mul3A_174 : i32
        %add3A_176 = arith.constant 1 : i32
        %add3A_177 = arith.addi %mul3A_175, %add3A_176 : i32
        %swap3A_178 = arith.index_cast %add3A_177 : i32 to index
        %swap3A_179 = arith.constant 16 : index
        %swap3A_180 = tpu.vector_load %arg18[%swap3A_178, %swap3A_179] {strides = array<i32>} : memref<128x64xf32, #tpu.memory_space<vmem>>, vector<16xf32>,
        tpu.vector_store %arg18[%swap3A_178, %swap3A_179], %add3A_173 {strides = array<i32>} : memref<128x64xf32, #tpu.memory_space<vmem>>, vector<16xf32>,
        %get3A_181 = arith.index_cast %add3A_92 : i32 to index
        %get3A_182 = arith.constant 32 : index
        %get3A_183 = tpu.vector_load %arg10[%get3A_181, %get3A_182] {strides = array<i32>} : memref<200x64xf32, #tpu.memory_space<vmem>>, vector<16xf32>,
        %get3A_184 = arith.constant 1 : i32
        %get3A_185 = arith.index_cast %get3A_184 : i32 to index
        %get3A_186 = arith.constant 32 : index
        %get3A_187 = tpu.vector_load %arg11[%get3A_185, %get3A_186] {strides = array<i32>} : memref<3x64xf32, #tpu.memory_space<vmem>>, vector<16xf32>,
        %add3A_188 = arith.addf %get3A_183, %get3A_187 : vector<16xf32>
        %mul3A_189 = arith.constant 3 : i32
        %mul3A_190 = arith.muli %scan3A_90, %mul3A_189 : i32
        %add3A_191 = arith.constant 1 : i32
        %add3A_192 = arith.addi %mul3A_190, %add3A_191 : i32
        %swap3A_193 = arith.index_cast %add3A_192 : i32 to index
        %swap3A_194 = arith.constant 32 : index
        %swap3A_195 = tpu.vector_load %arg18[%swap3A_193, %swap3A_194] {strides = array<i32>} : memref<128x64xf32, #tpu.memory_space<vmem>>, vector<16xf32>,
        tpu.vector_store %arg18[%swap3A_193, %swap3A_194], %add3A_188 {strides = array<i32>} : memref<128x64xf32, #tpu.memory_space<vmem>>, vector<16xf32>,
        %get3A_196 = arith.index_cast %add3A_92 : i32 to index
        %get3A_197 = arith.constant 48 : index
        %get3A_198 = tpu.vector_load %arg10[%get3A_196, %get3A_197] {strides = array<i32>} : memref<200x64xf32, #tpu.memory_space<vmem>>, vector<16xf32>,
        %get3A_199 = arith.constant 1 : i32
        %get3A_200 = arith.index_cast %get3A_199 : i32 to index
        %get3A_201 = arith.constant 48 : index
        %get3A_202 = tpu.vector_load %arg11[%get3A_200, %get3A_201] {strides = array<i32>} : memref<3x64xf32, #tpu.memory_space<vmem>>, vector<16xf32>,
        %add3A_203 = arith.addf %get3A_198, %get3A_202 : vector<16xf32>
        %mul3A_204 = arith.constant 3 : i32
        %mul3A_205 = arith.muli %scan3A_90, %mul3A_204 : i32
        %add3A_206 = arith.constant 1 : i32
        %add3A_207 = arith.addi %mul3A_205, %add3A_206 : i32
        %swap3A_208 = arith.index_cast %add3A_207 : i32 to index
        %swap3A_209 = arith.constant 48 : index
        %swap3A_210 = tpu.vector_load %arg18[%swap3A_208, %swap3A_209] {strides = array<i32>} : memref<128x64xf32, #tpu.memory_space<vmem>>, vector<16xf32>,
        tpu.vector_store %arg18[%swap3A_208, %swap3A_209], %add3A_203 {strides = array<i32>} : memref<128x64xf32, #tpu.memory_space<vmem>>, vector<16xf32>,
        %get3A_211 = arith.index_cast %add3A_92 : i32 to index
        %get3A_212 = arith.constant 0 : index
        %get3A_213 = tpu.vector_load %arg10[%get3A_211, %get3A_212] {strides = array<i32>} : memref<200x64xf32, #tpu.memory_space<vmem>>, vector<16xf32>,
        %get3A_214 = arith.constant 2 : i32
        %get3A_215 = arith.index_cast %get3A_214 : i32 to index
        %get3A_216 = arith.constant 0 : index
        %get3A_217 = tpu.vector_load %arg11[%get3A_215, %get3A_216] {strides = array<i32>} : memref<3x64xf32, #tpu.memory_space<vmem>>, vector<16xf32>,
        %add3A_218 = arith.addf %get3A_213, %get3A_217 : vector<16xf32>
        %mul3A_219 = arith.constant 3 : i32
        %mul3A_220 = arith.muli %scan3A_90, %mul3A_219 : i32
        %add3A_221 = arith.constant 2 : i32
        %add3A_222 = arith.addi %mul3A_220, %add3A_221 : i32
        %swap3A_223 = arith.index_cast %add3A_222 : i32 to index
        %swap3A_224 = arith.constant 0 : index
        %swap3A_225 = tpu.vector_load %arg18[%swap3A_223, %swap3A_224] {strides = array<i32>} : memref<128x64xf32, #tpu.memory_space<vmem>>, vector<16xf32>,
        tpu.vector_store %arg18[%swap3A_223, %swap3A_224], %add3A_218 {strides = array<i32>} : memref<128x64xf32, #tpu.memory_space<vmem>>, vector<16xf32>,
        %get3A_226 = arith.index_cast %add3A_92 : i32 to index
        %get3A_227 = arith.constant 16 : index
        %get3A_228 = tpu.vector_load %arg10[%get3A_226, %get3A_227] {strides = array<i32>} : memref<200x64xf32, #tpu.memory_space<vmem>>, vector<16xf32>,
        %get3A_229 = arith.constant 2 : i32
        %get3A_230 = arith.index_cast %get3A_229 : i32 to index
        %get3A_231 = arith.constant 16 : index
        %get3A_232 = tpu.vector_load %arg11[%get3A_230, %get3A_231] {strides = array<i32>} : memref<3x64xf32, #tpu.memory_space<vmem>>, vector<16xf32>,
        %add3A_233 = arith.addf %get3A_228, %get3A_232 : vector<16xf32>
        %mul3A_234 = arith.constant 3 : i32
        %mul3A_235 = arith.muli %scan3A_90, %mul3A_234 : i32
        %add3A_236 = arith.constant 2 : i32
        %add3A_237 = arith.addi %mul3A_235, %add3A_236 : i32
        %swap3A_238 = arith.index_cast %add3A_237 : i32 to index
        %swap3A_239 = arith.constant 16 : index
        %swap3A_240 = tpu.vector_load %arg18[%swap3A_238, %swap3A_239] {strides = array<i32>} : memref<128x64xf32, #tpu.memory_space<vmem>>, vector<16xf32>,
        tpu.vector_store %arg18[%swap3A_238, %swap3A_239], %add3A_233 {strides = array<i32>} : memref<128x64xf32, #tpu.memory_space<vmem>>, vector<16xf32>,
        %get3A_241 = arith.index_cast %add3A_92 : i32 to index
        %get3A_242 = arith.constant 32 : index
        %get3A_243 = tpu.vector_load %arg10[%get3A_241, %get3A_242] {strides = array<i32>} : memref<200x64xf32, #tpu.memory_space<vmem>>, vector<16xf32>,
        %get3A_244 = arith.constant 2 : i32
        %get3A_245 = arith.index_cast %get3A_244 : i32 to index
        %get3A_246 = arith.constant 32 : index
        %get3A_247 = tpu.vector_load %arg11[%get3A_245, %get3A_246] {strides = array<i32>} : memref<3x64xf32, #tpu.memory_space<vmem>>, vector<16xf32>,
        %add3A_248 = arith.addf %get3A_243, %get3A_247 : vector<16xf32>
        %mul3A_249 = arith.constant 3 : i32
        %mul3A_250 = arith.muli %scan3A_90, %mul3A_249 : i32
        %add3A_251 = arith.constant 2 : i32
        %add3A_252 = arith.addi %mul3A_250, %add3A_251 : i32
        %swap3A_253 = arith.index_cast %add3A_252 : i32 to index
        %swap3A_254 = arith.constant 32 : index
        %swap3A_255 = tpu.vector_load %arg18[%swap3A_253, %swap3A_254] {strides = array<i32>} : memref<128x64xf32, #tpu.memory_space<vmem>>, vector<16xf32>,
        tpu.vector_store %arg18[%swap3A_253, %swap3A_254], %add3A_248 {strides = array<i32>} : memref<128x64xf32, #tpu.memory_space<vmem>>, vector<16xf32>,
        %get3A_256 = arith.index_cast %add3A_92 : i32 to index
        %get3A_257 = arith.constant 48 : index
        %get3A_258 = tpu.vector_load %arg10[%get3A_256, %get3A_257] {strides = array<i32>} : memref<200x64xf32, #tpu.memory_space<vmem>>, vector<16xf32>,
        %get3A_259 = arith.constant 2 : i32
        %get3A_260 = arith.index_cast %get3A_259 : i32 to index
        %get3A_261 = arith.constant 48 : index
        %get3A_262 = tpu.vector_load %arg11[%get3A_260, %get3A_261] {strides = array<i32>} : memref<3x64xf32, #tpu.memory_space<vmem>>, vector<16xf32>,
        %add3A_263 = arith.addf %get3A_258, %get3A_262 : vector<16xf32>
        %mul3A_264 = arith.constant 3 : i32
        %mul3A_265 = arith.muli %scan3A_90, %mul3A_264 : i32
        %add3A_266 = arith.constant 2 : i32
        %add3A_267 = arith.addi %mul3A_265, %add3A_266 : i32
        %swap3A_268 = arith.index_cast %add3A_267 : i32 to index
        %swap3A_269 = arith.constant 48 : index
        %swap3A_270 = tpu.vector_load %arg18[%swap3A_268, %swap3A_269] {strides = array<i32>} : memref<128x64xf32, #tpu.memory_space<vmem>>, vector<16xf32>,
        tpu.vector_store %arg18[%swap3A_268, %swap3A_269], %add3A_263 {strides = array<i32>} : memref<128x64xf32, #tpu.memory_space<vmem>>, vector<16xf32>,
      }
      %scan3A_65 = arith.constant 40 : i32
      "tpu.region"() ({
        %run_scoped3A = tpu.sem_alloc : memref<!tpu.dma_semaphore, #tpu.memory_space<semaphore_mem>>
        %dma_start3A_90 = arith.constant 0 : i32
        %dma_start3A_91 = arith.constant 0 : i32
        %dma_start3A_92 = tpu.memref_slice %arg18[%dma_start3A_90, %dma_start3A_91] : memref<128x64xf32, #tpu.memory_space<vmem>> -> memref<120x64xf32, #tpu.memory_space<vmem>>
        %dma_start3A_93 = arith.constant 0 : i32
        %dma_start3A_94 = arith.constant 0 : i32
        %dma_start3A_95 = tpu.memref_slice %arg12[%dma_start3A_93, %dma_start3A_94] : memref<600x64xf32, #tpu.memory_space<vmem_shared>> -> memref<120x64xf32, #tpu.memory_space<vmem_shared>>
        %dma_start3A_96 = arith.constant 0 : i32
        %dma_start3A_97 = arith.constant 0 : i32
        %dma_start3A_98 = tpu.memref_slice %arg12[%dma_start3A_96, %dma_start3A_97] : memref<600x64xf32, #tpu.memory_space<vmem_shared>> -> memref<120x64xf32, #tpu.memory_space<vmem_shared>>
        %dma_start3A_99 = arith.constant 0 : i32
        %dma_start3A_100 = arith.constant 0 : i32
        %dma_start3A_101 = tpu.memref_slice %arg18[%dma_start3A_99, %dma_start3A_100] : memref<128x64xf32, #tpu.memory_space<vmem>> -> memref<120x64xf32, #tpu.memory_space<vmem>>
        tpu.enqueue_dma source(%dma_start3A_101 : memref<120x64xf32, #tpu.memory_space<vmem>>) target(%dma_start3A_98 : memref<120x64xf32, #tpu.memory_space<vmem_shared>>) target_semaphore(%run_scoped3A : memref<!tpu.dma_semaphore, #tpu.memory_space<semaphore_mem>>)
        %dma_wait3A_102 = arith.constant 0 : i32
        %dma_wait3A_103 = arith.constant 0 : i32
        %dma_wait3A_104 = tpu.memref_slice %arg18[%dma_wait3A_102, %dma_wait3A_103] : memref<128x64xf32, #tpu.memory_space<vmem>> -> memref<120x64xf32, #tpu.memory_space<vmem>>
        %dma_wait3A_105 = arith.constant 0 : i32
        %dma_wait3A_106 = arith.constant 0 : i32
        %dma_wait3A_107 = tpu.memref_slice %arg12[%dma_wait3A_105, %dma_wait3A_106] : memref<600x64xf32, #tpu.memory_space<vmem_shared>> -> memref<120x64xf32, #tpu.memory_space<vmem_shared>>
        %dma_wait3A_108 = arith.constant 0 : i32
        %dma_wait3A_109 = arith.constant 0 : i32
        %dma_wait3A_110 = tpu.memref_slice %arg12[%dma_wait3A_108, %dma_wait3A_109] : memref<600x64xf32, #tpu.memory_space<vmem_shared>> -> memref<120x64xf32, #tpu.memory_space<vmem_shared>>
        %dma_wait3A_111 = arith.constant 0 : i32
        %dma_wait3A_112 = arith.constant 0 : i32
        %dma_wait3A_113 = tpu.memref_slice %arg18[%dma_wait3A_111, %dma_wait3A_112] : memref<128x64xf32, #tpu.memory_space<vmem>> -> memref<120x64xf32, #tpu.memory_space<vmem>>
        tpu.wait_dma2 semaphore(%run_scoped3A : memref<!tpu.dma_semaphore, #tpu.memory_space<semaphore_mem>>) src(%dma_wait3A_113 : memref<120x64xf32, #tpu.memory_space<vmem>>) dst(%dma_wait3A_110 : memref<120x64xf32, #tpu.memory_space<vmem_shared>>)
        tpu.yield
      }) : () -> ()
      %scan3A_66 = arith.constant 0 : i32
      %scan3A_67 = arith.constant 0 : i32
      %scan3A_68 = arith.constant 40 : i32
      %scan3A_69 = arith.addi %scan3A_67, %scan3A_68 : i32
      %scan3A_70 = arith.constant 1 : i32
      scf.for %scan3A_90 = %scan3A_67 to %scan3A_69 step %scan3A_70  : i32 {
        %add3A_91 = arith.constant 40 : i32
        %add3A_92 = arith.addi %add3A_91, %scan3A_90 : i32
        %get3A = arith.index_cast %add3A_92 : i32 to index
        %get3A_93 = arith.constant 0 : index
        %get3A_94 = tpu.vector_load %arg10[%get3A, %get3A_93] {strides = array<i32>} : memref<200x64xf32, #tpu.memory_space<vmem>>, vector<16xf32>,
        %get3A_95 = arith.constant 0 : i32
        %get3A_96 = arith.index_cast %get3A_95 : i32 to index
        %get3A_97 = arith.constant 0 : index
        %get3A_98 = tpu.vector_load %arg11[%get3A_96, %get3A_97] {strides = array<i32>} : memref<3x64xf32, #tpu.memory_space<vmem>>, vector<16xf32>,
        %add3A_99 = arith.addf %get3A_94, %get3A_98 : vector<16xf32>
        %mul3A_100 = arith.constant 3 : i32
        %mul3A_101 = arith.muli %scan3A_90, %mul3A_100 : i32
        %add3A_102 = arith.constant 0 : i32
        %add3A_103 = arith.addi %mul3A_101, %add3A_102 : i32
        %swap3A = arith.index_cast %add3A_103 : i32 to index
        %swap3A_104 = arith.constant 0 : index
        %swap3A_105 = tpu.vector_load %arg18[%swap3A, %swap3A_104] {strides = array<i32>} : memref<128x64xf32, #tpu.memory_space<vmem>>, vector<16xf32>,
        tpu.vector_store %arg18[%swap3A, %swap3A_104], %add3A_99 {strides = array<i32>} : memref<128x64xf32, #tpu.memory_space<vmem>>, vector<16xf32>,
        %get3A_106 = arith.index_cast %add3A_92 : i32 to index
        %get3A_107 = arith.constant 16 : index
        %get3A_108 = tpu.vector_load %arg10[%get3A_106, %get3A_107] {strides = array<i32>} : memref<200x64xf32, #tpu.memory_space<vmem>>, vector<16xf32>,
        %get3A_109 = arith.constant 0 : i32
        %get3A_110 = arith.index_cast %get3A_109 : i32 to index
        %get3A_111 = arith.constant 16 : index
        %get3A_112 = tpu.vector_load %arg11[%get3A_110, %get3A_111] {strides = array<i32>} : memref<3x64xf32, #tpu.memory_space<vmem>>, vector<16xf32>,
        %add3A_113 = arith.addf %get3A_108, %get3A_112 : vector<16xf32>
        %mul3A_114 = arith.constant 3 : i32
        %mul3A_115 = arith.muli %scan3A_90, %mul3A_114 : i32
        %add3A_116 = arith.constant 0 : i32
        %add3A_117 = arith.addi %mul3A_115, %add3A_116 : i32
        %swap3A_118 = arith.index_cast %add3A_117 : i32 to index
        %swap3A_119 = arith.constant 16 : index
        %swap3A_120 = tpu.vector_load %arg18[%swap3A_118, %swap3A_119] {strides = array<i32>} : memref<128x64xf32, #tpu.memory_space<vmem>>, vector<16xf32>,
        tpu.vector_store %arg18[%swap3A_118, %swap3A_119], %add3A_113 {strides = array<i32>} : memref<128x64xf32, #tpu.memory_space<vmem>>, vector<16xf32>,
        %get3A_121 = arith.index_cast %add3A_92 : i32 to index
        %get3A_122 = arith.constant 32 : index
        %get3A_123 = tpu.vector_load %arg10[%get3A_121, %get3A_122] {strides = array<i32>} : memref<200x64xf32, #tpu.memory_space<vmem>>, vector<16xf32>,
        %get3A_124 = arith.constant 0 : i32
        %get3A_125 = arith.index_cast %get3A_124 : i32 to index
        %get3A_126 = arith.constant 32 : index
        %get3A_127 = tpu.vector_load %arg11[%get3A_125, %get3A_126] {strides = array<i32>} : memref<3x64xf32, #tpu.memory_space<vmem>>, vector<16xf32>,
        %add3A_128 = arith.addf %get3A_123, %get3A_127 : vector<16xf32>
        %mul3A_129 = arith.constant 3 : i32
        %mul3A_130 = arith.muli %scan3A_90, %mul3A_129 : i32
        %add3A_131 = arith.constant 0 : i32
        %add3A_132 = arith.addi %mul3A_130, %add3A_131 : i32
        %swap3A_133 = arith.index_cast %add3A_132 : i32 to index
        %swap3A_134 = arith.constant 32 : index
        %swap3A_135 = tpu.vector_load %arg18[%swap3A_133, %swap3A_134] {strides = array<i32>} : memref<128x64xf32, #tpu.memory_space<vmem>>, vector<16xf32>,
        tpu.vector_store %arg18[%swap3A_133, %swap3A_134], %add3A_128 {strides = array<i32>} : memref<128x64xf32, #tpu.memory_space<vmem>>, vector<16xf32>,
        %get3A_136 = arith.index_cast %add3A_92 : i32 to index
        %get3A_137 = arith.constant 48 : index
        %get3A_138 = tpu.vector_load %arg10[%get3A_136, %get3A_137] {strides = array<i32>} : memref<200x64xf32, #tpu.memory_space<vmem>>, vector<16xf32>,
        %get3A_139 = arith.constant 0 : i32
        %get3A_140 = arith.index_cast %get3A_139 : i32 to index
        %get3A_141 = arith.constant 48 : index
        %get3A_142 = tpu.vector_load %arg11[%get3A_140, %get3A_141] {strides = array<i32>} : memref<3x64xf32, #tpu.memory_space<vmem>>, vector<16xf32>,
        %add3A_143 = arith.addf %get3A_138, %get3A_142 : vector<16xf32>
        %mul3A_144 = arith.constant 3 : i32
        %mul3A_145 = arith.muli %scan3A_90, %mul3A_144 : i32
        %add3A_146 = arith.constant 0 : i32
        %add3A_147 = arith.addi %mul3A_145, %add3A_146 : i32
        %swap3A_148 = arith.index_cast %add3A_147 : i32 to index
        %swap3A_149 = arith.constant 48 : index
        %swap3A_150 = tpu.vector_load %arg18[%swap3A_148, %swap3A_149] {strides = array<i32>} : memref<128x64xf32, #tpu.memory_space<vmem>>, vector<16xf32>,
        tpu.vector_store %arg18[%swap3A_148, %swap3A_149], %add3A_143 {strides = array<i32>} : memref<128x64xf32, #tpu.memory_space<vmem>>, vector<16xf32>,
        %get3A_151 = arith.index_cast %add3A_92 : i32 to index
        %get3A_152 = arith.constant 0 : index
        %get3A_153 = tpu.vector_load %arg10[%get3A_151, %get3A_152] {strides = array<i32>} : memref<200x64xf32, #tpu.memory_space<vmem>>, vector<16xf32>,
        %get3A_154 = arith.constant 1 : i32
        %get3A_155 = arith.index_cast %get3A_154 : i32 to index
        %get3A_156 = arith.constant 0 : index
        %get3A_157 = tpu.vector_load %arg11[%get3A_155, %get3A_156] {strides = array<i32>} : memref<3x64xf32, #tpu.memory_space<vmem>>, vector<16xf32>,
        %add3A_158 = arith.addf %get3A_153, %get3A_157 : vector<16xf32>
        %mul3A_159 = arith.constant 3 : i32
        %mul3A_160 = arith.muli %scan3A_90, %mul3A_159 : i32
        %add3A_161 = arith.constant 1 : i32
        %add3A_162 = arith.addi %mul3A_160, %add3A_161 : i32
        %swap3A_163 = arith.index_cast %add3A_162 : i32 to index
        %swap3A_164 = arith.constant 0 : index
        %swap3A_165 = tpu.vector_load %arg18[%swap3A_163, %swap3A_164] {strides = array<i32>} : memref<128x64xf32, #tpu.memory_space<vmem>>, vector<16xf32>,
        tpu.vector_store %arg18[%swap3A_163, %swap3A_164], %add3A_158 {strides = array<i32>} : memref<128x64xf32, #tpu.memory_space<vmem>>, vector<16xf32>,
        %get3A_166 = arith.index_cast %add3A_92 : i32 to index
        %get3A_167 = arith.constant 16 : index
        %get3A_168 = tpu.vector_load %arg10[%get3A_166, %get3A_167] {strides = array<i32>} : memref<200x64xf32, #tpu.memory_space<vmem>>, vector<16xf32>,
        %get3A_169 = arith.constant 1 : i32
        %get3A_170 = arith.index_cast %get3A_169 : i32 to index
        %get3A_171 = arith.constant 16 : index
        %get3A_172 = tpu.vector_load %arg11[%get3A_170, %get3A_171] {strides = array<i32>} : memref<3x64xf32, #tpu.memory_space<vmem>>, vector<16xf32>,
        %add3A_173 = arith.addf %get3A_168, %get3A_172 : vector<16xf32>
        %mul3A_174 = arith.constant 3 : i32
        %mul3A_175 = arith.muli %scan3A_90, %mul3A_174 : i32
        %add3A_176 = arith.constant 1 : i32
        %add3A_177 = arith.addi %mul3A_175, %add3A_176 : i32
        %swap3A_178 = arith.index_cast %add3A_177 : i32 to index
        %swap3A_179 = arith.constant 16 : index
        %swap3A_180 = tpu.vector_load %arg18[%swap3A_178, %swap3A_179] {strides = array<i32>} : memref<128x64xf32, #tpu.memory_space<vmem>>, vector<16xf32>,
        tpu.vector_store %arg18[%swap3A_178, %swap3A_179], %add3A_173 {strides = array<i32>} : memref<128x64xf32, #tpu.memory_space<vmem>>, vector<16xf32>,
        %get3A_181 = arith.index_cast %add3A_92 : i32 to index
        %get3A_182 = arith.constant 32 : index
        %get3A_183 = tpu.vector_load %arg10[%get3A_181, %get3A_182] {strides = array<i32>} : memref<200x64xf32, #tpu.memory_space<vmem>>, vector<16xf32>,
        %get3A_184 = arith.constant 1 : i32
        %get3A_185 = arith.index_cast %get3A_184 : i32 to index
        %get3A_186 = arith.constant 32 : index
        %get3A_187 = tpu.vector_load %arg11[%get3A_185, %get3A_186] {strides = array<i32>} : memref<3x64xf32, #tpu.memory_space<vmem>>, vector<16xf32>,
        %add3A_188 = arith.addf %get3A_183, %get3A_187 : vector<16xf32>
        %mul3A_189 = arith.constant 3 : i32
        %mul3A_190 = arith.muli %scan3A_90, %mul3A_189 : i32
        %add3A_191 = arith.constant 1 : i32
        %add3A_192 = arith.addi %mul3A_190, %add3A_191 : i32
        %swap3A_193 = arith.index_cast %add3A_192 : i32 to index
        %swap3A_194 = arith.constant 32 : index
        %swap3A_195 = tpu.vector_load %arg18[%swap3A_193, %swap3A_194] {strides = array<i32>} : memref<128x64xf32, #tpu.memory_space<vmem>>, vector<16xf32>,
        tpu.vector_store %arg18[%swap3A_193, %swap3A_194], %add3A_188 {strides = array<i32>} : memref<128x64xf32, #tpu.memory_space<vmem>>, vector<16xf32>,
        %get3A_196 = arith.index_cast %add3A_92 : i32 to index
        %get3A_197 = arith.constant 48 : index
        %get3A_198 = tpu.vector_load %arg10[%get3A_196, %get3A_197] {strides = array<i32>} : memref<200x64xf32, #tpu.memory_space<vmem>>, vector<16xf32>,
        %get3A_199 = arith.constant 1 : i32
        %get3A_200 = arith.index_cast %get3A_199 : i32 to index
        %get3A_201 = arith.constant 48 : index
        %get3A_202 = tpu.vector_load %arg11[%get3A_200, %get3A_201] {strides = array<i32>} : memref<3x64xf32, #tpu.memory_space<vmem>>, vector<16xf32>,
        %add3A_203 = arith.addf %get3A_198, %get3A_202 : vector<16xf32>
        %mul3A_204 = arith.constant 3 : i32
        %mul3A_205 = arith.muli %scan3A_90, %mul3A_204 : i32
        %add3A_206 = arith.constant 1 : i32
        %add3A_207 = arith.addi %mul3A_205, %add3A_206 : i32
        %swap3A_208 = arith.index_cast %add3A_207 : i32 to index
        %swap3A_209 = arith.constant 48 : index
        %swap3A_210 = tpu.vector_load %arg18[%swap3A_208, %swap3A_209] {strides = array<i32>} : memref<128x64xf32, #tpu.memory_space<vmem>>, vector<16xf32>,
        tpu.vector_store %arg18[%swap3A_208, %swap3A_209], %add3A_203 {strides = array<i32>} : memref<128x64xf32, #tpu.memory_space<vmem>>, vector<16xf32>,
        %get3A_211 = arith.index_cast %add3A_92 : i32 to index
        %get3A_212 = arith.constant 0 : index
        %get3A_213 = tpu.vector_load %arg10[%get3A_211, %get3A_212] {strides = array<i32>} : memref<200x64xf32, #tpu.memory_space<vmem>>, vector<16xf32>,
        %get3A_214 = arith.constant 2 : i32
        %get3A_215 = arith.index_cast %get3A_214 : i32 to index
        %get3A_216 = arith.constant 0 : index
        %get3A_217 = tpu.vector_load %arg11[%get3A_215, %get3A_216] {strides = array<i32>} : memref<3x64xf32, #tpu.memory_space<vmem>>, vector<16xf32>,
        %add3A_218 = arith.addf %get3A_213, %get3A_217 : vector<16xf32>
        %mul3A_219 = arith.constant 3 : i32
        %mul3A_220 = arith.muli %scan3A_90, %mul3A_219 : i32
        %add3A_221 = arith.constant 2 : i32
        %add3A_222 = arith.addi %mul3A_220, %add3A_221 : i32
        %swap3A_223 = arith.index_cast %add3A_222 : i32 to index
        %swap3A_224 = arith.constant 0 : index
        %swap3A_225 = tpu.vector_load %arg18[%swap3A_223, %swap3A_224] {strides = array<i32>} : memref<128x64xf32, #tpu.memory_space<vmem>>, vector<16xf32>,
        tpu.vector_store %arg18[%swap3A_223, %swap3A_224], %add3A_218 {strides = array<i32>} : memref<128x64xf32, #tpu.memory_space<vmem>>, vector<16xf32>,
        %get3A_226 = arith.index_cast %add3A_92 : i32 to index
        %get3A_227 = arith.constant 16 : index
        %get3A_228 = tpu.vector_load %arg10[%get3A_226, %get3A_227] {strides = array<i32>} : memref<200x64xf32, #tpu.memory_space<vmem>>, vector<16xf32>,
        %get3A_229 = arith.constant 2 : i32
        %get3A_230 = arith.index_cast %get3A_229 : i32 to index
        %get3A_231 = arith.constant 16 : index
        %get3A_232 = tpu.vector_load %arg11[%get3A_230, %get3A_231] {strides = array<i32>} : memref<3x64xf32, #tpu.memory_space<vmem>>, vector<16xf32>,
        %add3A_233 = arith.addf %get3A_228, %get3A_232 : vector<16xf32>
        %mul3A_234 = arith.constant 3 : i32
        %mul3A_235 = arith.muli %scan3A_90, %mul3A_234 : i32
        %add3A_236 = arith.constant 2 : i32
        %add3A_237 = arith.addi %mul3A_235, %add3A_236 : i32
        %swap3A_238 = arith.index_cast %add3A_237 : i32 to index
        %swap3A_239 = arith.constant 16 : index
        %swap3A_240 = tpu.vector_load %arg18[%swap3A_238, %swap3A_239] {strides = array<i32>} : memref<128x64xf32, #tpu.memory_space<vmem>>, vector<16xf32>,
        tpu.vector_store %arg18[%swap3A_238, %swap3A_239], %add3A_233 {strides = array<i32>} : memref<128x64xf32, #tpu.memory_space<vmem>>, vector<16xf32>,
        %get3A_241 = arith.index_cast %add3A_92 : i32 to index
        %get3A_242 = arith.constant 32 : index
        %get3A_243 = tpu.vector_load %arg10[%get3A_241, %get3A_242] {strides = array<i32>} : memref<200x64xf32, #tpu.memory_space<vmem>>, vector<16xf32>,
        %get3A_244 = arith.constant 2 : i32
        %get3A_245 = arith.index_cast %get3A_244 : i32 to index
        %get3A_246 = arith.constant 32 : index
        %get3A_247 = tpu.vector_load %arg11[%get3A_245, %get3A_246] {strides = array<i32>} : memref<3x64xf32, #tpu.memory_space<vmem>>, vector<16xf32>,
        %add3A_248 = arith.addf %get3A_243, %get3A_247 : vector<16xf32>
        %mul3A_249 = arith.constant 3 : i32
        %mul3A_250 = arith.muli %scan3A_90, %mul3A_249 : i32
        %add3A_251 = arith.constant 2 : i32
        %add3A_252 = arith.addi %mul3A_250, %add3A_251 : i32
        %swap3A_253 = arith.index_cast %add3A_252 : i32 to index
        %swap3A_254 = arith.constant 32 : index
        %swap3A_255 = tpu.vector_load %arg18[%swap3A_253, %swap3A_254] {strides = array<i32>} : memref<128x64xf32, #tpu.memory_space<vmem>>, vector<16xf32>,
        tpu.vector_store %arg18[%swap3A_253, %swap3A_254], %add3A_248 {strides = array<i32>} : memref<128x64xf32, #tpu.memory_space<vmem>>, vector<16xf32>,
        %get3A_256 = arith.index_cast %add3A_92 : i32 to index
        %get3A_257 = arith.constant 48 : index
        %get3A_258 = tpu.vector_load %arg10[%get3A_256, %get3A_257] {strides = array<i32>} : memref<200x64xf32, #tpu.memory_space<vmem>>, vector<16xf32>,
        %get3A_259 = arith.constant 2 : i32
        %get3A_260 = arith.index_cast %get3A_259 : i32 to index
        %get3A_261 = arith.constant 48 : index
        %get3A_262 = tpu.vector_load %arg11[%get3A_260, %get3A_261] {strides = array<i32>} : memref<3x64xf32, #tpu.memory_space<vmem>>, vector<16xf32>,
        %add3A_263 = arith.addf %get3A_258, %get3A_262 : vector<16xf32>
        %mul3A_264 = arith.constant 3 : i32
        %mul3A_265 = arith.muli %scan3A_90, %mul3A_264 : i32
        %add3A_266 = arith.constant 2 : i32
        %add3A_267 = arith.addi %mul3A_265, %add3A_266 : i32
        %swap3A_268 = arith.index_cast %add3A_267 : i32 to index
        %swap3A_269 = arith.constant 48 : index
        %swap3A_270 = tpu.vector_load %arg18[%swap3A_268, %swap3A_269] {strides = array<i32>} : memref<128x64xf32, #tpu.memory_space<vmem>>, vector<16xf32>,
        tpu.vector_store %arg18[%swap3A_268, %swap3A_269], %add3A_263 {strides = array<i32>} : memref<128x64xf32, #tpu.memory_space<vmem>>, vector<16xf32>,
      }
      %scan3A_71 = arith.constant 40 : i32
      "tpu.region"() ({
        %run_scoped3A = tpu.sem_alloc : memref<!tpu.dma_semaphore, #tpu.memory_space<semaphore_mem>>
        %dma_start3A_90 = arith.constant 0 : i32
        %dma_start3A_91 = arith.constant 0 : i32
        %dma_start3A_92 = tpu.memref_slice %arg18[%dma_start3A_90, %dma_start3A_91] : memref<128x64xf32, #tpu.memory_space<vmem>> -> memref<120x64xf32, #tpu.memory_space<vmem>>
        %dma_start3A_93 = arith.constant 120 : i32
        %dma_start3A_94 = arith.constant 0 : i32
        %dma_start3A_95 = tpu.memref_slice %arg12[%dma_start3A_93, %dma_start3A_94] : memref<600x64xf32, #tpu.memory_space<vmem_shared>> -> memref<120x64xf32, #tpu.memory_space<vmem_shared>>
        %dma_start3A_96 = arith.constant 120 : i32
        %dma_start3A_97 = arith.constant 0 : i32
        %dma_start3A_98 = tpu.memref_slice %arg12[%dma_start3A_96, %dma_start3A_97] : memref<600x64xf32, #tpu.memory_space<vmem_shared>> -> memref<120x64xf32, #tpu.memory_space<vmem_shared>>
        %dma_start3A_99 = arith.constant 0 : i32
        %dma_start3A_100 = arith.constant 0 : i32
        %dma_start3A_101 = tpu.memref_slice %arg18[%dma_start3A_99, %dma_start3A_100] : memref<128x64xf32, #tpu.memory_space<vmem>> -> memref<120x64xf32, #tpu.memory_space<vmem>>
        tpu.enqueue_dma source(%dma_start3A_101 : memref<120x64xf32, #tpu.memory_space<vmem>>) target(%dma_start3A_98 : memref<120x64xf32, #tpu.memory_space<vmem_shared>>) target_semaphore(%run_scoped3A : memref<!tpu.dma_semaphore, #tpu.memory_space<semaphore_mem>>)
        %dma_wait3A_102 = arith.constant 0 : i32
        %dma_wait3A_103 = arith.constant 0 : i32
        %dma_wait3A_104 = tpu.memref_slice %arg18[%dma_wait3A_102, %dma_wait3A_103] : memref<128x64xf32, #tpu.memory_space<vmem>> -> memref<120x64xf32, #tpu.memory_space<vmem>>
        %dma_wait3A_105 = arith.constant 120 : i32
        %dma_wait3A_106 = arith.constant 0 : i32
        %dma_wait3A_107 = tpu.memref_slice %arg12[%dma_wait3A_105, %dma_wait3A_106] : memref<600x64xf32, #tpu.memory_space<vmem_shared>> -> memref<120x64xf32, #tpu.memory_space<vmem_shared>>
        %dma_wait3A_108 = arith.constant 120 : i32
        %dma_wait3A_109 = arith.constant 0 : i32
        %dma_wait3A_110 = tpu.memref_slice %arg12[%dma_wait3A_108, %dma_wait3A_109] : memref<600x64xf32, #tpu.memory_space<vmem_shared>> -> memref<120x64xf32, #tpu.memory_space<vmem_shared>>
        %dma_wait3A_111 = arith.constant 0 : i32
        %dma_wait3A_112 = arith.constant 0 : i32
        %dma_wait3A_113 = tpu.memref_slice %arg18[%dma_wait3A_111, %dma_wait3A_112] : memref<128x64xf32, #tpu.memory_space<vmem>> -> memref<120x64xf32, #tpu.memory_space<vmem>>
        tpu.wait_dma2 semaphore(%run_scoped3A : memref<!tpu.dma_semaphore, #tpu.memory_space<semaphore_mem>>) src(%dma_wait3A_113 : memref<120x64xf32, #tpu.memory_space<vmem>>) dst(%dma_wait3A_110 : memref<120x64xf32, #tpu.memory_space<vmem_shared>>)
        tpu.yield
      }) : () -> ()
      %scan3A_72 = arith.constant 0 : i32
      %scan3A_73 = arith.constant 0 : i32
      %scan3A_74 = arith.constant 40 : i32
      %scan3A_75 = arith.addi %scan3A_73, %scan3A_74 : i32
      %scan3A_76 = arith.constant 1 : i32
      scf.for %scan3A_90 = %scan3A_73 to %scan3A_75 step %scan3A_76  : i32 {
        %add3A_91 = arith.constant 80 : i32
        %add3A_92 = arith.addi %add3A_91, %scan3A_90 : i32
        %get3A = arith.index_cast %add3A_92 : i32 to index
        %get3A_93 = arith.constant 0 : index
        %get3A_94 = tpu.vector_load %arg10[%get3A, %get3A_93] {strides = array<i32>} : memref<200x64xf32, #tpu.memory_space<vmem>>, vector<16xf32>,
        %get3A_95 = arith.constant 0 : i32
        %get3A_96 = arith.index_cast %get3A_95 : i32 to index
        %get3A_97 = arith.constant 0 : index
        %get3A_98 = tpu.vector_load %arg11[%get3A_96, %get3A_97] {strides = array<i32>} : memref<3x64xf32, #tpu.memory_space<vmem>>, vector<16xf32>,
        %add3A_99 = arith.addf %get3A_94, %get3A_98 : vector<16xf32>
        %mul3A_100 = arith.constant 3 : i32
        %mul3A_101 = arith.muli %scan3A_90, %mul3A_100 : i32
        %add3A_102 = arith.constant 0 : i32
        %add3A_103 = arith.addi %mul3A_101, %add3A_102 : i32
        %swap3A = arith.index_cast %add3A_103 : i32 to index
        %swap3A_104 = arith.constant 0 : index
        %swap3A_105 = tpu.vector_load %arg18[%swap3A, %swap3A_104] {strides = array<i32>} : memref<128x64xf32, #tpu.memory_space<vmem>>, vector<16xf32>,
        tpu.vector_store %arg18[%swap3A, %swap3A_104], %add3A_99 {strides = array<i32>} : memref<128x64xf32, #tpu.memory_space<vmem>>, vector<16xf32>,
        %get3A_106 = arith.index_cast %add3A_92 : i32 to index
        %get3A_107 = arith.constant 16 : index
        %get3A_108 = tpu.vector_load %arg10[%get3A_106, %get3A_107] {strides = array<i32>} : memref<200x64xf32, #tpu.memory_space<vmem>>, vector<16xf32>,
        %get3A_109 = arith.constant 0 : i32
        %get3A_110 = arith.index_cast %get3A_109 : i32 to index
        %get3A_111 = arith.constant 16 : index
        %get3A_112 = tpu.vector_load %arg11[%get3A_110, %get3A_111] {strides = array<i32>} : memref<3x64xf32, #tpu.memory_space<vmem>>, vector<16xf32>,
        %add3A_113 = arith.addf %get3A_108, %get3A_112 : vector<16xf32>
        %mul3A_114 = arith.constant 3 : i32
        %mul3A_115 = arith.muli %scan3A_90, %mul3A_114 : i32
        %add3A_116 = arith.constant 0 : i32
        %add3A_117 = arith.addi %mul3A_115, %add3A_116 : i32
        %swap3A_118 = arith.index_cast %add3A_117 : i32 to index
        %swap3A_119 = arith.constant 16 : index
        %swap3A_120 = tpu.vector_load %arg18[%swap3A_118, %swap3A_119] {strides = array<i32>} : memref<128x64xf32, #tpu.memory_space<vmem>>, vector<16xf32>,
        tpu.vector_store %arg18[%swap3A_118, %swap3A_119], %add3A_113 {strides = array<i32>} : memref<128x64xf32, #tpu.memory_space<vmem>>, vector<16xf32>,
        %get3A_121 = arith.index_cast %add3A_92 : i32 to index
        %get3A_122 = arith.constant 32 : index
        %get3A_123 = tpu.vector_load %arg10[%get3A_121, %get3A_122] {strides = array<i32>} : memref<200x64xf32, #tpu.memory_space<vmem>>, vector<16xf32>,
        %get3A_124 = arith.constant 0 : i32
        %get3A_125 = arith.index_cast %get3A_124 : i32 to index
        %get3A_126 = arith.constant 32 : index
        %get3A_127 = tpu.vector_load %arg11[%get3A_125, %get3A_126] {strides = array<i32>} : memref<3x64xf32, #tpu.memory_space<vmem>>, vector<16xf32>,
        %add3A_128 = arith.addf %get3A_123, %get3A_127 : vector<16xf32>
        %mul3A_129 = arith.constant 3 : i32
        %mul3A_130 = arith.muli %scan3A_90, %mul3A_129 : i32
        %add3A_131 = arith.constant 0 : i32
        %add3A_132 = arith.addi %mul3A_130, %add3A_131 : i32
        %swap3A_133 = arith.index_cast %add3A_132 : i32 to index
        %swap3A_134 = arith.constant 32 : index
        %swap3A_135 = tpu.vector_load %arg18[%swap3A_133, %swap3A_134] {strides = array<i32>} : memref<128x64xf32, #tpu.memory_space<vmem>>, vector<16xf32>,
        tpu.vector_store %arg18[%swap3A_133, %swap3A_134], %add3A_128 {strides = array<i32>} : memref<128x64xf32, #tpu.memory_space<vmem>>, vector<16xf32>,
        %get3A_136 = arith.index_cast %add3A_92 : i32 to index
        %get3A_137 = arith.constant 48 : index
        %get3A_138 = tpu.vector_load %arg10[%get3A_136, %get3A_137] {strides = array<i32>} : memref<200x64xf32, #tpu.memory_space<vmem>>, vector<16xf32>,
        %get3A_139 = arith.constant 0 : i32
        %get3A_140 = arith.index_cast %get3A_139 : i32 to index
        %get3A_141 = arith.constant 48 : index
        %get3A_142 = tpu.vector_load %arg11[%get3A_140, %get3A_141] {strides = array<i32>} : memref<3x64xf32, #tpu.memory_space<vmem>>, vector<16xf32>,
        %add3A_143 = arith.addf %get3A_138, %get3A_142 : vector<16xf32>
        %mul3A_144 = arith.constant 3 : i32
        %mul3A_145 = arith.muli %scan3A_90, %mul3A_144 : i32
        %add3A_146 = arith.constant 0 : i32
        %add3A_147 = arith.addi %mul3A_145, %add3A_146 : i32
        %swap3A_148 = arith.index_cast %add3A_147 : i32 to index
        %swap3A_149 = arith.constant 48 : index
        %swap3A_150 = tpu.vector_load %arg18[%swap3A_148, %swap3A_149] {strides = array<i32>} : memref<128x64xf32, #tpu.memory_space<vmem>>, vector<16xf32>,
        tpu.vector_store %arg18[%swap3A_148, %swap3A_149], %add3A_143 {strides = array<i32>} : memref<128x64xf32, #tpu.memory_space<vmem>>, vector<16xf32>,
        %get3A_151 = arith.index_cast %add3A_92 : i32 to index
        %get3A_152 = arith.constant 0 : index
        %get3A_153 = tpu.vector_load %arg10[%get3A_151, %get3A_152] {strides = array<i32>} : memref<200x64xf32, #tpu.memory_space<vmem>>, vector<16xf32>,
        %get3A_154 = arith.constant 1 : i32
        %get3A_155 = arith.index_cast %get3A_154 : i32 to index
        %get3A_156 = arith.constant 0 : index
        %get3A_157 = tpu.vector_load %arg11[%get3A_155, %get3A_156] {strides = array<i32>} : memref<3x64xf32, #tpu.memory_space<vmem>>, vector<16xf32>,
        %add3A_158 = arith.addf %get3A_153, %get3A_157 : vector<16xf32>
        %mul3A_159 = arith.constant 3 : i32
        %mul3A_160 = arith.muli %scan3A_90, %mul3A_159 : i32
        %add3A_161 = arith.constant 1 : i32
        %add3A_162 = arith.addi %mul3A_160, %add3A_161 : i32
        %swap3A_163 = arith.index_cast %add3A_162 : i32 to index
        %swap3A_164 = arith.constant 0 : index
        %swap3A_165 = tpu.vector_load %arg18[%swap3A_163, %swap3A_164] {strides = array<i32>} : memref<128x64xf32, #tpu.memory_space<vmem>>, vector<16xf32>,
        tpu.vector_store %arg18[%swap3A_163, %swap3A_164], %add3A_158 {strides = array<i32>} : memref<128x64xf32, #tpu.memory_space<vmem>>, vector<16xf32>,
        %get3A_166 = arith.index_cast %add3A_92 : i32 to index
        %get3A_167 = arith.constant 16 : index
        %get3A_168 = tpu.vector_load %arg10[%get3A_166, %get3A_167] {strides = array<i32>} : memref<200x64xf32, #tpu.memory_space<vmem>>, vector<16xf32>,
        %get3A_169 = arith.constant 1 : i32
        %get3A_170 = arith.index_cast %get3A_169 : i32 to index
        %get3A_171 = arith.constant 16 : index
        %get3A_172 = tpu.vector_load %arg11[%get3A_170, %get3A_171] {strides = array<i32>} : memref<3x64xf32, #tpu.memory_space<vmem>>, vector<16xf32>,
        %add3A_173 = arith.addf %get3A_168, %get3A_172 : vector<16xf32>
        %mul3A_174 = arith.constant 3 : i32
        %mul3A_175 = arith.muli %scan3A_90, %mul3A_174 : i32
        %add3A_176 = arith.constant 1 : i32
        %add3A_177 = arith.addi %mul3A_175, %add3A_176 : i32
        %swap3A_178 = arith.index_cast %add3A_177 : i32 to index
        %swap3A_179 = arith.constant 16 : index
        %swap3A_180 = tpu.vector_load %arg18[%swap3A_178, %swap3A_179] {strides = array<i32>} : memref<128x64xf32, #tpu.memory_space<vmem>>, vector<16xf32>,
        tpu.vector_store %arg18[%swap3A_178, %swap3A_179], %add3A_173 {strides = array<i32>} : memref<128x64xf32, #tpu.memory_space<vmem>>, vector<16xf32>,
        %get3A_181 = arith.index_cast %add3A_92 : i32 to index
        %get3A_182 = arith.constant 32 : index
        %get3A_183 = tpu.vector_load %arg10[%get3A_181, %get3A_182] {strides = array<i32>} : memref<200x64xf32, #tpu.memory_space<vmem>>, vector<16xf32>,
        %get3A_184 = arith.constant 1 : i32
        %get3A_185 = arith.index_cast %get3A_184 : i32 to index
        %get3A_186 = arith.constant 32 : index
        %get3A_187 = tpu.vector_load %arg11[%get3A_185, %get3A_186] {strides = array<i32>} : memref<3x64xf32, #tpu.memory_space<vmem>>, vector<16xf32>,
        %add3A_188 = arith.addf %get3A_183, %get3A_187 : vector<16xf32>
        %mul3A_189 = arith.constant 3 : i32
        %mul3A_190 = arith.muli %scan3A_90, %mul3A_189 : i32
        %add3A_191 = arith.constant 1 : i32
        %add3A_192 = arith.addi %mul3A_190, %add3A_191 : i32
        %swap3A_193 = arith.index_cast %add3A_192 : i32 to index
        %swap3A_194 = arith.constant 32 : index
        %swap3A_195 = tpu.vector_load %arg18[%swap3A_193, %swap3A_194] {strides = array<i32>} : memref<128x64xf32, #tpu.memory_space<vmem>>, vector<16xf32>,
        tpu.vector_store %arg18[%swap3A_193, %swap3A_194], %add3A_188 {strides = array<i32>} : memref<128x64xf32, #tpu.memory_space<vmem>>, vector<16xf32>,
        %get3A_196 = arith.index_cast %add3A_92 : i32 to index
        %get3A_197 = arith.constant 48 : index
        %get3A_198 = tpu.vector_load %arg10[%get3A_196, %get3A_197] {strides = array<i32>} : memref<200x64xf32, #tpu.memory_space<vmem>>, vector<16xf32>,
        %get3A_199 = arith.constant 1 : i32
        %get3A_200 = arith.index_cast %get3A_199 : i32 to index
        %get3A_201 = arith.constant 48 : index
        %get3A_202 = tpu.vector_load %arg11[%get3A_200, %get3A_201] {strides = array<i32>} : memref<3x64xf32, #tpu.memory_space<vmem>>, vector<16xf32>,
        %add3A_203 = arith.addf %get3A_198, %get3A_202 : vector<16xf32>
        %mul3A_204 = arith.constant 3 : i32
        %mul3A_205 = arith.muli %scan3A_90, %mul3A_204 : i32
        %add3A_206 = arith.constant 1 : i32
        %add3A_207 = arith.addi %mul3A_205, %add3A_206 : i32
        %swap3A_208 = arith.index_cast %add3A_207 : i32 to index
        %swap3A_209 = arith.constant 48 : index
        %swap3A_210 = tpu.vector_load %arg18[%swap3A_208, %swap3A_209] {strides = array<i32>} : memref<128x64xf32, #tpu.memory_space<vmem>>, vector<16xf32>,
        tpu.vector_store %arg18[%swap3A_208, %swap3A_209], %add3A_203 {strides = array<i32>} : memref<128x64xf32, #tpu.memory_space<vmem>>, vector<16xf32>,
        %get3A_211 = arith.index_cast %add3A_92 : i32 to index
        %get3A_212 = arith.constant 0 : index
        %get3A_213 = tpu.vector_load %arg10[%get3A_211, %get3A_212] {strides = array<i32>} : memref<200x64xf32, #tpu.memory_space<vmem>>, vector<16xf32>,
        %get3A_214 = arith.constant 2 : i32
        %get3A_215 = arith.index_cast %get3A_214 : i32 to index
        %get3A_216 = arith.constant 0 : index
        %get3A_217 = tpu.vector_load %arg11[%get3A_215, %get3A_216] {strides = array<i32>} : memref<3x64xf32, #tpu.memory_space<vmem>>, vector<16xf32>,
        %add3A_218 = arith.addf %get3A_213, %get3A_217 : vector<16xf32>
        %mul3A_219 = arith.constant 3 : i32
        %mul3A_220 = arith.muli %scan3A_90, %mul3A_219 : i32
        %add3A_221 = arith.constant 2 : i32
        %add3A_222 = arith.addi %mul3A_220, %add3A_221 : i32
        %swap3A_223 = arith.index_cast %add3A_222 : i32 to index
        %swap3A_224 = arith.constant 0 : index
        %swap3A_225 = tpu.vector_load %arg18[%swap3A_223, %swap3A_224] {strides = array<i32>} : memref<128x64xf32, #tpu.memory_space<vmem>>, vector<16xf32>,
        tpu.vector_store %arg18[%swap3A_223, %swap3A_224], %add3A_218 {strides = array<i32>} : memref<128x64xf32, #tpu.memory_space<vmem>>, vector<16xf32>,
        %get3A_226 = arith.index_cast %add3A_92 : i32 to index
        %get3A_227 = arith.constant 16 : index
        %get3A_228 = tpu.vector_load %arg10[%get3A_226, %get3A_227] {strides = array<i32>} : memref<200x64xf32, #tpu.memory_space<vmem>>, vector<16xf32>,
        %get3A_229 = arith.constant 2 : i32
        %get3A_230 = arith.index_cast %get3A_229 : i32 to index
        %get3A_231 = arith.constant 16 : index
        %get3A_232 = tpu.vector_load %arg11[%get3A_230, %get3A_231] {strides = array<i32>} : memref<3x64xf32, #tpu.memory_space<vmem>>, vector<16xf32>,
        %add3A_233 = arith.addf %get3A_228, %get3A_232 : vector<16xf32>
        %mul3A_234 = arith.constant 3 : i32
        %mul3A_235 = arith.muli %scan3A_90, %mul3A_234 : i32
        %add3A_236 = arith.constant 2 : i32
        %add3A_237 = arith.addi %mul3A_235, %add3A_236 : i32
        %swap3A_238 = arith.index_cast %add3A_237 : i32 to index
        %swap3A_239 = arith.constant 16 : index
        %swap3A_240 = tpu.vector_load %arg18[%swap3A_238, %swap3A_239] {strides = array<i32>} : memref<128x64xf32, #tpu.memory_space<vmem>>, vector<16xf32>,
        tpu.vector_store %arg18[%swap3A_238, %swap3A_239], %add3A_233 {strides = array<i32>} : memref<128x64xf32, #tpu.memory_space<vmem>>, vector<16xf32>,
        %get3A_241 = arith.index_cast %add3A_92 : i32 to index
        %get3A_242 = arith.constant 32 : index
        %get3A_243 = tpu.vector_load %arg10[%get3A_241, %get3A_242] {strides = array<i32>} : memref<200x64xf32, #tpu.memory_space<vmem>>, vector<16xf32>,
        %get3A_244 = arith.constant 2 : i32
        %get3A_245 = arith.index_cast %get3A_244 : i32 to index
        %get3A_246 = arith.constant 32 : index
        %get3A_247 = tpu.vector_load %arg11[%get3A_245, %get3A_246] {strides = array<i32>} : memref<3x64xf32, #tpu.memory_space<vmem>>, vector<16xf32>,
        %add3A_248 = arith.addf %get3A_243, %get3A_247 : vector<16xf32>
        %mul3A_249 = arith.constant 3 : i32
        %mul3A_250 = arith.muli %scan3A_90, %mul3A_249 : i32
        %add3A_251 = arith.constant 2 : i32
        %add3A_252 = arith.addi %mul3A_250, %add3A_251 : i32
        %swap3A_253 = arith.index_cast %add3A_252 : i32 to index
        %swap3A_254 = arith.constant 32 : index
        %swap3A_255 = tpu.vector_load %arg18[%swap3A_253, %swap3A_254] {strides = array<i32>} : memref<128x64xf32, #tpu.memory_space<vmem>>, vector<16xf32>,
        tpu.vector_store %arg18[%swap3A_253, %swap3A_254], %add3A_248 {strides = array<i32>} : memref<128x64xf32, #tpu.memory_space<vmem>>, vector<16xf32>,
        %get3A_256 = arith.index_cast %add3A_92 : i32 to index
        %get3A_257 = arith.constant 48 : index
        %get3A_258 = tpu.vector_load %arg10[%get3A_256, %get3A_257] {strides = array<i32>} : memref<200x64xf32, #tpu.memory_space<vmem>>, vector<16xf32>,
        %get3A_259 = arith.constant 2 : i32
        %get3A_260 = arith.index_cast %get3A_259 : i32 to index
        %get3A_261 = arith.constant 48 : index
        %get3A_262 = tpu.vector_load %arg11[%get3A_260, %get3A_261] {strides = array<i32>} : memref<3x64xf32, #tpu.memory_space<vmem>>, vector<16xf32>,
        %add3A_263 = arith.addf %get3A_258, %get3A_262 : vector<16xf32>
        %mul3A_264 = arith.constant 3 : i32
        %mul3A_265 = arith.muli %scan3A_90, %mul3A_264 : i32
        %add3A_266 = arith.constant 2 : i32
        %add3A_267 = arith.addi %mul3A_265, %add3A_266 : i32
        %swap3A_268 = arith.index_cast %add3A_267 : i32 to index
        %swap3A_269 = arith.constant 48 : index
        %swap3A_270 = tpu.vector_load %arg18[%swap3A_268, %swap3A_269] {strides = array<i32>} : memref<128x64xf32, #tpu.memory_space<vmem>>, vector<16xf32>,
        tpu.vector_store %arg18[%swap3A_268, %swap3A_269], %add3A_263 {strides = array<i32>} : memref<128x64xf32, #tpu.memory_space<vmem>>, vector<16xf32>,
      }
      %scan3A_77 = arith.constant 40 : i32
      "tpu.region"() ({
        %run_scoped3A = tpu.sem_alloc : memref<!tpu.dma_semaphore, #tpu.memory_space<semaphore_mem>>
        %dma_start3A_90 = arith.constant 0 : i32
        %dma_start3A_91 = arith.constant 0 : i32
        %dma_start3A_92 = tpu.memref_slice %arg18[%dma_start3A_90, %dma_start3A_91] : memref<128x64xf32, #tpu.memory_space<vmem>> -> memref<120x64xf32, #tpu.memory_space<vmem>>
        %dma_start3A_93 = arith.constant 240 : i32
        %dma_start3A_94 = arith.constant 0 : i32
        %dma_start3A_95 = tpu.memref_slice %arg12[%dma_start3A_93, %dma_start3A_94] : memref<600x64xf32, #tpu.memory_space<vmem_shared>> -> memref<120x64xf32, #tpu.memory_space<vmem_shared>>
        %dma_start3A_96 = arith.constant 240 : i32
        %dma_start3A_97 = arith.constant 0 : i32
        %dma_start3A_98 = tpu.memref_slice %arg12[%dma_start3A_96, %dma_start3A_97] : memref<600x64xf32, #tpu.memory_space<vmem_shared>> -> memref<120x64xf32, #tpu.memory_space<vmem_shared>>
        %dma_start3A_99 = arith.constant 0 : i32
        %dma_start3A_100 = arith.constant 0 : i32
        %dma_start3A_101 = tpu.memref_slice %arg18[%dma_start3A_99, %dma_start3A_100] : memref<128x64xf32, #tpu.memory_space<vmem>> -> memref<120x64xf32, #tpu.memory_space<vmem>>
        tpu.enqueue_dma source(%dma_start3A_101 : memref<120x64xf32, #tpu.memory_space<vmem>>) target(%dma_start3A_98 : memref<120x64xf32, #tpu.memory_space<vmem_shared>>) target_semaphore(%run_scoped3A : memref<!tpu.dma_semaphore, #tpu.memory_space<semaphore_mem>>)
        %dma_wait3A_102 = arith.constant 0 : i32
        %dma_wait3A_103 = arith.constant 0 : i32
        %dma_wait3A_104 = tpu.memref_slice %arg18[%dma_wait3A_102, %dma_wait3A_103] : memref<128x64xf32, #tpu.memory_space<vmem>> -> memref<120x64xf32, #tpu.memory_space<vmem>>
        %dma_wait3A_105 = arith.constant 240 : i32
        %dma_wait3A_106 = arith.constant 0 : i32
        %dma_wait3A_107 = tpu.memref_slice %arg12[%dma_wait3A_105, %dma_wait3A_106] : memref<600x64xf32, #tpu.memory_space<vmem_shared>> -> memref<120x64xf32, #tpu.memory_space<vmem_shared>>
        %dma_wait3A_108 = arith.constant 240 : i32
        %dma_wait3A_109 = arith.constant 0 : i32
        %dma_wait3A_110 = tpu.memref_slice %arg12[%dma_wait3A_108, %dma_wait3A_109] : memref<600x64xf32, #tpu.memory_space<vmem_shared>> -> memref<120x64xf32, #tpu.memory_space<vmem_shared>>
        %dma_wait3A_111 = arith.constant 0 : i32
        %dma_wait3A_112 = arith.constant 0 : i32
        %dma_wait3A_113 = tpu.memref_slice %arg18[%dma_wait3A_111, %dma_wait3A_112] : memref<128x64xf32, #tpu.memory_space<vmem>> -> memref<120x64xf32, #tpu.memory_space<vmem>>
        tpu.wait_dma2 semaphore(%run_scoped3A : memref<!tpu.dma_semaphore, #tpu.memory_space<semaphore_mem>>) src(%dma_wait3A_113 : memref<120x64xf32, #tpu.memory_space<vmem>>) dst(%dma_wait3A_110 : memref<120x64xf32, #tpu.memory_space<vmem_shared>>)
        tpu.yield
      }) : () -> ()
      %scan3A_78 = arith.constant 0 : i32
      %scan3A_79 = arith.constant 0 : i32
      %scan3A_80 = arith.constant 40 : i32
      %scan3A_81 = arith.addi %scan3A_79, %scan3A_80 : i32
      %scan3A_82 = arith.constant 1 : i32
      scf.for %scan3A_90 = %scan3A_79 to %scan3A_81 step %scan3A_82  : i32 {
        %add3A_91 = arith.constant 120 : i32
        %add3A_92 = arith.addi %add3A_91, %scan3A_90 : i32
        %get3A = arith.index_cast %add3A_92 : i32 to index
        %get3A_93 = arith.constant 0 : index
        %get3A_94 = tpu.vector_load %arg10[%get3A, %get3A_93] {strides = array<i32>} : memref<200x64xf32, #tpu.memory_space<vmem>>, vector<16xf32>,
        %get3A_95 = arith.constant 0 : i32
        %get3A_96 = arith.index_cast %get3A_95 : i32 to index
        %get3A_97 = arith.constant 0 : index
        %get3A_98 = tpu.vector_load %arg11[%get3A_96, %get3A_97] {strides = array<i32>} : memref<3x64xf32, #tpu.memory_space<vmem>>, vector<16xf32>,
        %add3A_99 = arith.addf %get3A_94, %get3A_98 : vector<16xf32>
        %mul3A_100 = arith.constant 3 : i32
        %mul3A_101 = arith.muli %scan3A_90, %mul3A_100 : i32
        %add3A_102 = arith.constant 0 : i32
        %add3A_103 = arith.addi %mul3A_101, %add3A_102 : i32
        %swap3A = arith.index_cast %add3A_103 : i32 to index
        %swap3A_104 = arith.constant 0 : index
        %swap3A_105 = tpu.vector_load %arg18[%swap3A, %swap3A_104] {strides = array<i32>} : memref<128x64xf32, #tpu.memory_space<vmem>>, vector<16xf32>,
        tpu.vector_store %arg18[%swap3A, %swap3A_104], %add3A_99 {strides = array<i32>} : memref<128x64xf32, #tpu.memory_space<vmem>>, vector<16xf32>,
        %get3A_106 = arith.index_cast %add3A_92 : i32 to index
        %get3A_107 = arith.constant 16 : index
        %get3A_108 = tpu.vector_load %arg10[%get3A_106, %get3A_107] {strides = array<i32>} : memref<200x64xf32, #tpu.memory_space<vmem>>, vector<16xf32>,
        %get3A_109 = arith.constant 0 : i32
        %get3A_110 = arith.index_cast %get3A_109 : i32 to index
        %get3A_111 = arith.constant 16 : index
        %get3A_112 = tpu.vector_load %arg11[%get3A_110, %get3A_111] {strides = array<i32>} : memref<3x64xf32, #tpu.memory_space<vmem>>, vector<16xf32>,
        %add3A_113 = arith.addf %get3A_108, %get3A_112 : vector<16xf32>
        %mul3A_114 = arith.constant 3 : i32
        %mul3A_115 = arith.muli %scan3A_90, %mul3A_114 : i32
        %add3A_116 = arith.constant 0 : i32
        %add3A_117 = arith.addi %mul3A_115, %add3A_116 : i32
        %swap3A_118 = arith.index_cast %add3A_117 : i32 to index
        %swap3A_119 = arith.constant 16 : index
        %swap3A_120 = tpu.vector_load %arg18[%swap3A_118, %swap3A_119] {strides = array<i32>} : memref<128x64xf32, #tpu.memory_space<vmem>>, vector<16xf32>,
        tpu.vector_store %arg18[%swap3A_118, %swap3A_119], %add3A_113 {strides = array<i32>} : memref<128x64xf32, #tpu.memory_space<vmem>>, vector<16xf32>,
        %get3A_121 = arith.index_cast %add3A_92 : i32 to index
        %get3A_122 = arith.constant 32 : index
        %get3A_123 = tpu.vector_load %arg10[%get3A_121, %get3A_122] {strides = array<i32>} : memref<200x64xf32, #tpu.memory_space<vmem>>, vector<16xf32>,
        %get3A_124 = arith.constant 0 : i32
        %get3A_125 = arith.index_cast %get3A_124 : i32 to index
        %get3A_126 = arith.constant 32 : index
        %get3A_127 = tpu.vector_load %arg11[%get3A_125, %get3A_126] {strides = array<i32>} : memref<3x64xf32, #tpu.memory_space<vmem>>, vector<16xf32>,
        %add3A_128 = arith.addf %get3A_123, %get3A_127 : vector<16xf32>
        %mul3A_129 = arith.constant 3 : i32
        %mul3A_130 = arith.muli %scan3A_90, %mul3A_129 : i32
        %add3A_131 = arith.constant 0 : i32
        %add3A_132 = arith.addi %mul3A_130, %add3A_131 : i32
        %swap3A_133 = arith.index_cast %add3A_132 : i32 to index
        %swap3A_134 = arith.constant 32 : index
        %swap3A_135 = tpu.vector_load %arg18[%swap3A_133, %swap3A_134] {strides = array<i32>} : memref<128x64xf32, #tpu.memory_space<vmem>>, vector<16xf32>,
        tpu.vector_store %arg18[%swap3A_133, %swap3A_134], %add3A_128 {strides = array<i32>} : memref<128x64xf32, #tpu.memory_space<vmem>>, vector<16xf32>,
        %get3A_136 = arith.index_cast %add3A_92 : i32 to index
        %get3A_137 = arith.constant 48 : index
        %get3A_138 = tpu.vector_load %arg10[%get3A_136, %get3A_137] {strides = array<i32>} : memref<200x64xf32, #tpu.memory_space<vmem>>, vector<16xf32>,
        %get3A_139 = arith.constant 0 : i32
        %get3A_140 = arith.index_cast %get3A_139 : i32 to index
        %get3A_141 = arith.constant 48 : index
        %get3A_142 = tpu.vector_load %arg11[%get3A_140, %get3A_141] {strides = array<i32>} : memref<3x64xf32, #tpu.memory_space<vmem>>, vector<16xf32>,
        %add3A_143 = arith.addf %get3A_138, %get3A_142 : vector<16xf32>
        %mul3A_144 = arith.constant 3 : i32
        %mul3A_145 = arith.muli %scan3A_90, %mul3A_144 : i32
        %add3A_146 = arith.constant 0 : i32
        %add3A_147 = arith.addi %mul3A_145, %add3A_146 : i32
        %swap3A_148 = arith.index_cast %add3A_147 : i32 to index
        %swap3A_149 = arith.constant 48 : index
        %swap3A_150 = tpu.vector_load %arg18[%swap3A_148, %swap3A_149] {strides = array<i32>} : memref<128x64xf32, #tpu.memory_space<vmem>>, vector<16xf32>,
        tpu.vector_store %arg18[%swap3A_148, %swap3A_149], %add3A_143 {strides = array<i32>} : memref<128x64xf32, #tpu.memory_space<vmem>>, vector<16xf32>,
        %get3A_151 = arith.index_cast %add3A_92 : i32 to index
        %get3A_152 = arith.constant 0 : index
        %get3A_153 = tpu.vector_load %arg10[%get3A_151, %get3A_152] {strides = array<i32>} : memref<200x64xf32, #tpu.memory_space<vmem>>, vector<16xf32>,
        %get3A_154 = arith.constant 1 : i32
        %get3A_155 = arith.index_cast %get3A_154 : i32 to index
        %get3A_156 = arith.constant 0 : index
        %get3A_157 = tpu.vector_load %arg11[%get3A_155, %get3A_156] {strides = array<i32>} : memref<3x64xf32, #tpu.memory_space<vmem>>, vector<16xf32>,
        %add3A_158 = arith.addf %get3A_153, %get3A_157 : vector<16xf32>
        %mul3A_159 = arith.constant 3 : i32
        %mul3A_160 = arith.muli %scan3A_90, %mul3A_159 : i32
        %add3A_161 = arith.constant 1 : i32
        %add3A_162 = arith.addi %mul3A_160, %add3A_161 : i32
        %swap3A_163 = arith.index_cast %add3A_162 : i32 to index
        %swap3A_164 = arith.constant 0 : index
        %swap3A_165 = tpu.vector_load %arg18[%swap3A_163, %swap3A_164] {strides = array<i32>} : memref<128x64xf32, #tpu.memory_space<vmem>>, vector<16xf32>,
        tpu.vector_store %arg18[%swap3A_163, %swap3A_164], %add3A_158 {strides = array<i32>} : memref<128x64xf32, #tpu.memory_space<vmem>>, vector<16xf32>,
        %get3A_166 = arith.index_cast %add3A_92 : i32 to index
        %get3A_167 = arith.constant 16 : index
        %get3A_168 = tpu.vector_load %arg10[%get3A_166, %get3A_167] {strides = array<i32>} : memref<200x64xf32, #tpu.memory_space<vmem>>, vector<16xf32>,
        %get3A_169 = arith.constant 1 : i32
        %get3A_170 = arith.index_cast %get3A_169 : i32 to index
        %get3A_171 = arith.constant 16 : index
        %get3A_172 = tpu.vector_load %arg11[%get3A_170, %get3A_171] {strides = array<i32>} : memref<3x64xf32, #tpu.memory_space<vmem>>, vector<16xf32>,
        %add3A_173 = arith.addf %get3A_168, %get3A_172 : vector<16xf32>
        %mul3A_174 = arith.constant 3 : i32
        %mul3A_175 = arith.muli %scan3A_90, %mul3A_174 : i32
        %add3A_176 = arith.constant 1 : i32
        %add3A_177 = arith.addi %mul3A_175, %add3A_176 : i32
        %swap3A_178 = arith.index_cast %add3A_177 : i32 to index
        %swap3A_179 = arith.constant 16 : index
        %swap3A_180 = tpu.vector_load %arg18[%swap3A_178, %swap3A_179] {strides = array<i32>} : memref<128x64xf32, #tpu.memory_space<vmem>>, vector<16xf32>,
        tpu.vector_store %arg18[%swap3A_178, %swap3A_179], %add3A_173 {strides = array<i32>} : memref<128x64xf32, #tpu.memory_space<vmem>>, vector<16xf32>,
        %get3A_181 = arith.index_cast %add3A_92 : i32 to index
        %get3A_182 = arith.constant 32 : index
        %get3A_183 = tpu.vector_load %arg10[%get3A_181, %get3A_182] {strides = array<i32>} : memref<200x64xf32, #tpu.memory_space<vmem>>, vector<16xf32>,
        %get3A_184 = arith.constant 1 : i32
        %get3A_185 = arith.index_cast %get3A_184 : i32 to index
        %get3A_186 = arith.constant 32 : index
        %get3A_187 = tpu.vector_load %arg11[%get3A_185, %get3A_186] {strides = array<i32>} : memref<3x64xf32, #tpu.memory_space<vmem>>, vector<16xf32>,
        %add3A_188 = arith.addf %get3A_183, %get3A_187 : vector<16xf32>
        %mul3A_189 = arith.constant 3 : i32
        %mul3A_190 = arith.muli %scan3A_90, %mul3A_189 : i32
        %add3A_191 = arith.constant 1 : i32
        %add3A_192 = arith.addi %mul3A_190, %add3A_191 : i32
        %swap3A_193 = arith.index_cast %add3A_192 : i32 to index
        %swap3A_194 = arith.constant 32 : index
        %swap3A_195 = tpu.vector_load %arg18[%swap3A_193, %swap3A_194] {strides = array<i32>} : memref<128x64xf32, #tpu.memory_space<vmem>>, vector<16xf32>,
        tpu.vector_store %arg18[%swap3A_193, %swap3A_194], %add3A_188 {strides = array<i32>} : memref<128x64xf32, #tpu.memory_space<vmem>>, vector<16xf32>,
        %get3A_196 = arith.index_cast %add3A_92 : i32 to index
        %get3A_197 = arith.constant 48 : index
        %get3A_198 = tpu.vector_load %arg10[%get3A_196, %get3A_197] {strides = array<i32>} : memref<200x64xf32, #tpu.memory_space<vmem>>, vector<16xf32>,
        %get3A_199 = arith.constant 1 : i32
        %get3A_200 = arith.index_cast %get3A_199 : i32 to index
        %get3A_201 = arith.constant 48 : index
        %get3A_202 = tpu.vector_load %arg11[%get3A_200, %get3A_201] {strides = array<i32>} : memref<3x64xf32, #tpu.memory_space<vmem>>, vector<16xf32>,
        %add3A_203 = arith.addf %get3A_198, %get3A_202 : vector<16xf32>
        %mul3A_204 = arith.constant 3 : i32
        %mul3A_205 = arith.muli %scan3A_90, %mul3A_204 : i32
        %add3A_206 = arith.constant 1 : i32
        %add3A_207 = arith.addi %mul3A_205, %add3A_206 : i32
        %swap3A_208 = arith.index_cast %add3A_207 : i32 to index
        %swap3A_209 = arith.constant 48 : index
        %swap3A_210 = tpu.vector_load %arg18[%swap3A_208, %swap3A_209] {strides = array<i32>} : memref<128x64xf32, #tpu.memory_space<vmem>>, vector<16xf32>,
        tpu.vector_store %arg18[%swap3A_208, %swap3A_209], %add3A_203 {strides = array<i32>} : memref<128x64xf32, #tpu.memory_space<vmem>>, vector<16xf32>,
        %get3A_211 = arith.index_cast %add3A_92 : i32 to index
        %get3A_212 = arith.constant 0 : index
        %get3A_213 = tpu.vector_load %arg10[%get3A_211, %get3A_212] {strides = array<i32>} : memref<200x64xf32, #tpu.memory_space<vmem>>, vector<16xf32>,
        %get3A_214 = arith.constant 2 : i32
        %get3A_215 = arith.index_cast %get3A_214 : i32 to index
        %get3A_216 = arith.constant 0 : index
        %get3A_217 = tpu.vector_load %arg11[%get3A_215, %get3A_216] {strides = array<i32>} : memref<3x64xf32, #tpu.memory_space<vmem>>, vector<16xf32>,
        %add3A_218 = arith.addf %get3A_213, %get3A_217 : vector<16xf32>
        %mul3A_219 = arith.constant 3 : i32
        %mul3A_220 = arith.muli %scan3A_90, %mul3A_219 : i32
        %add3A_221 = arith.constant 2 : i32
        %add3A_222 = arith.addi %mul3A_220, %add3A_221 : i32
        %swap3A_223 = arith.index_cast %add3A_222 : i32 to index
        %swap3A_224 = arith.constant 0 : index
        %swap3A_225 = tpu.vector_load %arg18[%swap3A_223, %swap3A_224] {strides = array<i32>} : memref<128x64xf32, #tpu.memory_space<vmem>>, vector<16xf32>,
        tpu.vector_store %arg18[%swap3A_223, %swap3A_224], %add3A_218 {strides = array<i32>} : memref<128x64xf32, #tpu.memory_space<vmem>>, vector<16xf32>,
        %get3A_226 = arith.index_cast %add3A_92 : i32 to index
        %get3A_227 = arith.constant 16 : index
        %get3A_228 = tpu.vector_load %arg10[%get3A_226, %get3A_227] {strides = array<i32>} : memref<200x64xf32, #tpu.memory_space<vmem>>, vector<16xf32>,
        %get3A_229 = arith.constant 2 : i32
        %get3A_230 = arith.index_cast %get3A_229 : i32 to index
        %get3A_231 = arith.constant 16 : index
        %get3A_232 = tpu.vector_load %arg11[%get3A_230, %get3A_231] {strides = array<i32>} : memref<3x64xf32, #tpu.memory_space<vmem>>, vector<16xf32>,
        %add3A_233 = arith.addf %get3A_228, %get3A_232 : vector<16xf32>
        %mul3A_234 = arith.constant 3 : i32
        %mul3A_235 = arith.muli %scan3A_90, %mul3A_234 : i32
        %add3A_236 = arith.constant 2 : i32
        %add3A_237 = arith.addi %mul3A_235, %add3A_236 : i32
        %swap3A_238 = arith.index_cast %add3A_237 : i32 to index
        %swap3A_239 = arith.constant 16 : index
        %swap3A_240 = tpu.vector_load %arg18[%swap3A_238, %swap3A_239] {strides = array<i32>} : memref<128x64xf32, #tpu.memory_space<vmem>>, vector<16xf32>,
        tpu.vector_store %arg18[%swap3A_238, %swap3A_239], %add3A_233 {strides = array<i32>} : memref<128x64xf32, #tpu.memory_space<vmem>>, vector<16xf32>,
        %get3A_241 = arith.index_cast %add3A_92 : i32 to index
        %get3A_242 = arith.constant 32 : index
        %get3A_243 = tpu.vector_load %arg10[%get3A_241, %get3A_242] {strides = array<i32>} : memref<200x64xf32, #tpu.memory_space<vmem>>, vector<16xf32>,
        %get3A_244 = arith.constant 2 : i32
        %get3A_245 = arith.index_cast %get3A_244 : i32 to index
        %get3A_246 = arith.constant 32 : index
        %get3A_247 = tpu.vector_load %arg11[%get3A_245, %get3A_246] {strides = array<i32>} : memref<3x64xf32, #tpu.memory_space<vmem>>, vector<16xf32>,
        %add3A_248 = arith.addf %get3A_243, %get3A_247 : vector<16xf32>
        %mul3A_249 = arith.constant 3 : i32
        %mul3A_250 = arith.muli %scan3A_90, %mul3A_249 : i32
        %add3A_251 = arith.constant 2 : i32
        %add3A_252 = arith.addi %mul3A_250, %add3A_251 : i32
        %swap3A_253 = arith.index_cast %add3A_252 : i32 to index
        %swap3A_254 = arith.constant 32 : index
        %swap3A_255 = tpu.vector_load %arg18[%swap3A_253, %swap3A_254] {strides = array<i32>} : memref<128x64xf32, #tpu.memory_space<vmem>>, vector<16xf32>,
        tpu.vector_store %arg18[%swap3A_253, %swap3A_254], %add3A_248 {strides = array<i32>} : memref<128x64xf32, #tpu.memory_space<vmem>>, vector<16xf32>,
        %get3A_256 = arith.index_cast %add3A_92 : i32 to index
        %get3A_257 = arith.constant 48 : index
        %get3A_258 = tpu.vector_load %arg10[%get3A_256, %get3A_257] {strides = array<i32>} : memref<200x64xf32, #tpu.memory_space<vmem>>, vector<16xf32>,
        %get3A_259 = arith.constant 2 : i32
        %get3A_260 = arith.index_cast %get3A_259 : i32 to index
        %get3A_261 = arith.constant 48 : index
        %get3A_262 = tpu.vector_load %arg11[%get3A_260, %get3A_261] {strides = array<i32>} : memref<3x64xf32, #tpu.memory_space<vmem>>, vector<16xf32>,
        %add3A_263 = arith.addf %get3A_258, %get3A_262 : vector<16xf32>
        %mul3A_264 = arith.constant 3 : i32
        %mul3A_265 = arith.muli %scan3A_90, %mul3A_264 : i32
        %add3A_266 = arith.constant 2 : i32
        %add3A_267 = arith.addi %mul3A_265, %add3A_266 : i32
        %swap3A_268 = arith.index_cast %add3A_267 : i32 to index
        %swap3A_269 = arith.constant 48 : index
        %swap3A_270 = tpu.vector_load %arg18[%swap3A_268, %swap3A_269] {strides = array<i32>} : memref<128x64xf32, #tpu.memory_space<vmem>>, vector<16xf32>,
        tpu.vector_store %arg18[%swap3A_268, %swap3A_269], %add3A_263 {strides = array<i32>} : memref<128x64xf32, #tpu.memory_space<vmem>>, vector<16xf32>,
      }
      %scan3A_83 = arith.constant 40 : i32
      "tpu.region"() ({
        %run_scoped3A = tpu.sem_alloc : memref<!tpu.dma_semaphore, #tpu.memory_space<semaphore_mem>>
        %dma_start3A_90 = arith.constant 0 : i32
        %dma_start3A_91 = arith.constant 0 : i32
        %dma_start3A_92 = tpu.memref_slice %arg18[%dma_start3A_90, %dma_start3A_91] : memref<128x64xf32, #tpu.memory_space<vmem>> -> memref<120x64xf32, #tpu.memory_space<vmem>>
        %dma_start3A_93 = arith.constant 360 : i32
        %dma_start3A_94 = arith.constant 0 : i32
        %dma_start3A_95 = tpu.memref_slice %arg12[%dma_start3A_93, %dma_start3A_94] : memref<600x64xf32, #tpu.memory_space<vmem_shared>> -> memref<120x64xf32, #tpu.memory_space<vmem_shared>>
        %dma_start3A_96 = arith.constant 360 : i32
        %dma_start3A_97 = arith.constant 0 : i32
        %dma_start3A_98 = tpu.memref_slice %arg12[%dma_start3A_96, %dma_start3A_97] : memref<600x64xf32, #tpu.memory_space<vmem_shared>> -> memref<120x64xf32, #tpu.memory_space<vmem_shared>>
        %dma_start3A_99 = arith.constant 0 : i32
        %dma_start3A_100 = arith.constant 0 : i32
        %dma_start3A_101 = tpu.memref_slice %arg18[%dma_start3A_99, %dma_start3A_100] : memref<128x64xf32, #tpu.memory_space<vmem>> -> memref<120x64xf32, #tpu.memory_space<vmem>>
        tpu.enqueue_dma source(%dma_start3A_101 : memref<120x64xf32, #tpu.memory_space<vmem>>) target(%dma_start3A_98 : memref<120x64xf32, #tpu.memory_space<vmem_shared>>) target_semaphore(%run_scoped3A : memref<!tpu.dma_semaphore, #tpu.memory_space<semaphore_mem>>)
        %dma_wait3A_102 = arith.constant 0 : i32
        %dma_wait3A_103 = arith.constant 0 : i32
        %dma_wait3A_104 = tpu.memref_slice %arg18[%dma_wait3A_102, %dma_wait3A_103] : memref<128x64xf32, #tpu.memory_space<vmem>> -> memref<120x64xf32, #tpu.memory_space<vmem>>
        %dma_wait3A_105 = arith.constant 360 : i32
        %dma_wait3A_106 = arith.constant 0 : i32
        %dma_wait3A_107 = tpu.memref_slice %arg12[%dma_wait3A_105, %dma_wait3A_106] : memref<600x64xf32, #tpu.memory_space<vmem_shared>> -> memref<120x64xf32, #tpu.memory_space<vmem_shared>>
        %dma_wait3A_108 = arith.constant 360 : i32
        %dma_wait3A_109 = arith.constant 0 : i32
        %dma_wait3A_110 = tpu.memref_slice %arg12[%dma_wait3A_108, %dma_wait3A_109] : memref<600x64xf32, #tpu.memory_space<vmem_shared>> -> memref<120x64xf32, #tpu.memory_space<vmem_shared>>
        %dma_wait3A_111 = arith.constant 0 : i32
        %dma_wait3A_112 = arith.constant 0 : i32
        %dma_wait3A_113 = tpu.memref_slice %arg18[%dma_wait3A_111, %dma_wait3A_112] : memref<128x64xf32, #tpu.memory_space<vmem>> -> memref<120x64xf32, #tpu.memory_space<vmem>>
        tpu.wait_dma2 semaphore(%run_scoped3A : memref<!tpu.dma_semaphore, #tpu.memory_space<semaphore_mem>>) src(%dma_wait3A_113 : memref<120x64xf32, #tpu.memory_space<vmem>>) dst(%dma_wait3A_110 : memref<120x64xf32, #tpu.memory_space<vmem_shared>>)
        tpu.yield
      }) : () -> ()
      %scan3A_84 = arith.constant 0 : i32
      %scan3A_85 = arith.constant 0 : i32
      %scan3A_86 = arith.constant 40 : i32
      %scan3A_87 = arith.addi %scan3A_85, %scan3A_86 : i32
      %scan3A_88 = arith.constant 1 : i32
      scf.for %scan3A_90 = %scan3A_85 to %scan3A_87 step %scan3A_88  : i32 {
        %add3A_91 = arith.constant 160 : i32
        %add3A_92 = arith.addi %add3A_91, %scan3A_90 : i32
        %get3A = arith.index_cast %add3A_92 : i32 to index
        %get3A_93 = arith.constant 0 : index
        %get3A_94 = tpu.vector_load %arg10[%get3A, %get3A_93] {strides = array<i32>} : memref<200x64xf32, #tpu.memory_space<vmem>>, vector<16xf32>,
        %get3A_95 = arith.constant 0 : i32
        %get3A_96 = arith.index_cast %get3A_95 : i32 to index
        %get3A_97 = arith.constant 0 : index
        %get3A_98 = tpu.vector_load %arg11[%get3A_96, %get3A_97] {strides = array<i32>} : memref<3x64xf32, #tpu.memory_space<vmem>>, vector<16xf32>,
        %add3A_99 = arith.addf %get3A_94, %get3A_98 : vector<16xf32>
        %mul3A_100 = arith.constant 3 : i32
        %mul3A_101 = arith.muli %scan3A_90, %mul3A_100 : i32
        %add3A_102 = arith.constant 0 : i32
        %add3A_103 = arith.addi %mul3A_101, %add3A_102 : i32
        %swap3A = arith.index_cast %add3A_103 : i32 to index
        %swap3A_104 = arith.constant 0 : index
        %swap3A_105 = tpu.vector_load %arg18[%swap3A, %swap3A_104] {strides = array<i32>} : memref<128x64xf32, #tpu.memory_space<vmem>>, vector<16xf32>,
        tpu.vector_store %arg18[%swap3A, %swap3A_104], %add3A_99 {strides = array<i32>} : memref<128x64xf32, #tpu.memory_space<vmem>>, vector<16xf32>,
        %get3A_106 = arith.index_cast %add3A_92 : i32 to index
        %get3A_107 = arith.constant 16 : index
        %get3A_108 = tpu.vector_load %arg10[%get3A_106, %get3A_107] {strides = array<i32>} : memref<200x64xf32, #tpu.memory_space<vmem>>, vector<16xf32>,
        %get3A_109 = arith.constant 0 : i32
        %get3A_110 = arith.index_cast %get3A_109 : i32 to index
        %get3A_111 = arith.constant 16 : index
        %get3A_112 = tpu.vector_load %arg11[%get3A_110, %get3A_111] {strides = array<i32>} : memref<3x64xf32, #tpu.memory_space<vmem>>, vector<16xf32>,
        %add3A_113 = arith.addf %get3A_108, %get3A_112 : vector<16xf32>
        %mul3A_114 = arith.constant 3 : i32
        %mul3A_115 = arith.muli %scan3A_90, %mul3A_114 : i32
        %add3A_116 = arith.constant 0 : i32
        %add3A_117 = arith.addi %mul3A_115, %add3A_116 : i32
        %swap3A_118 = arith.index_cast %add3A_117 : i32 to index
        %swap3A_119 = arith.constant 16 : index
        %swap3A_120 = tpu.vector_load %arg18[%swap3A_118, %swap3A_119] {strides = array<i32>} : memref<128x64xf32, #tpu.memory_space<vmem>>, vector<16xf32>,
        tpu.vector_store %arg18[%swap3A_118, %swap3A_119], %add3A_113 {strides = array<i32>} : memref<128x64xf32, #tpu.memory_space<vmem>>, vector<16xf32>,
        %get3A_121 = arith.index_cast %add3A_92 : i32 to index
        %get3A_122 = arith.constant 32 : index
        %get3A_123 = tpu.vector_load %arg10[%get3A_121, %get3A_122] {strides = array<i32>} : memref<200x64xf32, #tpu.memory_space<vmem>>, vector<16xf32>,
        %get3A_124 = arith.constant 0 : i32
        %get3A_125 = arith.index_cast %get3A_124 : i32 to index
        %get3A_126 = arith.constant 32 : index
        %get3A_127 = tpu.vector_load %arg11[%get3A_125, %get3A_126] {strides = array<i32>} : memref<3x64xf32, #tpu.memory_space<vmem>>, vector<16xf32>,
        %add3A_128 = arith.addf %get3A_123, %get3A_127 : vector<16xf32>
        %mul3A_129 = arith.constant 3 : i32
        %mul3A_130 = arith.muli %scan3A_90, %mul3A_129 : i32
        %add3A_131 = arith.constant 0 : i32
        %add3A_132 = arith.addi %mul3A_130, %add3A_131 : i32
        %swap3A_133 = arith.index_cast %add3A_132 : i32 to index
        %swap3A_134 = arith.constant 32 : index
        %swap3A_135 = tpu.vector_load %arg18[%swap3A_133, %swap3A_134] {strides = array<i32>} : memref<128x64xf32, #tpu.memory_space<vmem>>, vector<16xf32>,
        tpu.vector_store %arg18[%swap3A_133, %swap3A_134], %add3A_128 {strides = array<i32>} : memref<128x64xf32, #tpu.memory_space<vmem>>, vector<16xf32>,
        %get3A_136 = arith.index_cast %add3A_92 : i32 to index
        %get3A_137 = arith.constant 48 : index
        %get3A_138 = tpu.vector_load %arg10[%get3A_136, %get3A_137] {strides = array<i32>} : memref<200x64xf32, #tpu.memory_space<vmem>>, vector<16xf32>,
        %get3A_139 = arith.constant 0 : i32
        %get3A_140 = arith.index_cast %get3A_139 : i32 to index
        %get3A_141 = arith.constant 48 : index
        %get3A_142 = tpu.vector_load %arg11[%get3A_140, %get3A_141] {strides = array<i32>} : memref<3x64xf32, #tpu.memory_space<vmem>>, vector<16xf32>,
        %add3A_143 = arith.addf %get3A_138, %get3A_142 : vector<16xf32>
        %mul3A_144 = arith.constant 3 : i32
        %mul3A_145 = arith.muli %scan3A_90, %mul3A_144 : i32
        %add3A_146 = arith.constant 0 : i32
        %add3A_147 = arith.addi %mul3A_145, %add3A_146 : i32
        %swap3A_148 = arith.index_cast %add3A_147 : i32 to index
        %swap3A_149 = arith.constant 48 : index
        %swap3A_150 = tpu.vector_load %arg18[%swap3A_148, %swap3A_149] {strides = array<i32>} : memref<128x64xf32, #tpu.memory_space<vmem>>, vector<16xf32>,
        tpu.vector_store %arg18[%swap3A_148, %swap3A_149], %add3A_143 {strides = array<i32>} : memref<128x64xf32, #tpu.memory_space<vmem>>, vector<16xf32>,
        %get3A_151 = arith.index_cast %add3A_92 : i32 to index
        %get3A_152 = arith.constant 0 : index
        %get3A_153 = tpu.vector_load %arg10[%get3A_151, %get3A_152] {strides = array<i32>} : memref<200x64xf32, #tpu.memory_space<vmem>>, vector<16xf32>,
        %get3A_154 = arith.constant 1 : i32
        %get3A_155 = arith.index_cast %get3A_154 : i32 to index
        %get3A_156 = arith.constant 0 : index
        %get3A_157 = tpu.vector_load %arg11[%get3A_155, %get3A_156] {strides = array<i32>} : memref<3x64xf32, #tpu.memory_space<vmem>>, vector<16xf32>,
        %add3A_158 = arith.addf %get3A_153, %get3A_157 : vector<16xf32>
        %mul3A_159 = arith.constant 3 : i32
        %mul3A_160 = arith.muli %scan3A_90, %mul3A_159 : i32
        %add3A_161 = arith.constant 1 : i32
        %add3A_162 = arith.addi %mul3A_160, %add3A_161 : i32
        %swap3A_163 = arith.index_cast %add3A_162 : i32 to index
        %swap3A_164 = arith.constant 0 : index
        %swap3A_165 = tpu.vector_load %arg18[%swap3A_163, %swap3A_164] {strides = array<i32>} : memref<128x64xf32, #tpu.memory_space<vmem>>, vector<16xf32>,
        tpu.vector_store %arg18[%swap3A_163, %swap3A_164], %add3A_158 {strides = array<i32>} : memref<128x64xf32, #tpu.memory_space<vmem>>, vector<16xf32>,
        %get3A_166 = arith.index_cast %add3A_92 : i32 to index
        %get3A_167 = arith.constant 16 : index
        %get3A_168 = tpu.vector_load %arg10[%get3A_166, %get3A_167] {strides = array<i32>} : memref<200x64xf32, #tpu.memory_space<vmem>>, vector<16xf32>,
        %get3A_169 = arith.constant 1 : i32
        %get3A_170 = arith.index_cast %get3A_169 : i32 to index
        %get3A_171 = arith.constant 16 : index
        %get3A_172 = tpu.vector_load %arg11[%get3A_170, %get3A_171] {strides = array<i32>} : memref<3x64xf32, #tpu.memory_space<vmem>>, vector<16xf32>,
        %add3A_173 = arith.addf %get3A_168, %get3A_172 : vector<16xf32>
        %mul3A_174 = arith.constant 3 : i32
        %mul3A_175 = arith.muli %scan3A_90, %mul3A_174 : i32
        %add3A_176 = arith.constant 1 : i32
        %add3A_177 = arith.addi %mul3A_175, %add3A_176 : i32
        %swap3A_178 = arith.index_cast %add3A_177 : i32 to index
        %swap3A_179 = arith.constant 16 : index
        %swap3A_180 = tpu.vector_load %arg18[%swap3A_178, %swap3A_179] {strides = array<i32>} : memref<128x64xf32, #tpu.memory_space<vmem>>, vector<16xf32>,
        tpu.vector_store %arg18[%swap3A_178, %swap3A_179], %add3A_173 {strides = array<i32>} : memref<128x64xf32, #tpu.memory_space<vmem>>, vector<16xf32>,
        %get3A_181 = arith.index_cast %add3A_92 : i32 to index
        %get3A_182 = arith.constant 32 : index
        %get3A_183 = tpu.vector_load %arg10[%get3A_181, %get3A_182] {strides = array<i32>} : memref<200x64xf32, #tpu.memory_space<vmem>>, vector<16xf32>,
        %get3A_184 = arith.constant 1 : i32
        %get3A_185 = arith.index_cast %get3A_184 : i32 to index
        %get3A_186 = arith.constant 32 : index
        %get3A_187 = tpu.vector_load %arg11[%get3A_185, %get3A_186] {strides = array<i32>} : memref<3x64xf32, #tpu.memory_space<vmem>>, vector<16xf32>,
        %add3A_188 = arith.addf %get3A_183, %get3A_187 : vector<16xf32>
        %mul3A_189 = arith.constant 3 : i32
        %mul3A_190 = arith.muli %scan3A_90, %mul3A_189 : i32
        %add3A_191 = arith.constant 1 : i32
        %add3A_192 = arith.addi %mul3A_190, %add3A_191 : i32
        %swap3A_193 = arith.index_cast %add3A_192 : i32 to index
        %swap3A_194 = arith.constant 32 : index
        %swap3A_195 = tpu.vector_load %arg18[%swap3A_193, %swap3A_194] {strides = array<i32>} : memref<128x64xf32, #tpu.memory_space<vmem>>, vector<16xf32>,
        tpu.vector_store %arg18[%swap3A_193, %swap3A_194], %add3A_188 {strides = array<i32>} : memref<128x64xf32, #tpu.memory_space<vmem>>, vector<16xf32>,
        %get3A_196 = arith.index_cast %add3A_92 : i32 to index
        %get3A_197 = arith.constant 48 : index
        %get3A_198 = tpu.vector_load %arg10[%get3A_196, %get3A_197] {strides = array<i32>} : memref<200x64xf32, #tpu.memory_space<vmem>>, vector<16xf32>,
        %get3A_199 = arith.constant 1 : i32
        %get3A_200 = arith.index_cast %get3A_199 : i32 to index
        %get3A_201 = arith.constant 48 : index
        %get3A_202 = tpu.vector_load %arg11[%get3A_200, %get3A_201] {strides = array<i32>} : memref<3x64xf32, #tpu.memory_space<vmem>>, vector<16xf32>,
        %add3A_203 = arith.addf %get3A_198, %get3A_202 : vector<16xf32>
        %mul3A_204 = arith.constant 3 : i32
        %mul3A_205 = arith.muli %scan3A_90, %mul3A_204 : i32
        %add3A_206 = arith.constant 1 : i32
        %add3A_207 = arith.addi %mul3A_205, %add3A_206 : i32
        %swap3A_208 = arith.index_cast %add3A_207 : i32 to index
        %swap3A_209 = arith.constant 48 : index
        %swap3A_210 = tpu.vector_load %arg18[%swap3A_208, %swap3A_209] {strides = array<i32>} : memref<128x64xf32, #tpu.memory_space<vmem>>, vector<16xf32>,
        tpu.vector_store %arg18[%swap3A_208, %swap3A_209], %add3A_203 {strides = array<i32>} : memref<128x64xf32, #tpu.memory_space<vmem>>, vector<16xf32>,
        %get3A_211 = arith.index_cast %add3A_92 : i32 to index
        %get3A_212 = arith.constant 0 : index
        %get3A_213 = tpu.vector_load %arg10[%get3A_211, %get3A_212] {strides = array<i32>} : memref<200x64xf32, #tpu.memory_space<vmem>>, vector<16xf32>,
        %get3A_214 = arith.constant 2 : i32
        %get3A_215 = arith.index_cast %get3A_214 : i32 to index
        %get3A_216 = arith.constant 0 : index
        %get3A_217 = tpu.vector_load %arg11[%get3A_215, %get3A_216] {strides = array<i32>} : memref<3x64xf32, #tpu.memory_space<vmem>>, vector<16xf32>,
        %add3A_218 = arith.addf %get3A_213, %get3A_217 : vector<16xf32>
        %mul3A_219 = arith.constant 3 : i32
        %mul3A_220 = arith.muli %scan3A_90, %mul3A_219 : i32
        %add3A_221 = arith.constant 2 : i32
        %add3A_222 = arith.addi %mul3A_220, %add3A_221 : i32
        %swap3A_223 = arith.index_cast %add3A_222 : i32 to index
        %swap3A_224 = arith.constant 0 : index
        %swap3A_225 = tpu.vector_load %arg18[%swap3A_223, %swap3A_224] {strides = array<i32>} : memref<128x64xf32, #tpu.memory_space<vmem>>, vector<16xf32>,
        tpu.vector_store %arg18[%swap3A_223, %swap3A_224], %add3A_218 {strides = array<i32>} : memref<128x64xf32, #tpu.memory_space<vmem>>, vector<16xf32>,
        %get3A_226 = arith.index_cast %add3A_92 : i32 to index
        %get3A_227 = arith.constant 16 : index
        %get3A_228 = tpu.vector_load %arg10[%get3A_226, %get3A_227] {strides = array<i32>} : memref<200x64xf32, #tpu.memory_space<vmem>>, vector<16xf32>,
        %get3A_229 = arith.constant 2 : i32
        %get3A_230 = arith.index_cast %get3A_229 : i32 to index
        %get3A_231 = arith.constant 16 : index
        %get3A_232 = tpu.vector_load %arg11[%get3A_230, %get3A_231] {strides = array<i32>} : memref<3x64xf32, #tpu.memory_space<vmem>>, vector<16xf32>,
        %add3A_233 = arith.addf %get3A_228, %get3A_232 : vector<16xf32>
        %mul3A_234 = arith.constant 3 : i32
        %mul3A_235 = arith.muli %scan3A_90, %mul3A_234 : i32
        %add3A_236 = arith.constant 2 : i32
        %add3A_237 = arith.addi %mul3A_235, %add3A_236 : i32
        %swap3A_238 = arith.index_cast %add3A_237 : i32 to index
        %swap3A_239 = arith.constant 16 : index
        %swap3A_240 = tpu.vector_load %arg18[%swap3A_238, %swap3A_239] {strides = array<i32>} : memref<128x64xf32, #tpu.memory_space<vmem>>, vector<16xf32>,
        tpu.vector_store %arg18[%swap3A_238, %swap3A_239], %add3A_233 {strides = array<i32>} : memref<128x64xf32, #tpu.memory_space<vmem>>, vector<16xf32>,
        %get3A_241 = arith.index_cast %add3A_92 : i32 to index
        %get3A_242 = arith.constant 32 : index
        %get3A_243 = tpu.vector_load %arg10[%get3A_241, %get3A_242] {strides = array<i32>} : memref<200x64xf32, #tpu.memory_space<vmem>>, vector<16xf32>,
        %get3A_244 = arith.constant 2 : i32
        %get3A_245 = arith.index_cast %get3A_244 : i32 to index
        %get3A_246 = arith.constant 32 : index
        %get3A_247 = tpu.vector_load %arg11[%get3A_245, %get3A_246] {strides = array<i32>} : memref<3x64xf32, #tpu.memory_space<vmem>>, vector<16xf32>,
        %add3A_248 = arith.addf %get3A_243, %get3A_247 : vector<16xf32>
        %mul3A_249 = arith.constant 3 : i32
        %mul3A_250 = arith.muli %scan3A_90, %mul3A_249 : i32
        %add3A_251 = arith.constant 2 : i32
        %add3A_252 = arith.addi %mul3A_250, %add3A_251 : i32
        %swap3A_253 = arith.index_cast %add3A_252 : i32 to index
        %swap3A_254 = arith.constant 32 : index
        %swap3A_255 = tpu.vector_load %arg18[%swap3A_253, %swap3A_254] {strides = array<i32>} : memref<128x64xf32, #tpu.memory_space<vmem>>, vector<16xf32>,
        tpu.vector_store %arg18[%swap3A_253, %swap3A_254], %add3A_248 {strides = array<i32>} : memref<128x64xf32, #tpu.memory_space<vmem>>, vector<16xf32>,
        %get3A_256 = arith.index_cast %add3A_92 : i32 to index
        %get3A_257 = arith.constant 48 : index
        %get3A_258 = tpu.vector_load %arg10[%get3A_256, %get3A_257] {strides = array<i32>} : memref<200x64xf32, #tpu.memory_space<vmem>>, vector<16xf32>,
        %get3A_259 = arith.constant 2 : i32
        %get3A_260 = arith.index_cast %get3A_259 : i32 to index
        %get3A_261 = arith.constant 48 : index
        %get3A_262 = tpu.vector_load %arg11[%get3A_260, %get3A_261] {strides = array<i32>} : memref<3x64xf32, #tpu.memory_space<vmem>>, vector<16xf32>,
        %add3A_263 = arith.addf %get3A_258, %get3A_262 : vector<16xf32>
        %mul3A_264 = arith.constant 3 : i32
        %mul3A_265 = arith.muli %scan3A_90, %mul3A_264 : i32
        %add3A_266 = arith.constant 2 : i32
        %add3A_267 = arith.addi %mul3A_265, %add3A_266 : i32
        %swap3A_268 = arith.index_cast %add3A_267 : i32 to index
        %swap3A_269 = arith.constant 48 : index
        %swap3A_270 = tpu.vector_load %arg18[%swap3A_268, %swap3A_269] {strides = array<i32>} : memref<128x64xf32, #tpu.memory_space<vmem>>, vector<16xf32>,
        tpu.vector_store %arg18[%swap3A_268, %swap3A_269], %add3A_263 {strides = array<i32>} : memref<128x64xf32, #tpu.memory_space<vmem>>, vector<16xf32>,
      }
      %scan3A_89 = arith.constant 40 : i32
      "tpu.region"() ({
        %run_scoped3A = tpu.sem_alloc : memref<!tpu.dma_semaphore, #tpu.memory_space<semaphore_mem>>
        %dma_start3A_90 = arith.constant 0 : i32
        %dma_start3A_91 = arith.constant 0 : i32
        %dma_start3A_92 = tpu.memref_slice %arg18[%dma_start3A_90, %dma_start3A_91] : memref<128x64xf32, #tpu.memory_space<vmem>> -> memref<120x64xf32, #tpu.memory_space<vmem>>
        %dma_start3A_93 = arith.constant 480 : i32
        %dma_start3A_94 = arith.constant 0 : i32
        %dma_start3A_95 = tpu.memref_slice %arg12[%dma_start3A_93, %dma_start3A_94] : memref<600x64xf32, #tpu.memory_space<vmem_shared>> -> memref<120x64xf32, #tpu.memory_space<vmem_shared>>
        %dma_start3A_96 = arith.constant 480 : i32
        %dma_start3A_97 = arith.constant 0 : i32
        %dma_start3A_98 = tpu.memref_slice %arg12[%dma_start3A_96, %dma_start3A_97] : memref<600x64xf32, #tpu.memory_space<vmem_shared>> -> memref<120x64xf32, #tpu.memory_space<vmem_shared>>
        %dma_start3A_99 = arith.constant 0 : i32
        %dma_start3A_100 = arith.constant 0 : i32
        %dma_start3A_101 = tpu.memref_slice %arg18[%dma_start3A_99, %dma_start3A_100] : memref<128x64xf32, #tpu.memory_space<vmem>> -> memref<120x64xf32, #tpu.memory_space<vmem>>
        tpu.enqueue_dma source(%dma_start3A_101 : memref<120x64xf32, #tpu.memory_space<vmem>>) target(%dma_start3A_98 : memref<120x64xf32, #tpu.memory_space<vmem_shared>>) target_semaphore(%run_scoped3A : memref<!tpu.dma_semaphore, #tpu.memory_space<semaphore_mem>>)
        %dma_wait3A_102 = arith.constant 0 : i32
        %dma_wait3A_103 = arith.constant 0 : i32
        %dma_wait3A_104 = tpu.memref_slice %arg18[%dma_wait3A_102, %dma_wait3A_103] : memref<128x64xf32, #tpu.memory_space<vmem>> -> memref<120x64xf32, #tpu.memory_space<vmem>>
        %dma_wait3A_105 = arith.constant 480 : i32
        %dma_wait3A_106 = arith.constant 0 : i32
        %dma_wait3A_107 = tpu.memref_slice %arg12[%dma_wait3A_105, %dma_wait3A_106] : memref<600x64xf32, #tpu.memory_space<vmem_shared>> -> memref<120x64xf32, #tpu.memory_space<vmem_shared>>
        %dma_wait3A_108 = arith.constant 480 : i32
        %dma_wait3A_109 = arith.constant 0 : i32
        %dma_wait3A_110 = tpu.memref_slice %arg12[%dma_wait3A_108, %dma_wait3A_109] : memref<600x64xf32, #tpu.memory_space<vmem_shared>> -> memref<120x64xf32, #tpu.memory_space<vmem_shared>>
        %dma_wait3A_111 = arith.constant 0 : i32
        %dma_wait3A_112 = arith.constant 0 : i32
        %dma_wait3A_113 = tpu.memref_slice %arg18[%dma_wait3A_111, %dma_wait3A_112] : memref<128x64xf32, #tpu.memory_space<vmem>> -> memref<120x64xf32, #tpu.memory_space<vmem>>
        tpu.wait_dma2 semaphore(%run_scoped3A : memref<!tpu.dma_semaphore, #tpu.memory_space<semaphore_mem>>) src(%dma_wait3A_113 : memref<120x64xf32, #tpu.memory_space<vmem>>) dst(%dma_wait3A_110 : memref<120x64xf32, #tpu.memory_space<vmem_shared>>)
        tpu.yield
      }) : () -> ()
    } else {
    }
    %barrier3A = arith.constant 0 : index
    tpu.barrier barrier_id(%barrier3A)
    %dma_start3A = arith.constant 0 : i32
    %dma_start3A_10 = tpu.memref_slice %arg8[%dma_start3A] : memref<6400xi32, #tpu.memory_space<vmem>> -> memref<128xi32, #tpu.memory_space<vmem>>
    %dma_start3A_11 = arith.constant 0 : i32
    %dma_start3A_12 = arith.constant 0 : i32
    %dma_start3A_13 = tpu.memref_slice %arg4[%dma_start3A_11, %dma_start3A_12] : memref<100000x64xf32, #tpu.memory_space<hbm>> -> memref<100000x64xf32, #tpu.memory_space<hbm>>
    tpu.enqueue_indirect_dma source(%dma_start3A_13 : memref<100000x64xf32, #tpu.memory_space<hbm>>) target(%arg13 : memref<128x64xf32, #tpu.memory_space<vmem>>) offsets(%dma_start3A_10 : memref<128xi32, #tpu.memory_space<vmem>>) semaphore(%arg23 : memref<!tpu.dma_semaphore, #tpu.memory_space<semaphore_mem>>)
    %dma_start3A_14 = arith.constant 0 : i32
    %dma_start3A_15 = tpu.memref_slice %arg9[%dma_start3A_14] : memref<6400xi32, #tpu.memory_space<vmem>> -> memref<128xi32, #tpu.memory_space<vmem>>
    %dma_start3A_16 = arith.constant 0 : i32
    %dma_start3A_17 = arith.constant 0 : i32
    %dma_start3A_18 = tpu.memref_slice %arg12[%dma_start3A_16, %dma_start3A_17] : memref<600x64xf32, #tpu.memory_space<vmem_shared>> -> memref<600x64xf32, #tpu.memory_space<vmem_shared>>
    tpu.enqueue_indirect_dma source(%dma_start3A_18 : memref<600x64xf32, #tpu.memory_space<vmem_shared>>) target(%arg18 : memref<128x64xf32, #tpu.memory_space<vmem>>) offsets(%dma_start3A_15 : memref<128xi32, #tpu.memory_space<vmem>>) semaphore(%arg28 : memref<!tpu.dma_semaphore, #tpu.memory_space<semaphore_mem>>)
    %dma_start3A_19 = arith.constant 128 : i32
    %dma_start3A_20 = tpu.memref_slice %arg8[%dma_start3A_19] : memref<6400xi32, #tpu.memory_space<vmem>> -> memref<128xi32, #tpu.memory_space<vmem>>
    %dma_start3A_21 = arith.constant 0 : i32
    %dma_start3A_22 = arith.constant 0 : i32
    %dma_start3A_23 = tpu.memref_slice %arg4[%dma_start3A_21, %dma_start3A_22] : memref<100000x64xf32, #tpu.memory_space<hbm>> -> memref<100000x64xf32, #tpu.memory_space<hbm>>
    tpu.enqueue_indirect_dma source(%dma_start3A_23 : memref<100000x64xf32, #tpu.memory_space<hbm>>) target(%arg14 : memref<128x64xf32, #tpu.memory_space<vmem>>) offsets(%dma_start3A_20 : memref<128xi32, #tpu.memory_space<vmem>>) semaphore(%arg24 : memref<!tpu.dma_semaphore, #tpu.memory_space<semaphore_mem>>)
    %dma_start3A_24 = arith.constant 128 : i32
    %dma_start3A_25 = tpu.memref_slice %arg9[%dma_start3A_24] : memref<6400xi32, #tpu.memory_space<vmem>> -> memref<128xi32, #tpu.memory_space<vmem>>
    %dma_start3A_26 = arith.constant 0 : i32
    %dma_start3A_27 = arith.constant 0 : i32
    %dma_start3A_28 = tpu.memref_slice %arg12[%dma_start3A_26, %dma_start3A_27] : memref<600x64xf32, #tpu.memory_space<vmem_shared>> -> memref<600x64xf32, #tpu.memory_space<vmem_shared>>
    tpu.enqueue_indirect_dma source(%dma_start3A_28 : memref<600x64xf32, #tpu.memory_space<vmem_shared>>) target(%arg19 : memref<128x64xf32, #tpu.memory_space<vmem>>) offsets(%dma_start3A_25 : memref<128xi32, #tpu.memory_space<vmem>>) semaphore(%arg29 : memref<!tpu.dma_semaphore, #tpu.memory_space<semaphore_mem>>)
    %dma_start3A_29 = arith.constant 256 : i32
    %dma_start3A_30 = tpu.memref_slice %arg8[%dma_start3A_29] : memref<6400xi32, #tpu.memory_space<vmem>> -> memref<128xi32, #tpu.memory_space<vmem>>
    %dma_start3A_31 = arith.constant 0 : i32
    %dma_start3A_32 = arith.constant 0 : i32
    %dma_start3A_33 = tpu.memref_slice %arg4[%dma_start3A_31, %dma_start3A_32] : memref<100000x64xf32, #tpu.memory_space<hbm>> -> memref<100000x64xf32, #tpu.memory_space<hbm>>
    tpu.enqueue_indirect_dma source(%dma_start3A_33 : memref<100000x64xf32, #tpu.memory_space<hbm>>) target(%arg15 : memref<128x64xf32, #tpu.memory_space<vmem>>) offsets(%dma_start3A_30 : memref<128xi32, #tpu.memory_space<vmem>>) semaphore(%arg25 : memref<!tpu.dma_semaphore, #tpu.memory_space<semaphore_mem>>)
    %dma_start3A_34 = arith.constant 256 : i32
    %dma_start3A_35 = tpu.memref_slice %arg9[%dma_start3A_34] : memref<6400xi32, #tpu.memory_space<vmem>> -> memref<128xi32, #tpu.memory_space<vmem>>
    %dma_start3A_36 = arith.constant 0 : i32
    %dma_start3A_37 = arith.constant 0 : i32
    %dma_start3A_38 = tpu.memref_slice %arg12[%dma_start3A_36, %dma_start3A_37] : memref<600x64xf32, #tpu.memory_space<vmem_shared>> -> memref<600x64xf32, #tpu.memory_space<vmem_shared>>
    tpu.enqueue_indirect_dma source(%dma_start3A_38 : memref<600x64xf32, #tpu.memory_space<vmem_shared>>) target(%arg20 : memref<128x64xf32, #tpu.memory_space<vmem>>) offsets(%dma_start3A_35 : memref<128xi32, #tpu.memory_space<vmem>>) semaphore(%arg30 : memref<!tpu.dma_semaphore, #tpu.memory_space<semaphore_mem>>)
    %dma_start3A_39 = arith.constant 384 : i32
    %dma_start3A_40 = tpu.memref_slice %arg8[%dma_start3A_39] : memref<6400xi32, #tpu.memory_space<vmem>> -> memref<128xi32, #tpu.memory_space<vmem>>
    %dma_start3A_41 = arith.constant 0 : i32
    %dma_start3A_42 = arith.constant 0 : i32
    %dma_start3A_43 = tpu.memref_slice %arg4[%dma_start3A_41, %dma_start3A_42] : memref<100000x64xf32, #tpu.memory_space<hbm>> -> memref<100000x64xf32, #tpu.memory_space<hbm>>
    tpu.enqueue_indirect_dma source(%dma_start3A_43 : memref<100000x64xf32, #tpu.memory_space<hbm>>) target(%arg16 : memref<128x64xf32, #tpu.memory_space<vmem>>) offsets(%dma_start3A_40 : memref<128xi32, #tpu.memory_space<vmem>>) semaphore(%arg26 : memref<!tpu.dma_semaphore, #tpu.memory_space<semaphore_mem>>)
    %dma_start3A_44 = arith.constant 384 : i32
    %dma_start3A_45 = tpu.memref_slice %arg9[%dma_start3A_44] : memref<6400xi32, #tpu.memory_space<vmem>> -> memref<128xi32, #tpu.memory_space<vmem>>
    %dma_start3A_46 = arith.constant 0 : i32
    %dma_start3A_47 = arith.constant 0 : i32
    %dma_start3A_48 = tpu.memref_slice %arg12[%dma_start3A_46, %dma_start3A_47] : memref<600x64xf32, #tpu.memory_space<vmem_shared>> -> memref<600x64xf32, #tpu.memory_space<vmem_shared>>
    tpu.enqueue_indirect_dma source(%dma_start3A_48 : memref<600x64xf32, #tpu.memory_space<vmem_shared>>) target(%arg21 : memref<128x64xf32, #tpu.memory_space<vmem>>) offsets(%dma_start3A_45 : memref<128xi32, #tpu.memory_space<vmem>>) semaphore(%arg31 : memref<!tpu.dma_semaphore, #tpu.memory_space<semaphore_mem>>)
    %scan3A_49 = arith.constant 0 : i32
    %scan3A_50 = arith.constant 0 : i32
    %scan3A_51 = arith.constant 10 : i32
    %scan3A_52 = arith.addi %scan3A_50, %scan3A_51 : i32
    %scan3A_53 = arith.constant 1 : i32
    scf.for %scan3A_60 = %scan3A_50 to %scan3A_52 step %scan3A_53  : i32 {
      %mul3A_61 = arith.constant 5 : i32
      %mul3A_62 = arith.muli %scan3A_60, %mul3A_61 : i32
      %add3A_63 = arith.constant 0 : i32
      %add3A_64 = arith.addi %mul3A_62, %add3A_63 : i32
      %ge3A = arith.constant 1 : i32
      %ge3A_65 = arith.cmpi sge, %add3A_64, %ge3A : i32
      %convert_element_type3A_66 = arith.extui %ge3A_65 : i1 to i32
      %cond3A_67 = arith.constant 0 : i32
      %cond3A_68 = arith.cmpi ne, %convert_element_type3A_66, %cond3A_67 : i32
      scf.if %cond3A_68 {
        %dma_wait3A_263 = arith.constant 0 : i32
        %dma_wait3A_264 = arith.constant 0 : i32
        %dma_wait3A_265 = tpu.memref_slice %arg7[%dma_wait3A_263, %dma_wait3A_264] : memref<204800x64xf32, #tpu.memory_space<hbm>> -> memref<128x64xf32, #tpu.memory_space<hbm>>
        %dma_wait3A_266 = arith.constant 0 : i32
        %dma_wait3A_267 = arith.constant 0 : i32
        %dma_wait3A_268 = tpu.memref_slice %arg7[%dma_wait3A_266, %dma_wait3A_267] : memref<204800x64xf32, #tpu.memory_space<hbm>> -> memref<128x64xf32, #tpu.memory_space<hbm>>
        tpu.wait_dma2 semaphore(%arg37 : memref<!tpu.dma_semaphore, #tpu.memory_space<semaphore_mem>>) src(%arg22 : memref<128x64xf32, #tpu.memory_space<vmem>>) dst(%dma_wait3A_268 : memref<128x64xf32, #tpu.memory_space<hbm>>)
      } else {
      }
      %add3A_69 = arith.constant 5 : i32
      %add3A_70 = arith.addi %add3A_64, %add3A_69 : i32
      %sub3A = arith.constant 1 : i32
      %sub3A_71 = arith.subi %add3A_70, %sub3A : i32
      %lt3A = arith.constant 50 : i32
      %lt3A_72 = arith.cmpi slt, %sub3A_71, %lt3A : i32
      %convert_element_type3A_73 = arith.extui %lt3A_72 : i1 to i32
      %cond3A_74 = arith.constant 0 : i32
      %cond3A_75 = arith.cmpi ne, %convert_element_type3A_73, %cond3A_74 : i32
      scf.if %cond3A_75 {
        %add3A_263 = arith.constant 5 : i32
        %add3A_264 = arith.addi %add3A_64, %add3A_263 : i32
        %sub3A_265 = arith.constant 1 : i32
        %sub3A_266 = arith.subi %add3A_264, %sub3A_265 : i32
        %mul3A_267 = arith.constant 128 : i32
        %mul3A_268 = arith.muli %sub3A_266, %mul3A_267 : i32
        %dma_start3A_269 = tpu.memref_slice %arg8[%mul3A_268] : memref<6400xi32, #tpu.memory_space<vmem>> -> memref<128xi32, #tpu.memory_space<vmem>>
        %dma_start3A_270 = arith.constant 0 : i32
        %dma_start3A_271 = arith.constant 0 : i32
        %dma_start3A_272 = tpu.memref_slice %arg4[%dma_start3A_270, %dma_start3A_271] : memref<100000x64xf32, #tpu.memory_space<hbm>> -> memref<100000x64xf32, #tpu.memory_space<hbm>>
        tpu.enqueue_indirect_dma source(%dma_start3A_272 : memref<100000x64xf32, #tpu.memory_space<hbm>>) target(%arg17 : memref<128x64xf32, #tpu.memory_space<vmem>>) offsets(%dma_start3A_269 : memref<128xi32, #tpu.memory_space<vmem>>) semaphore(%arg27 : memref<!tpu.dma_semaphore, #tpu.memory_space<semaphore_mem>>)
        %dma_start3A_273 = tpu.memref_slice %arg9[%mul3A_268] : memref<6400xi32, #tpu.memory_space<vmem>> -> memref<128xi32, #tpu.memory_space<vmem>>
        %dma_start3A_274 = arith.constant 0 : i32
        %dma_start3A_275 = arith.constant 0 : i32
        %dma_start3A_276 = tpu.memref_slice %arg12[%dma_start3A_274, %dma_start3A_275] : memref<600x64xf32, #tpu.memory_space<vmem_shared>> -> memref<600x64xf32, #tpu.memory_space<vmem_shared>>
        tpu.enqueue_indirect_dma source(%dma_start3A_276 : memref<600x64xf32, #tpu.memory_space<vmem_shared>>) target(%arg22 : memref<128x64xf32, #tpu.memory_space<vmem>>) offsets(%dma_start3A_273 : memref<128xi32, #tpu.memory_space<vmem>>) semaphore(%arg32 : memref<!tpu.dma_semaphore, #tpu.memory_space<semaphore_mem>>)
      } else {
      }
      %dma_wait3A_76 = arith.constant 0 : i32
      %dma_wait3A_77 = tpu.memref_slice %arg8[%dma_wait3A_76] : memref<6400xi32, #tpu.memory_space<vmem>> -> memref<128xi32, #tpu.memory_space<vmem>>
      %dma_wait3A_78 = arith.constant 0 : i32
      %dma_wait3A_79 = arith.constant 0 : i32
      %dma_wait3A_80 = tpu.memref_slice %arg4[%dma_wait3A_78, %dma_wait3A_79] : memref<100000x64xf32, #tpu.memory_space<hbm>> -> memref<100000x64xf32, #tpu.memory_space<hbm>>
      tpu.wait_indirect_dma semaphore(%arg23 : memref<!tpu.dma_semaphore, #tpu.memory_space<semaphore_mem>>) src(%dma_wait3A_80 : memref<100000x64xf32, #tpu.memory_space<hbm>>) dst(%arg13 : memref<128x64xf32, #tpu.memory_space<vmem>>)
      %dma_wait3A_81 = arith.constant 0 : i32
      %dma_wait3A_82 = tpu.memref_slice %arg9[%dma_wait3A_81] : memref<6400xi32, #tpu.memory_space<vmem>> -> memref<128xi32, #tpu.memory_space<vmem>>
      %dma_wait3A_83 = arith.constant 0 : i32
      %dma_wait3A_84 = arith.constant 0 : i32
      %dma_wait3A_85 = tpu.memref_slice %arg12[%dma_wait3A_83, %dma_wait3A_84] : memref<600x64xf32, #tpu.memory_space<vmem_shared>> -> memref<600x64xf32, #tpu.memory_space<vmem_shared>>
      tpu.wait_indirect_dma semaphore(%arg28 : memref<!tpu.dma_semaphore, #tpu.memory_space<semaphore_mem>>) src(%dma_wait3A_85 : memref<600x64xf32, #tpu.memory_space<vmem_shared>>) dst(%arg18 : memref<128x64xf32, #tpu.memory_space<vmem>>)
      %scan3A_86 = arith.constant 0 : i32
      %scan3A_87 = arith.constant 0 : i32
      %scan3A_88 = arith.constant 128 : i32
      %scan3A_89 = arith.addi %scan3A_87, %scan3A_88 : i32
      %scan3A_90 = arith.constant 1 : i32
      scf.for %scan3A_263 = %scan3A_87 to %scan3A_89 step %scan3A_90  : i32 {
        %get3A = arith.index_cast %scan3A_263 : i32 to index
        %get3A_264 = arith.constant 0 : index
        %get3A_265 = tpu.vector_load %arg18[%get3A, %get3A_264] {strides = array<i32>} : memref<128x64xf32, #tpu.memory_space<vmem>>, vector<16xf32>,
        %get3A_266 = arith.index_cast %scan3A_263 : i32 to index
        %get3A_267 = arith.constant 0 : index
        %get3A_268 = tpu.vector_load %arg13[%get3A_266, %get3A_267] {strides = array<i32>} : memref<128x64xf32, #tpu.memory_space<vmem>>, vector<16xf32>,
        %add3A_269 = arith.addf %get3A_265, %get3A_268 : vector<16xf32>
        %swap3A = arith.index_cast %scan3A_263 : i32 to index
        %swap3A_270 = arith.constant 0 : index
        %swap3A_271 = tpu.vector_load %arg18[%swap3A, %swap3A_270] {strides = array<i32>} : memref<128x64xf32, #tpu.memory_space<vmem>>, vector<16xf32>,
        tpu.vector_store %arg18[%swap3A, %swap3A_270], %add3A_269 {strides = array<i32>} : memref<128x64xf32, #tpu.memory_space<vmem>>, vector<16xf32>,
        %get3A_272 = arith.index_cast %scan3A_263 : i32 to index
        %get3A_273 = arith.constant 16 : index
        %get3A_274 = tpu.vector_load %arg18[%get3A_272, %get3A_273] {strides = array<i32>} : memref<128x64xf32, #tpu.memory_space<vmem>>, vector<16xf32>,
        %get3A_275 = arith.index_cast %scan3A_263 : i32 to index
        %get3A_276 = arith.constant 16 : index
        %get3A_277 = tpu.vector_load %arg13[%get3A_275, %get3A_276] {strides = array<i32>} : memref<128x64xf32, #tpu.memory_space<vmem>>, vector<16xf32>,
        %add3A_278 = arith.addf %get3A_274, %get3A_277 : vector<16xf32>
        %swap3A_279 = arith.index_cast %scan3A_263 : i32 to index
        %swap3A_280 = arith.constant 16 : index
        %swap3A_281 = tpu.vector_load %arg18[%swap3A_279, %swap3A_280] {strides = array<i32>} : memref<128x64xf32, #tpu.memory_space<vmem>>, vector<16xf32>,
        tpu.vector_store %arg18[%swap3A_279, %swap3A_280], %add3A_278 {strides = array<i32>} : memref<128x64xf32, #tpu.memory_space<vmem>>, vector<16xf32>,
        %get3A_282 = arith.index_cast %scan3A_263 : i32 to index
        %get3A_283 = arith.constant 32 : index
        %get3A_284 = tpu.vector_load %arg18[%get3A_282, %get3A_283] {strides = array<i32>} : memref<128x64xf32, #tpu.memory_space<vmem>>, vector<16xf32>,
        %get3A_285 = arith.index_cast %scan3A_263 : i32 to index
        %get3A_286 = arith.constant 32 : index
        %get3A_287 = tpu.vector_load %arg13[%get3A_285, %get3A_286] {strides = array<i32>} : memref<128x64xf32, #tpu.memory_space<vmem>>, vector<16xf32>,
        %add3A_288 = arith.addf %get3A_284, %get3A_287 : vector<16xf32>
        %swap3A_289 = arith.index_cast %scan3A_263 : i32 to index
        %swap3A_290 = arith.constant 32 : index
        %swap3A_291 = tpu.vector_load %arg18[%swap3A_289, %swap3A_290] {strides = array<i32>} : memref<128x64xf32, #tpu.memory_space<vmem>>, vector<16xf32>,
        tpu.vector_store %arg18[%swap3A_289, %swap3A_290], %add3A_288 {strides = array<i32>} : memref<128x64xf32, #tpu.memory_space<vmem>>, vector<16xf32>,
        %get3A_292 = arith.index_cast %scan3A_263 : i32 to index
        %get3A_293 = arith.constant 48 : index
        %get3A_294 = tpu.vector_load %arg18[%get3A_292, %get3A_293] {strides = array<i32>} : memref<128x64xf32, #tpu.memory_space<vmem>>, vector<16xf32>,
        %get3A_295 = arith.index_cast %scan3A_263 : i32 to index
        %get3A_296 = arith.constant 48 : index
        %get3A_297 = tpu.vector_load %arg13[%get3A_295, %get3A_296] {strides = array<i32>} : memref<128x64xf32, #tpu.memory_space<vmem>>, vector<16xf32>,
        %add3A_298 = arith.addf %get3A_294, %get3A_297 : vector<16xf32>
        %swap3A_299 = arith.index_cast %scan3A_263 : i32 to index
        %swap3A_300 = arith.constant 48 : index
        %swap3A_301 = tpu.vector_load %arg18[%swap3A_299, %swap3A_300] {strides = array<i32>} : memref<128x64xf32, #tpu.memory_space<vmem>>, vector<16xf32>,
        tpu.vector_store %arg18[%swap3A_299, %swap3A_300], %add3A_298 {strides = array<i32>} : memref<128x64xf32, #tpu.memory_space<vmem>>, vector<16xf32>,
      }
      %scan3A_91 = arith.constant 128 : i32
      %add3A_92 = arith.addi %mul3A_2, %add3A_64 : i32
      %mul3A_93 = arith.constant 128 : i32
      %mul3A_94 = arith.muli %add3A_92, %mul3A_93 : i32
      %dma_start3A_95 = arith.constant 0 : i32
      %dma_start3A_96 = tpu.memref_slice %arg7[%mul3A_94, %dma_start3A_95] : memref<204800x64xf32, #tpu.memory_space<hbm>> -> memref<128x64xf32, #tpu.memory_space<hbm>>
      %dma_start3A_97 = arith.constant 0 : i32
      %dma_start3A_98 = tpu.memref_slice %arg7[%mul3A_94, %dma_start3A_97] : memref<204800x64xf32, #tpu.memory_space<hbm>> -> memref<128x64xf32, #tpu.memory_space<hbm>>
      tpu.enqueue_dma source(%arg18 : memref<128x64xf32, #tpu.memory_space<vmem>>) target(%dma_start3A_98 : memref<128x64xf32, #tpu.memory_space<hbm>>) target_semaphore(%arg33 : memref<!tpu.dma_semaphore, #tpu.memory_space<semaphore_mem>>)
      %mul3A_99 = arith.constant 5 : i32
      %mul3A_100 = arith.muli %scan3A_60, %mul3A_99 : i32
      %add3A_101 = arith.constant 1 : i32
      %add3A_102 = arith.addi %mul3A_100, %add3A_101 : i32
      %ge3A_103 = arith.constant 1 : i32
      %ge3A_104 = arith.cmpi sge, %add3A_102, %ge3A_103 : i32
      %convert_element_type3A_105 = arith.extui %ge3A_104 : i1 to i32
      %cond3A_106 = arith.constant 0 : i32
      %cond3A_107 = arith.cmpi ne, %convert_element_type3A_105, %cond3A_106 : i32
      scf.if %cond3A_107 {
        %dma_wait3A_263 = arith.constant 0 : i32
        %dma_wait3A_264 = arith.constant 0 : i32
        %dma_wait3A_265 = tpu.memref_slice %arg7[%dma_wait3A_263, %dma_wait3A_264] : memref<204800x64xf32, #tpu.memory_space<hbm>> -> memref<128x64xf32, #tpu.memory_space<hbm>>
        %dma_wait3A_266 = arith.constant 0 : i32
        %dma_wait3A_267 = arith.constant 0 : i32
        %dma_wait3A_268 = tpu.memref_slice %arg7[%dma_wait3A_266, %dma_wait3A_267] : memref<204800x64xf32, #tpu.memory_space<hbm>> -> memref<128x64xf32, #tpu.memory_space<hbm>>
        tpu.wait_dma2 semaphore(%arg33 : memref<!tpu.dma_semaphore, #tpu.memory_space<semaphore_mem>>) src(%arg18 : memref<128x64xf32, #tpu.memory_space<vmem>>) dst(%dma_wait3A_268 : memref<128x64xf32, #tpu.memory_space<hbm>>)
      } else {
      }
      %add3A_108 = arith.constant 5 : i32
      %add3A_109 = arith.addi %add3A_102, %add3A_108 : i32
      %sub3A_110 = arith.constant 1 : i32
      %sub3A_111 = arith.subi %add3A_109, %sub3A_110 : i32
      %lt3A_112 = arith.constant 50 : i32
      %lt3A_113 = arith.cmpi slt, %sub3A_111, %lt3A_112 : i32
      %convert_element_type3A_114 = arith.extui %lt3A_113 : i1 to i32
      %cond3A_115 = arith.constant 0 : i32
      %cond3A_116 = arith.cmpi ne, %convert_element_type3A_114, %cond3A_115 : i32
      scf.if %cond3A_116 {
        %add3A_263 = arith.constant 5 : i32
        %add3A_264 = arith.addi %add3A_102, %add3A_263 : i32
        %sub3A_265 = arith.constant 1 : i32
        %sub3A_266 = arith.subi %add3A_264, %sub3A_265 : i32
        %mul3A_267 = arith.constant 128 : i32
        %mul3A_268 = arith.muli %sub3A_266, %mul3A_267 : i32
        %dma_start3A_269 = tpu.memref_slice %arg8[%mul3A_268] : memref<6400xi32, #tpu.memory_space<vmem>> -> memref<128xi32, #tpu.memory_space<vmem>>
        %dma_start3A_270 = arith.constant 0 : i32
        %dma_start3A_271 = arith.constant 0 : i32
        %dma_start3A_272 = tpu.memref_slice %arg4[%dma_start3A_270, %dma_start3A_271] : memref<100000x64xf32, #tpu.memory_space<hbm>> -> memref<100000x64xf32, #tpu.memory_space<hbm>>
        tpu.enqueue_indirect_dma source(%dma_start3A_272 : memref<100000x64xf32, #tpu.memory_space<hbm>>) target(%arg13 : memref<128x64xf32, #tpu.memory_space<vmem>>) offsets(%dma_start3A_269 : memref<128xi32, #tpu.memory_space<vmem>>) semaphore(%arg23 : memref<!tpu.dma_semaphore, #tpu.memory_space<semaphore_mem>>)
        %dma_start3A_273 = tpu.memref_slice %arg9[%mul3A_268] : memref<6400xi32, #tpu.memory_space<vmem>> -> memref<128xi32, #tpu.memory_space<vmem>>
        %dma_start3A_274 = arith.constant 0 : i32
        %dma_start3A_275 = arith.constant 0 : i32
        %dma_start3A_276 = tpu.memref_slice %arg12[%dma_start3A_274, %dma_start3A_275] : memref<600x64xf32, #tpu.memory_space<vmem_shared>> -> memref<600x64xf32, #tpu.memory_space<vmem_shared>>
        tpu.enqueue_indirect_dma source(%dma_start3A_276 : memref<600x64xf32, #tpu.memory_space<vmem_shared>>) target(%arg18 : memref<128x64xf32, #tpu.memory_space<vmem>>) offsets(%dma_start3A_273 : memref<128xi32, #tpu.memory_space<vmem>>) semaphore(%arg28 : memref<!tpu.dma_semaphore, #tpu.memory_space<semaphore_mem>>)
      } else {
      }
      %dma_wait3A_117 = arith.constant 0 : i32
      %dma_wait3A_118 = tpu.memref_slice %arg8[%dma_wait3A_117] : memref<6400xi32, #tpu.memory_space<vmem>> -> memref<128xi32, #tpu.memory_space<vmem>>
      %dma_wait3A_119 = arith.constant 0 : i32
      %dma_wait3A_120 = arith.constant 0 : i32
      %dma_wait3A_121 = tpu.memref_slice %arg4[%dma_wait3A_119, %dma_wait3A_120] : memref<100000x64xf32, #tpu.memory_space<hbm>> -> memref<100000x64xf32, #tpu.memory_space<hbm>>
      tpu.wait_indirect_dma semaphore(%arg24 : memref<!tpu.dma_semaphore, #tpu.memory_space<semaphore_mem>>) src(%dma_wait3A_121 : memref<100000x64xf32, #tpu.memory_space<hbm>>) dst(%arg14 : memref<128x64xf32, #tpu.memory_space<vmem>>)
      %dma_wait3A_122 = arith.constant 0 : i32
      %dma_wait3A_123 = tpu.memref_slice %arg9[%dma_wait3A_122] : memref<6400xi32, #tpu.memory_space<vmem>> -> memref<128xi32, #tpu.memory_space<vmem>>
      %dma_wait3A_124 = arith.constant 0 : i32
      %dma_wait3A_125 = arith.constant 0 : i32
      %dma_wait3A_126 = tpu.memref_slice %arg12[%dma_wait3A_124, %dma_wait3A_125] : memref<600x64xf32, #tpu.memory_space<vmem_shared>> -> memref<600x64xf32, #tpu.memory_space<vmem_shared>>
      tpu.wait_indirect_dma semaphore(%arg29 : memref<!tpu.dma_semaphore, #tpu.memory_space<semaphore_mem>>) src(%dma_wait3A_126 : memref<600x64xf32, #tpu.memory_space<vmem_shared>>) dst(%arg19 : memref<128x64xf32, #tpu.memory_space<vmem>>)
      %scan3A_127 = arith.constant 0 : i32
      %scan3A_128 = arith.constant 0 : i32
      %scan3A_129 = arith.constant 128 : i32
      %scan3A_130 = arith.addi %scan3A_128, %scan3A_129 : i32
      %scan3A_131 = arith.constant 1 : i32
      scf.for %scan3A_263 = %scan3A_128 to %scan3A_130 step %scan3A_131  : i32 {
        %get3A = arith.index_cast %scan3A_263 : i32 to index
        %get3A_264 = arith.constant 0 : index
        %get3A_265 = tpu.vector_load %arg19[%get3A, %get3A_264] {strides = array<i32>} : memref<128x64xf32, #tpu.memory_space<vmem>>, vector<16xf32>,
        %get3A_266 = arith.index_cast %scan3A_263 : i32 to index
        %get3A_267 = arith.constant 0 : index
        %get3A_268 = tpu.vector_load %arg14[%get3A_266, %get3A_267] {strides = array<i32>} : memref<128x64xf32, #tpu.memory_space<vmem>>, vector<16xf32>,
        %add3A_269 = arith.addf %get3A_265, %get3A_268 : vector<16xf32>
        %swap3A = arith.index_cast %scan3A_263 : i32 to index
        %swap3A_270 = arith.constant 0 : index
        %swap3A_271 = tpu.vector_load %arg19[%swap3A, %swap3A_270] {strides = array<i32>} : memref<128x64xf32, #tpu.memory_space<vmem>>, vector<16xf32>,
        tpu.vector_store %arg19[%swap3A, %swap3A_270], %add3A_269 {strides = array<i32>} : memref<128x64xf32, #tpu.memory_space<vmem>>, vector<16xf32>,
        %get3A_272 = arith.index_cast %scan3A_263 : i32 to index
        %get3A_273 = arith.constant 16 : index
        %get3A_274 = tpu.vector_load %arg19[%get3A_272, %get3A_273] {strides = array<i32>} : memref<128x64xf32, #tpu.memory_space<vmem>>, vector<16xf32>,
        %get3A_275 = arith.index_cast %scan3A_263 : i32 to index
        %get3A_276 = arith.constant 16 : index
        %get3A_277 = tpu.vector_load %arg14[%get3A_275, %get3A_276] {strides = array<i32>} : memref<128x64xf32, #tpu.memory_space<vmem>>, vector<16xf32>,
        %add3A_278 = arith.addf %get3A_274, %get3A_277 : vector<16xf32>
        %swap3A_279 = arith.index_cast %scan3A_263 : i32 to index
        %swap3A_280 = arith.constant 16 : index
        %swap3A_281 = tpu.vector_load %arg19[%swap3A_279, %swap3A_280] {strides = array<i32>} : memref<128x64xf32, #tpu.memory_space<vmem>>, vector<16xf32>,
        tpu.vector_store %arg19[%swap3A_279, %swap3A_280], %add3A_278 {strides = array<i32>} : memref<128x64xf32, #tpu.memory_space<vmem>>, vector<16xf32>,
        %get3A_282 = arith.index_cast %scan3A_263 : i32 to index
        %get3A_283 = arith.constant 32 : index
        %get3A_284 = tpu.vector_load %arg19[%get3A_282, %get3A_283] {strides = array<i32>} : memref<128x64xf32, #tpu.memory_space<vmem>>, vector<16xf32>,
        %get3A_285 = arith.index_cast %scan3A_263 : i32 to index
        %get3A_286 = arith.constant 32 : index
        %get3A_287 = tpu.vector_load %arg14[%get3A_285, %get3A_286] {strides = array<i32>} : memref<128x64xf32, #tpu.memory_space<vmem>>, vector<16xf32>,
        %add3A_288 = arith.addf %get3A_284, %get3A_287 : vector<16xf32>
        %swap3A_289 = arith.index_cast %scan3A_263 : i32 to index
        %swap3A_290 = arith.constant 32 : index
        %swap3A_291 = tpu.vector_load %arg19[%swap3A_289, %swap3A_290] {strides = array<i32>} : memref<128x64xf32, #tpu.memory_space<vmem>>, vector<16xf32>,
        tpu.vector_store %arg19[%swap3A_289, %swap3A_290], %add3A_288 {strides = array<i32>} : memref<128x64xf32, #tpu.memory_space<vmem>>, vector<16xf32>,
        %get3A_292 = arith.index_cast %scan3A_263 : i32 to index
        %get3A_293 = arith.constant 48 : index
        %get3A_294 = tpu.vector_load %arg19[%get3A_292, %get3A_293] {strides = array<i32>} : memref<128x64xf32, #tpu.memory_space<vmem>>, vector<16xf32>,
        %get3A_295 = arith.index_cast %scan3A_263 : i32 to index
        %get3A_296 = arith.constant 48 : index
        %get3A_297 = tpu.vector_load %arg14[%get3A_295, %get3A_296] {strides = array<i32>} : memref<128x64xf32, #tpu.memory_space<vmem>>, vector<16xf32>,
        %add3A_298 = arith.addf %get3A_294, %get3A_297 : vector<16xf32>
        %swap3A_299 = arith.index_cast %scan3A_263 : i32 to index
        %swap3A_300 = arith.constant 48 : index
        %swap3A_301 = tpu.vector_load %arg19[%swap3A_299, %swap3A_300] {strides = array<i32>} : memref<128x64xf32, #tpu.memory_space<vmem>>, vector<16xf32>,
        tpu.vector_store %arg19[%swap3A_299, %swap3A_300], %add3A_298 {strides = array<i32>} : memref<128x64xf32, #tpu.memory_space<vmem>>, vector<16xf32>,
      }
      %scan3A_132 = arith.constant 128 : i32
      %add3A_133 = arith.addi %mul3A_2, %add3A_102 : i32
      %mul3A_134 = arith.constant 128 : i32
      %mul3A_135 = arith.muli %add3A_133, %mul3A_134 : i32
      %dma_start3A_136 = arith.constant 0 : i32
      %dma_start3A_137 = tpu.memref_slice %arg7[%mul3A_135, %dma_start3A_136] : memref<204800x64xf32, #tpu.memory_space<hbm>> -> memref<128x64xf32, #tpu.memory_space<hbm>>
      %dma_start3A_138 = arith.constant 0 : i32
      %dma_start3A_139 = tpu.memref_slice %arg7[%mul3A_135, %dma_start3A_138] : memref<204800x64xf32, #tpu.memory_space<hbm>> -> memref<128x64xf32, #tpu.memory_space<hbm>>
      tpu.enqueue_dma source(%arg19 : memref<128x64xf32, #tpu.memory_space<vmem>>) target(%dma_start3A_139 : memref<128x64xf32, #tpu.memory_space<hbm>>) target_semaphore(%arg34 : memref<!tpu.dma_semaphore, #tpu.memory_space<semaphore_mem>>)
      %mul3A_140 = arith.constant 5 : i32
      %mul3A_141 = arith.muli %scan3A_60, %mul3A_140 : i32
      %add3A_142 = arith.constant 2 : i32
      %add3A_143 = arith.addi %mul3A_141, %add3A_142 : i32
      %ge3A_144 = arith.constant 1 : i32
      %ge3A_145 = arith.cmpi sge, %add3A_143, %ge3A_144 : i32
      %convert_element_type3A_146 = arith.extui %ge3A_145 : i1 to i32
      %cond3A_147 = arith.constant 0 : i32
      %cond3A_148 = arith.cmpi ne, %convert_element_type3A_146, %cond3A_147 : i32
      scf.if %cond3A_148 {
        %dma_wait3A_263 = arith.constant 0 : i32
        %dma_wait3A_264 = arith.constant 0 : i32
        %dma_wait3A_265 = tpu.memref_slice %arg7[%dma_wait3A_263, %dma_wait3A_264] : memref<204800x64xf32, #tpu.memory_space<hbm>> -> memref<128x64xf32, #tpu.memory_space<hbm>>
        %dma_wait3A_266 = arith.constant 0 : i32
        %dma_wait3A_267 = arith.constant 0 : i32
        %dma_wait3A_268 = tpu.memref_slice %arg7[%dma_wait3A_266, %dma_wait3A_267] : memref<204800x64xf32, #tpu.memory_space<hbm>> -> memref<128x64xf32, #tpu.memory_space<hbm>>
        tpu.wait_dma2 semaphore(%arg34 : memref<!tpu.dma_semaphore, #tpu.memory_space<semaphore_mem>>) src(%arg19 : memref<128x64xf32, #tpu.memory_space<vmem>>) dst(%dma_wait3A_268 : memref<128x64xf32, #tpu.memory_space<hbm>>)
      } else {
      }
      %add3A_149 = arith.constant 5 : i32
      %add3A_150 = arith.addi %add3A_143, %add3A_149 : i32
      %sub3A_151 = arith.constant 1 : i32
      %sub3A_152 = arith.subi %add3A_150, %sub3A_151 : i32
      %lt3A_153 = arith.constant 50 : i32
      %lt3A_154 = arith.cmpi slt, %sub3A_152, %lt3A_153 : i32
      %convert_element_type3A_155 = arith.extui %lt3A_154 : i1 to i32
      %cond3A_156 = arith.constant 0 : i32
      %cond3A_157 = arith.cmpi ne, %convert_element_type3A_155, %cond3A_156 : i32
      scf.if %cond3A_157 {
        %add3A_263 = arith.constant 5 : i32
        %add3A_264 = arith.addi %add3A_143, %add3A_263 : i32
        %sub3A_265 = arith.constant 1 : i32
        %sub3A_266 = arith.subi %add3A_264, %sub3A_265 : i32
        %mul3A_267 = arith.constant 128 : i32
        %mul3A_268 = arith.muli %sub3A_266, %mul3A_267 : i32
        %dma_start3A_269 = tpu.memref_slice %arg8[%mul3A_268] : memref<6400xi32, #tpu.memory_space<vmem>> -> memref<128xi32, #tpu.memory_space<vmem>>
        %dma_start3A_270 = arith.constant 0 : i32
        %dma_start3A_271 = arith.constant 0 : i32
        %dma_start3A_272 = tpu.memref_slice %arg4[%dma_start3A_270, %dma_start3A_271] : memref<100000x64xf32, #tpu.memory_space<hbm>> -> memref<100000x64xf32, #tpu.memory_space<hbm>>
        tpu.enqueue_indirect_dma source(%dma_start3A_272 : memref<100000x64xf32, #tpu.memory_space<hbm>>) target(%arg14 : memref<128x64xf32, #tpu.memory_space<vmem>>) offsets(%dma_start3A_269 : memref<128xi32, #tpu.memory_space<vmem>>) semaphore(%arg24 : memref<!tpu.dma_semaphore, #tpu.memory_space<semaphore_mem>>)
        %dma_start3A_273 = tpu.memref_slice %arg9[%mul3A_268] : memref<6400xi32, #tpu.memory_space<vmem>> -> memref<128xi32, #tpu.memory_space<vmem>>
        %dma_start3A_274 = arith.constant 0 : i32
        %dma_start3A_275 = arith.constant 0 : i32
        %dma_start3A_276 = tpu.memref_slice %arg12[%dma_start3A_274, %dma_start3A_275] : memref<600x64xf32, #tpu.memory_space<vmem_shared>> -> memref<600x64xf32, #tpu.memory_space<vmem_shared>>
        tpu.enqueue_indirect_dma source(%dma_start3A_276 : memref<600x64xf32, #tpu.memory_space<vmem_shared>>) target(%arg19 : memref<128x64xf32, #tpu.memory_space<vmem>>) offsets(%dma_start3A_273 : memref<128xi32, #tpu.memory_space<vmem>>) semaphore(%arg29 : memref<!tpu.dma_semaphore, #tpu.memory_space<semaphore_mem>>)
      } else {
      }
      %dma_wait3A_158 = arith.constant 0 : i32
      %dma_wait3A_159 = tpu.memref_slice %arg8[%dma_wait3A_158] : memref<6400xi32, #tpu.memory_space<vmem>> -> memref<128xi32, #tpu.memory_space<vmem>>
      %dma_wait3A_160 = arith.constant 0 : i32
      %dma_wait3A_161 = arith.constant 0 : i32
      %dma_wait3A_162 = tpu.memref_slice %arg4[%dma_wait3A_160, %dma_wait3A_161] : memref<100000x64xf32, #tpu.memory_space<hbm>> -> memref<100000x64xf32, #tpu.memory_space<hbm>>
      tpu.wait_indirect_dma semaphore(%arg25 : memref<!tpu.dma_semaphore, #tpu.memory_space<semaphore_mem>>) src(%dma_wait3A_162 : memref<100000x64xf32, #tpu.memory_space<hbm>>) dst(%arg15 : memref<128x64xf32, #tpu.memory_space<vmem>>)
      %dma_wait3A_163 = arith.constant 0 : i32
      %dma_wait3A_164 = tpu.memref_slice %arg9[%dma_wait3A_163] : memref<6400xi32, #tpu.memory_space<vmem>> -> memref<128xi32, #tpu.memory_space<vmem>>
      %dma_wait3A_165 = arith.constant 0 : i32
      %dma_wait3A_166 = arith.constant 0 : i32
      %dma_wait3A_167 = tpu.memref_slice %arg12[%dma_wait3A_165, %dma_wait3A_166] : memref<600x64xf32, #tpu.memory_space<vmem_shared>> -> memref<600x64xf32, #tpu.memory_space<vmem_shared>>
      tpu.wait_indirect_dma semaphore(%arg30 : memref<!tpu.dma_semaphore, #tpu.memory_space<semaphore_mem>>) src(%dma_wait3A_167 : memref<600x64xf32, #tpu.memory_space<vmem_shared>>) dst(%arg20 : memref<128x64xf32, #tpu.memory_space<vmem>>)
      %scan3A_168 = arith.constant 0 : i32
      %scan3A_169 = arith.constant 0 : i32
      %scan3A_170 = arith.constant 128 : i32
      %scan3A_171 = arith.addi %scan3A_169, %scan3A_170 : i32
      %scan3A_172 = arith.constant 1 : i32
      scf.for %scan3A_263 = %scan3A_169 to %scan3A_171 step %scan3A_172  : i32 {
        %get3A = arith.index_cast %scan3A_263 : i32 to index
        %get3A_264 = arith.constant 0 : index
        %get3A_265 = tpu.vector_load %arg20[%get3A, %get3A_264] {strides = array<i32>} : memref<128x64xf32, #tpu.memory_space<vmem>>, vector<16xf32>,
        %get3A_266 = arith.index_cast %scan3A_263 : i32 to index
        %get3A_267 = arith.constant 0 : index
        %get3A_268 = tpu.vector_load %arg15[%get3A_266, %get3A_267] {strides = array<i32>} : memref<128x64xf32, #tpu.memory_space<vmem>>, vector<16xf32>,
        %add3A_269 = arith.addf %get3A_265, %get3A_268 : vector<16xf32>
        %swap3A = arith.index_cast %scan3A_263 : i32 to index
        %swap3A_270 = arith.constant 0 : index
        %swap3A_271 = tpu.vector_load %arg20[%swap3A, %swap3A_270] {strides = array<i32>} : memref<128x64xf32, #tpu.memory_space<vmem>>, vector<16xf32>,
        tpu.vector_store %arg20[%swap3A, %swap3A_270], %add3A_269 {strides = array<i32>} : memref<128x64xf32, #tpu.memory_space<vmem>>, vector<16xf32>,
        %get3A_272 = arith.index_cast %scan3A_263 : i32 to index
        %get3A_273 = arith.constant 16 : index
        %get3A_274 = tpu.vector_load %arg20[%get3A_272, %get3A_273] {strides = array<i32>} : memref<128x64xf32, #tpu.memory_space<vmem>>, vector<16xf32>,
        %get3A_275 = arith.index_cast %scan3A_263 : i32 to index
        %get3A_276 = arith.constant 16 : index
        %get3A_277 = tpu.vector_load %arg15[%get3A_275, %get3A_276] {strides = array<i32>} : memref<128x64xf32, #tpu.memory_space<vmem>>, vector<16xf32>,
        %add3A_278 = arith.addf %get3A_274, %get3A_277 : vector<16xf32>
        %swap3A_279 = arith.index_cast %scan3A_263 : i32 to index
        %swap3A_280 = arith.constant 16 : index
        %swap3A_281 = tpu.vector_load %arg20[%swap3A_279, %swap3A_280] {strides = array<i32>} : memref<128x64xf32, #tpu.memory_space<vmem>>, vector<16xf32>,
        tpu.vector_store %arg20[%swap3A_279, %swap3A_280], %add3A_278 {strides = array<i32>} : memref<128x64xf32, #tpu.memory_space<vmem>>, vector<16xf32>,
        %get3A_282 = arith.index_cast %scan3A_263 : i32 to index
        %get3A_283 = arith.constant 32 : index
        %get3A_284 = tpu.vector_load %arg20[%get3A_282, %get3A_283] {strides = array<i32>} : memref<128x64xf32, #tpu.memory_space<vmem>>, vector<16xf32>,
        %get3A_285 = arith.index_cast %scan3A_263 : i32 to index
        %get3A_286 = arith.constant 32 : index
        %get3A_287 = tpu.vector_load %arg15[%get3A_285, %get3A_286] {strides = array<i32>} : memref<128x64xf32, #tpu.memory_space<vmem>>, vector<16xf32>,
        %add3A_288 = arith.addf %get3A_284, %get3A_287 : vector<16xf32>
        %swap3A_289 = arith.index_cast %scan3A_263 : i32 to index
        %swap3A_290 = arith.constant 32 : index
        %swap3A_291 = tpu.vector_load %arg20[%swap3A_289, %swap3A_290] {strides = array<i32>} : memref<128x64xf32, #tpu.memory_space<vmem>>, vector<16xf32>,
        tpu.vector_store %arg20[%swap3A_289, %swap3A_290], %add3A_288 {strides = array<i32>} : memref<128x64xf32, #tpu.memory_space<vmem>>, vector<16xf32>,
        %get3A_292 = arith.index_cast %scan3A_263 : i32 to index
        %get3A_293 = arith.constant 48 : index
        %get3A_294 = tpu.vector_load %arg20[%get3A_292, %get3A_293] {strides = array<i32>} : memref<128x64xf32, #tpu.memory_space<vmem>>, vector<16xf32>,
        %get3A_295 = arith.index_cast %scan3A_263 : i32 to index
        %get3A_296 = arith.constant 48 : index
        %get3A_297 = tpu.vector_load %arg15[%get3A_295, %get3A_296] {strides = array<i32>} : memref<128x64xf32, #tpu.memory_space<vmem>>, vector<16xf32>,
        %add3A_298 = arith.addf %get3A_294, %get3A_297 : vector<16xf32>
        %swap3A_299 = arith.index_cast %scan3A_263 : i32 to index
        %swap3A_300 = arith.constant 48 : index
        %swap3A_301 = tpu.vector_load %arg20[%swap3A_299, %swap3A_300] {strides = array<i32>} : memref<128x64xf32, #tpu.memory_space<vmem>>, vector<16xf32>,
        tpu.vector_store %arg20[%swap3A_299, %swap3A_300], %add3A_298 {strides = array<i32>} : memref<128x64xf32, #tpu.memory_space<vmem>>, vector<16xf32>,
      }
      %scan3A_173 = arith.constant 128 : i32
      %add3A_174 = arith.addi %mul3A_2, %add3A_143 : i32
      %mul3A_175 = arith.constant 128 : i32
      %mul3A_176 = arith.muli %add3A_174, %mul3A_175 : i32
      %dma_start3A_177 = arith.constant 0 : i32
      %dma_start3A_178 = tpu.memref_slice %arg7[%mul3A_176, %dma_start3A_177] : memref<204800x64xf32, #tpu.memory_space<hbm>> -> memref<128x64xf32, #tpu.memory_space<hbm>>
      %dma_start3A_179 = arith.constant 0 : i32
      %dma_start3A_180 = tpu.memref_slice %arg7[%mul3A_176, %dma_start3A_179] : memref<204800x64xf32, #tpu.memory_space<hbm>> -> memref<128x64xf32, #tpu.memory_space<hbm>>
      tpu.enqueue_dma source(%arg20 : memref<128x64xf32, #tpu.memory_space<vmem>>) target(%dma_start3A_180 : memref<128x64xf32, #tpu.memory_space<hbm>>) target_semaphore(%arg35 : memref<!tpu.dma_semaphore, #tpu.memory_space<semaphore_mem>>)
      %mul3A_181 = arith.constant 5 : i32
      %mul3A_182 = arith.muli %scan3A_60, %mul3A_181 : i32
      %add3A_183 = arith.constant 3 : i32
      %add3A_184 = arith.addi %mul3A_182, %add3A_183 : i32
      %ge3A_185 = arith.constant 1 : i32
      %ge3A_186 = arith.cmpi sge, %add3A_184, %ge3A_185 : i32
      %convert_element_type3A_187 = arith.extui %ge3A_186 : i1 to i32
      %cond3A_188 = arith.constant 0 : i32
      %cond3A_189 = arith.cmpi ne, %convert_element_type3A_187, %cond3A_188 : i32
      scf.if %cond3A_189 {
        %dma_wait3A_263 = arith.constant 0 : i32
        %dma_wait3A_264 = arith.constant 0 : i32
        %dma_wait3A_265 = tpu.memref_slice %arg7[%dma_wait3A_263, %dma_wait3A_264] : memref<204800x64xf32, #tpu.memory_space<hbm>> -> memref<128x64xf32, #tpu.memory_space<hbm>>
        %dma_wait3A_266 = arith.constant 0 : i32
        %dma_wait3A_267 = arith.constant 0 : i32
        %dma_wait3A_268 = tpu.memref_slice %arg7[%dma_wait3A_266, %dma_wait3A_267] : memref<204800x64xf32, #tpu.memory_space<hbm>> -> memref<128x64xf32, #tpu.memory_space<hbm>>
        tpu.wait_dma2 semaphore(%arg35 : memref<!tpu.dma_semaphore, #tpu.memory_space<semaphore_mem>>) src(%arg20 : memref<128x64xf32, #tpu.memory_space<vmem>>) dst(%dma_wait3A_268 : memref<128x64xf32, #tpu.memory_space<hbm>>)
      } else {
      }
      %add3A_190 = arith.constant 5 : i32
      %add3A_191 = arith.addi %add3A_184, %add3A_190 : i32
      %sub3A_192 = arith.constant 1 : i32
      %sub3A_193 = arith.subi %add3A_191, %sub3A_192 : i32
      %lt3A_194 = arith.constant 50 : i32
      %lt3A_195 = arith.cmpi slt, %sub3A_193, %lt3A_194 : i32
      %convert_element_type3A_196 = arith.extui %lt3A_195 : i1 to i32
      %cond3A_197 = arith.constant 0 : i32
      %cond3A_198 = arith.cmpi ne, %convert_element_type3A_196, %cond3A_197 : i32
      scf.if %cond3A_198 {
        %add3A_263 = arith.constant 5 : i32
        %add3A_264 = arith.addi %add3A_184, %add3A_263 : i32
        %sub3A_265 = arith.constant 1 : i32
        %sub3A_266 = arith.subi %add3A_264, %sub3A_265 : i32
        %mul3A_267 = arith.constant 128 : i32
        %mul3A_268 = arith.muli %sub3A_266, %mul3A_267 : i32
        %dma_start3A_269 = tpu.memref_slice %arg8[%mul3A_268] : memref<6400xi32, #tpu.memory_space<vmem>> -> memref<128xi32, #tpu.memory_space<vmem>>
        %dma_start3A_270 = arith.constant 0 : i32
        %dma_start3A_271 = arith.constant 0 : i32
        %dma_start3A_272 = tpu.memref_slice %arg4[%dma_start3A_270, %dma_start3A_271] : memref<100000x64xf32, #tpu.memory_space<hbm>> -> memref<100000x64xf32, #tpu.memory_space<hbm>>
        tpu.enqueue_indirect_dma source(%dma_start3A_272 : memref<100000x64xf32, #tpu.memory_space<hbm>>) target(%arg15 : memref<128x64xf32, #tpu.memory_space<vmem>>) offsets(%dma_start3A_269 : memref<128xi32, #tpu.memory_space<vmem>>) semaphore(%arg25 : memref<!tpu.dma_semaphore, #tpu.memory_space<semaphore_mem>>)
        %dma_start3A_273 = tpu.memref_slice %arg9[%mul3A_268] : memref<6400xi32, #tpu.memory_space<vmem>> -> memref<128xi32, #tpu.memory_space<vmem>>
        %dma_start3A_274 = arith.constant 0 : i32
        %dma_start3A_275 = arith.constant 0 : i32
        %dma_start3A_276 = tpu.memref_slice %arg12[%dma_start3A_274, %dma_start3A_275] : memref<600x64xf32, #tpu.memory_space<vmem_shared>> -> memref<600x64xf32, #tpu.memory_space<vmem_shared>>
        tpu.enqueue_indirect_dma source(%dma_start3A_276 : memref<600x64xf32, #tpu.memory_space<vmem_shared>>) target(%arg20 : memref<128x64xf32, #tpu.memory_space<vmem>>) offsets(%dma_start3A_273 : memref<128xi32, #tpu.memory_space<vmem>>) semaphore(%arg30 : memref<!tpu.dma_semaphore, #tpu.memory_space<semaphore_mem>>)
      } else {
      }
      %dma_wait3A_199 = arith.constant 0 : i32
      %dma_wait3A_200 = tpu.memref_slice %arg8[%dma_wait3A_199] : memref<6400xi32, #tpu.memory_space<vmem>> -> memref<128xi32, #tpu.memory_space<vmem>>
      %dma_wait3A_201 = arith.constant 0 : i32
      %dma_wait3A_202 = arith.constant 0 : i32
      %dma_wait3A_203 = tpu.memref_slice %arg4[%dma_wait3A_201, %dma_wait3A_202] : memref<100000x64xf32, #tpu.memory_space<hbm>> -> memref<100000x64xf32, #tpu.memory_space<hbm>>
      tpu.wait_indirect_dma semaphore(%arg26 : memref<!tpu.dma_semaphore, #tpu.memory_space<semaphore_mem>>) src(%dma_wait3A_203 : memref<100000x64xf32, #tpu.memory_space<hbm>>) dst(%arg16 : memref<128x64xf32, #tpu.memory_space<vmem>>)
      %dma_wait3A_204 = arith.constant 0 : i32
      %dma_wait3A_205 = tpu.memref_slice %arg9[%dma_wait3A_204] : memref<6400xi32, #tpu.memory_space<vmem>> -> memref<128xi32, #tpu.memory_space<vmem>>
      %dma_wait3A_206 = arith.constant 0 : i32
      %dma_wait3A_207 = arith.constant 0 : i32
      %dma_wait3A_208 = tpu.memref_slice %arg12[%dma_wait3A_206, %dma_wait3A_207] : memref<600x64xf32, #tpu.memory_space<vmem_shared>> -> memref<600x64xf32, #tpu.memory_space<vmem_shared>>
      tpu.wait_indirect_dma semaphore(%arg31 : memref<!tpu.dma_semaphore, #tpu.memory_space<semaphore_mem>>) src(%dma_wait3A_208 : memref<600x64xf32, #tpu.memory_space<vmem_shared>>) dst(%arg21 : memref<128x64xf32, #tpu.memory_space<vmem>>)
      %scan3A_209 = arith.constant 0 : i32
      %scan3A_210 = arith.constant 0 : i32
      %scan3A_211 = arith.constant 128 : i32
      %scan3A_212 = arith.addi %scan3A_210, %scan3A_211 : i32
      %scan3A_213 = arith.constant 1 : i32
      scf.for %scan3A_263 = %scan3A_210 to %scan3A_212 step %scan3A_213  : i32 {
        %get3A = arith.index_cast %scan3A_263 : i32 to index
        %get3A_264 = arith.constant 0 : index
        %get3A_265 = tpu.vector_load %arg21[%get3A, %get3A_264] {strides = array<i32>} : memref<128x64xf32, #tpu.memory_space<vmem>>, vector<16xf32>,
        %get3A_266 = arith.index_cast %scan3A_263 : i32 to index
        %get3A_267 = arith.constant 0 : index
        %get3A_268 = tpu.vector_load %arg16[%get3A_266, %get3A_267] {strides = array<i32>} : memref<128x64xf32, #tpu.memory_space<vmem>>, vector<16xf32>,
        %add3A_269 = arith.addf %get3A_265, %get3A_268 : vector<16xf32>
        %swap3A = arith.index_cast %scan3A_263 : i32 to index
        %swap3A_270 = arith.constant 0 : index
        %swap3A_271 = tpu.vector_load %arg21[%swap3A, %swap3A_270] {strides = array<i32>} : memref<128x64xf32, #tpu.memory_space<vmem>>, vector<16xf32>,
        tpu.vector_store %arg21[%swap3A, %swap3A_270], %add3A_269 {strides = array<i32>} : memref<128x64xf32, #tpu.memory_space<vmem>>, vector<16xf32>,
        %get3A_272 = arith.index_cast %scan3A_263 : i32 to index
        %get3A_273 = arith.constant 16 : index
        %get3A_274 = tpu.vector_load %arg21[%get3A_272, %get3A_273] {strides = array<i32>} : memref<128x64xf32, #tpu.memory_space<vmem>>, vector<16xf32>,
        %get3A_275 = arith.index_cast %scan3A_263 : i32 to index
        %get3A_276 = arith.constant 16 : index
        %get3A_277 = tpu.vector_load %arg16[%get3A_275, %get3A_276] {strides = array<i32>} : memref<128x64xf32, #tpu.memory_space<vmem>>, vector<16xf32>,
        %add3A_278 = arith.addf %get3A_274, %get3A_277 : vector<16xf32>
        %swap3A_279 = arith.index_cast %scan3A_263 : i32 to index
        %swap3A_280 = arith.constant 16 : index
        %swap3A_281 = tpu.vector_load %arg21[%swap3A_279, %swap3A_280] {strides = array<i32>} : memref<128x64xf32, #tpu.memory_space<vmem>>, vector<16xf32>,
        tpu.vector_store %arg21[%swap3A_279, %swap3A_280], %add3A_278 {strides = array<i32>} : memref<128x64xf32, #tpu.memory_space<vmem>>, vector<16xf32>,
        %get3A_282 = arith.index_cast %scan3A_263 : i32 to index
        %get3A_283 = arith.constant 32 : index
        %get3A_284 = tpu.vector_load %arg21[%get3A_282, %get3A_283] {strides = array<i32>} : memref<128x64xf32, #tpu.memory_space<vmem>>, vector<16xf32>,
        %get3A_285 = arith.index_cast %scan3A_263 : i32 to index
        %get3A_286 = arith.constant 32 : index
        %get3A_287 = tpu.vector_load %arg16[%get3A_285, %get3A_286] {strides = array<i32>} : memref<128x64xf32, #tpu.memory_space<vmem>>, vector<16xf32>,
        %add3A_288 = arith.addf %get3A_284, %get3A_287 : vector<16xf32>
        %swap3A_289 = arith.index_cast %scan3A_263 : i32 to index
        %swap3A_290 = arith.constant 32 : index
        %swap3A_291 = tpu.vector_load %arg21[%swap3A_289, %swap3A_290] {strides = array<i32>} : memref<128x64xf32, #tpu.memory_space<vmem>>, vector<16xf32>,
        tpu.vector_store %arg21[%swap3A_289, %swap3A_290], %add3A_288 {strides = array<i32>} : memref<128x64xf32, #tpu.memory_space<vmem>>, vector<16xf32>,
        %get3A_292 = arith.index_cast %scan3A_263 : i32 to index
        %get3A_293 = arith.constant 48 : index
        %get3A_294 = tpu.vector_load %arg21[%get3A_292, %get3A_293] {strides = array<i32>} : memref<128x64xf32, #tpu.memory_space<vmem>>, vector<16xf32>,
        %get3A_295 = arith.index_cast %scan3A_263 : i32 to index
        %get3A_296 = arith.constant 48 : index
        %get3A_297 = tpu.vector_load %arg16[%get3A_295, %get3A_296] {strides = array<i32>} : memref<128x64xf32, #tpu.memory_space<vmem>>, vector<16xf32>,
        %add3A_298 = arith.addf %get3A_294, %get3A_297 : vector<16xf32>
        %swap3A_299 = arith.index_cast %scan3A_263 : i32 to index
        %swap3A_300 = arith.constant 48 : index
        %swap3A_301 = tpu.vector_load %arg21[%swap3A_299, %swap3A_300] {strides = array<i32>} : memref<128x64xf32, #tpu.memory_space<vmem>>, vector<16xf32>,
        tpu.vector_store %arg21[%swap3A_299, %swap3A_300], %add3A_298 {strides = array<i32>} : memref<128x64xf32, #tpu.memory_space<vmem>>, vector<16xf32>,
      }
      %scan3A_214 = arith.constant 128 : i32
      %add3A_215 = arith.addi %mul3A_2, %add3A_184 : i32
      %mul3A_216 = arith.constant 128 : i32
      %mul3A_217 = arith.muli %add3A_215, %mul3A_216 : i32
      %dma_start3A_218 = arith.constant 0 : i32
      %dma_start3A_219 = tpu.memref_slice %arg7[%mul3A_217, %dma_start3A_218] : memref<204800x64xf32, #tpu.memory_space<hbm>> -> memref<128x64xf32, #tpu.memory_space<hbm>>
      %dma_start3A_220 = arith.constant 0 : i32
      %dma_start3A_221 = tpu.memref_slice %arg7[%mul3A_217, %dma_start3A_220] : memref<204800x64xf32, #tpu.memory_space<hbm>> -> memref<128x64xf32, #tpu.memory_space<hbm>>
      tpu.enqueue_dma source(%arg21 : memref<128x64xf32, #tpu.memory_space<vmem>>) target(%dma_start3A_221 : memref<128x64xf32, #tpu.memory_space<hbm>>) target_semaphore(%arg36 : memref<!tpu.dma_semaphore, #tpu.memory_space<semaphore_mem>>)
      %mul3A_222 = arith.constant 5 : i32
      %mul3A_223 = arith.muli %scan3A_60, %mul3A_222 : i32
      %add3A_224 = arith.constant 4 : i32
      %add3A_225 = arith.addi %mul3A_223, %add3A_224 : i32
      %ge3A_226 = arith.constant 1 : i32
      %ge3A_227 = arith.cmpi sge, %add3A_225, %ge3A_226 : i32
      %convert_element_type3A_228 = arith.extui %ge3A_227 : i1 to i32
      %cond3A_229 = arith.constant 0 : i32
      %cond3A_230 = arith.cmpi ne, %convert_element_type3A_228, %cond3A_229 : i32
      scf.if %cond3A_230 {
        %dma_wait3A_263 = arith.constant 0 : i32
        %dma_wait3A_264 = arith.constant 0 : i32
        %dma_wait3A_265 = tpu.memref_slice %arg7[%dma_wait3A_263, %dma_wait3A_264] : memref<204800x64xf32, #tpu.memory_space<hbm>> -> memref<128x64xf32, #tpu.memory_space<hbm>>
        %dma_wait3A_266 = arith.constant 0 : i32
        %dma_wait3A_267 = arith.constant 0 : i32
        %dma_wait3A_268 = tpu.memref_slice %arg7[%dma_wait3A_266, %dma_wait3A_267] : memref<204800x64xf32, #tpu.memory_space<hbm>> -> memref<128x64xf32, #tpu.memory_space<hbm>>
        tpu.wait_dma2 semaphore(%arg36 : memref<!tpu.dma_semaphore, #tpu.memory_space<semaphore_mem>>) src(%arg21 : memref<128x64xf32, #tpu.memory_space<vmem>>) dst(%dma_wait3A_268 : memref<128x64xf32, #tpu.memory_space<hbm>>)
      } else {
      }
      %add3A_231 = arith.constant 5 : i32
      %add3A_232 = arith.addi %add3A_225, %add3A_231 : i32
      %sub3A_233 = arith.constant 1 : i32
      %sub3A_234 = arith.subi %add3A_232, %sub3A_233 : i32
      %lt3A_235 = arith.constant 50 : i32
      %lt3A_236 = arith.cmpi slt, %sub3A_234, %lt3A_235 : i32
      %convert_element_type3A_237 = arith.extui %lt3A_236 : i1 to i32
      %cond3A_238 = arith.constant 0 : i32
      %cond3A_239 = arith.cmpi ne, %convert_element_type3A_237, %cond3A_238 : i32
      scf.if %cond3A_239 {
        %add3A_263 = arith.constant 5 : i32
        %add3A_264 = arith.addi %add3A_225, %add3A_263 : i32
        %sub3A_265 = arith.constant 1 : i32
        %sub3A_266 = arith.subi %add3A_264, %sub3A_265 : i32
        %mul3A_267 = arith.constant 128 : i32
        %mul3A_268 = arith.muli %sub3A_266, %mul3A_267 : i32
        %dma_start3A_269 = tpu.memref_slice %arg8[%mul3A_268] : memref<6400xi32, #tpu.memory_space<vmem>> -> memref<128xi32, #tpu.memory_space<vmem>>
        %dma_start3A_270 = arith.constant 0 : i32
        %dma_start3A_271 = arith.constant 0 : i32
        %dma_start3A_272 = tpu.memref_slice %arg4[%dma_start3A_270, %dma_start3A_271] : memref<100000x64xf32, #tpu.memory_space<hbm>> -> memref<100000x64xf32, #tpu.memory_space<hbm>>
        tpu.enqueue_indirect_dma source(%dma_start3A_272 : memref<100000x64xf32, #tpu.memory_space<hbm>>) target(%arg16 : memref<128x64xf32, #tpu.memory_space<vmem>>) offsets(%dma_start3A_269 : memref<128xi32, #tpu.memory_space<vmem>>) semaphore(%arg26 : memref<!tpu.dma_semaphore, #tpu.memory_space<semaphore_mem>>)
        %dma_start3A_273 = tpu.memref_slice %arg9[%mul3A_268] : memref<6400xi32, #tpu.memory_space<vmem>> -> memref<128xi32, #tpu.memory_space<vmem>>
        %dma_start3A_274 = arith.constant 0 : i32
        %dma_start3A_275 = arith.constant 0 : i32
        %dma_start3A_276 = tpu.memref_slice %arg12[%dma_start3A_274, %dma_start3A_275] : memref<600x64xf32, #tpu.memory_space<vmem_shared>> -> memref<600x64xf32, #tpu.memory_space<vmem_shared>>
        tpu.enqueue_indirect_dma source(%dma_start3A_276 : memref<600x64xf32, #tpu.memory_space<vmem_shared>>) target(%arg21 : memref<128x64xf32, #tpu.memory_space<vmem>>) offsets(%dma_start3A_273 : memref<128xi32, #tpu.memory_space<vmem>>) semaphore(%arg31 : memref<!tpu.dma_semaphore, #tpu.memory_space<semaphore_mem>>)
      } else {
      }
      %dma_wait3A_240 = arith.constant 0 : i32
      %dma_wait3A_241 = tpu.memref_slice %arg8[%dma_wait3A_240] : memref<6400xi32, #tpu.memory_space<vmem>> -> memref<128xi32, #tpu.memory_space<vmem>>
      %dma_wait3A_242 = arith.constant 0 : i32
      %dma_wait3A_243 = arith.constant 0 : i32
      %dma_wait3A_244 = tpu.memref_slice %arg4[%dma_wait3A_242, %dma_wait3A_243] : memref<100000x64xf32, #tpu.memory_space<hbm>> -> memref<100000x64xf32, #tpu.memory_space<hbm>>
      tpu.wait_indirect_dma semaphore(%arg27 : memref<!tpu.dma_semaphore, #tpu.memory_space<semaphore_mem>>) src(%dma_wait3A_244 : memref<100000x64xf32, #tpu.memory_space<hbm>>) dst(%arg17 : memref<128x64xf32, #tpu.memory_space<vmem>>)
      %dma_wait3A_245 = arith.constant 0 : i32
      %dma_wait3A_246 = tpu.memref_slice %arg9[%dma_wait3A_245] : memref<6400xi32, #tpu.memory_space<vmem>> -> memref<128xi32, #tpu.memory_space<vmem>>
      %dma_wait3A_247 = arith.constant 0 : i32
      %dma_wait3A_248 = arith.constant 0 : i32
      %dma_wait3A_249 = tpu.memref_slice %arg12[%dma_wait3A_247, %dma_wait3A_248] : memref<600x64xf32, #tpu.memory_space<vmem_shared>> -> memref<600x64xf32, #tpu.memory_space<vmem_shared>>
      tpu.wait_indirect_dma semaphore(%arg32 : memref<!tpu.dma_semaphore, #tpu.memory_space<semaphore_mem>>) src(%dma_wait3A_249 : memref<600x64xf32, #tpu.memory_space<vmem_shared>>) dst(%arg22 : memref<128x64xf32, #tpu.memory_space<vmem>>)
      %scan3A_250 = arith.constant 0 : i32
      %scan3A_251 = arith.constant 0 : i32
      %scan3A_252 = arith.constant 128 : i32
      %scan3A_253 = arith.addi %scan3A_251, %scan3A_252 : i32
      %scan3A_254 = arith.constant 1 : i32
      scf.for %scan3A_263 = %scan3A_251 to %scan3A_253 step %scan3A_254  : i32 {
        %get3A = arith.index_cast %scan3A_263 : i32 to index
        %get3A_264 = arith.constant 0 : index
        %get3A_265 = tpu.vector_load %arg22[%get3A, %get3A_264] {strides = array<i32>} : memref<128x64xf32, #tpu.memory_space<vmem>>, vector<16xf32>,
        %get3A_266 = arith.index_cast %scan3A_263 : i32 to index
        %get3A_267 = arith.constant 0 : index
        %get3A_268 = tpu.vector_load %arg17[%get3A_266, %get3A_267] {strides = array<i32>} : memref<128x64xf32, #tpu.memory_space<vmem>>, vector<16xf32>,
        %add3A_269 = arith.addf %get3A_265, %get3A_268 : vector<16xf32>
        %swap3A = arith.index_cast %scan3A_263 : i32 to index
        %swap3A_270 = arith.constant 0 : index
        %swap3A_271 = tpu.vector_load %arg22[%swap3A, %swap3A_270] {strides = array<i32>} : memref<128x64xf32, #tpu.memory_space<vmem>>, vector<16xf32>,
        tpu.vector_store %arg22[%swap3A, %swap3A_270], %add3A_269 {strides = array<i32>} : memref<128x64xf32, #tpu.memory_space<vmem>>, vector<16xf32>,
        %get3A_272 = arith.index_cast %scan3A_263 : i32 to index
        %get3A_273 = arith.constant 16 : index
        %get3A_274 = tpu.vector_load %arg22[%get3A_272, %get3A_273] {strides = array<i32>} : memref<128x64xf32, #tpu.memory_space<vmem>>, vector<16xf32>,
        %get3A_275 = arith.index_cast %scan3A_263 : i32 to index
        %get3A_276 = arith.constant 16 : index
        %get3A_277 = tpu.vector_load %arg17[%get3A_275, %get3A_276] {strides = array<i32>} : memref<128x64xf32, #tpu.memory_space<vmem>>, vector<16xf32>,
        %add3A_278 = arith.addf %get3A_274, %get3A_277 : vector<16xf32>
        %swap3A_279 = arith.index_cast %scan3A_263 : i32 to index
        %swap3A_280 = arith.constant 16 : index
        %swap3A_281 = tpu.vector_load %arg22[%swap3A_279, %swap3A_280] {strides = array<i32>} : memref<128x64xf32, #tpu.memory_space<vmem>>, vector<16xf32>,
        tpu.vector_store %arg22[%swap3A_279, %swap3A_280], %add3A_278 {strides = array<i32>} : memref<128x64xf32, #tpu.memory_space<vmem>>, vector<16xf32>,
        %get3A_282 = arith.index_cast %scan3A_263 : i32 to index
        %get3A_283 = arith.constant 32 : index
        %get3A_284 = tpu.vector_load %arg22[%get3A_282, %get3A_283] {strides = array<i32>} : memref<128x64xf32, #tpu.memory_space<vmem>>, vector<16xf32>,
        %get3A_285 = arith.index_cast %scan3A_263 : i32 to index
        %get3A_286 = arith.constant 32 : index
        %get3A_287 = tpu.vector_load %arg17[%get3A_285, %get3A_286] {strides = array<i32>} : memref<128x64xf32, #tpu.memory_space<vmem>>, vector<16xf32>,
        %add3A_288 = arith.addf %get3A_284, %get3A_287 : vector<16xf32>
        %swap3A_289 = arith.index_cast %scan3A_263 : i32 to index
        %swap3A_290 = arith.constant 32 : index
        %swap3A_291 = tpu.vector_load %arg22[%swap3A_289, %swap3A_290] {strides = array<i32>} : memref<128x64xf32, #tpu.memory_space<vmem>>, vector<16xf32>,
        tpu.vector_store %arg22[%swap3A_289, %swap3A_290], %add3A_288 {strides = array<i32>} : memref<128x64xf32, #tpu.memory_space<vmem>>, vector<16xf32>,
        %get3A_292 = arith.index_cast %scan3A_263 : i32 to index
        %get3A_293 = arith.constant 48 : index
        %get3A_294 = tpu.vector_load %arg22[%get3A_292, %get3A_293] {strides = array<i32>} : memref<128x64xf32, #tpu.memory_space<vmem>>, vector<16xf32>,
        %get3A_295 = arith.index_cast %scan3A_263 : i32 to index
        %get3A_296 = arith.constant 48 : index
        %get3A_297 = tpu.vector_load %arg17[%get3A_295, %get3A_296] {strides = array<i32>} : memref<128x64xf32, #tpu.memory_space<vmem>>, vector<16xf32>,
        %add3A_298 = arith.addf %get3A_294, %get3A_297 : vector<16xf32>
        %swap3A_299 = arith.index_cast %scan3A_263 : i32 to index
        %swap3A_300 = arith.constant 48 : index
        %swap3A_301 = tpu.vector_load %arg22[%swap3A_299, %swap3A_300] {strides = array<i32>} : memref<128x64xf32, #tpu.memory_space<vmem>>, vector<16xf32>,
        tpu.vector_store %arg22[%swap3A_299, %swap3A_300], %add3A_298 {strides = array<i32>} : memref<128x64xf32, #tpu.memory_space<vmem>>, vector<16xf32>,
      }
      %scan3A_255 = arith.constant 128 : i32
      %add3A_256 = arith.addi %mul3A_2, %add3A_225 : i32
      %mul3A_257 = arith.constant 128 : i32
      %mul3A_258 = arith.muli %add3A_256, %mul3A_257 : i32
      %dma_start3A_259 = arith.constant 0 : i32
      %dma_start3A_260 = tpu.memref_slice %arg7[%mul3A_258, %dma_start3A_259] : memref<204800x64xf32, #tpu.memory_space<hbm>> -> memref<128x64xf32, #tpu.memory_space<hbm>>
      %dma_start3A_261 = arith.constant 0 : i32
      %dma_start3A_262 = tpu.memref_slice %arg7[%mul3A_258, %dma_start3A_261] : memref<204800x64xf32, #tpu.memory_space<hbm>> -> memref<128x64xf32, #tpu.memory_space<hbm>>
      tpu.enqueue_dma source(%arg22 : memref<128x64xf32, #tpu.memory_space<vmem>>) target(%dma_start3A_262 : memref<128x64xf32, #tpu.memory_space<hbm>>) target_semaphore(%arg37 : memref<!tpu.dma_semaphore, #tpu.memory_space<semaphore_mem>>)
    }
    %scan3A_54 = arith.constant 10 : i32
    %dma_wait3A = arith.constant 0 : i32
    %dma_wait3A_55 = arith.constant 0 : i32
    %dma_wait3A_56 = tpu.memref_slice %arg7[%dma_wait3A, %dma_wait3A_55] : memref<204800x64xf32, #tpu.memory_space<hbm>> -> memref<128x64xf32, #tpu.memory_space<hbm>>
    %dma_wait3A_57 = arith.constant 0 : i32
    %dma_wait3A_58 = arith.constant 0 : i32
    %dma_wait3A_59 = tpu.memref_slice %arg7[%dma_wait3A_57, %dma_wait3A_58] : memref<204800x64xf32, #tpu.memory_space<hbm>> -> memref<128x64xf32, #tpu.memory_space<hbm>>
    tpu.wait_dma2 semaphore(%arg37 : memref<!tpu.dma_semaphore, #tpu.memory_space<semaphore_mem>>) src(%arg22 : memref<128x64xf32, #tpu.memory_space<vmem>>) dst(%dma_wait3A_59 : memref<128x64xf32, #tpu.memory_space<hbm>>)
    return
  }
}

</mosaic_0001>

<sc_bundles>
// kernel: kernel.3.cloned.1.call-start
scs
__scs_entry_jumppad:
0x0: {  	(pc) =	sbr.rel $0x88, $3  }
0x1: {  	(tag) =	ssettag $0x0;
	lr =	simm.s32 $0x1  }
0x2: {  	[smem:$0x3F9C] =	sst lr;
	_ =	strace $0xD0000000  }
0x3: {  	_ = 	snop  }
0x4: {  	_ = 	snop  }
0x5: {  	_ = 	snop  }
0x6: {  	_ = 	snop  }
0x7: {  	_ = 	snop  }
__scs_overlays_trampoline_lowered:
0x8: {  	[smem:$0x3FAB] =	sst s0  }
0x9: {  	[smem:$0x3FAC] =	sst s1  }
0xa: {  	[smem:$0x3FAD] =	sst s2  }
0xb: {  	[smem:$0x3FAE] =	sst s3  }
0xc: {  	[smem:$0x3FAF] =	sst s4  }
0xd: {  	[smem:$0x3FB0] =	sst s5  }
0xe: {  	[smem:$0x3FB1] =	sst s6  }
0xf: {  	[smem:$0x3FB2] =	sst s7  }
0x10: {  	[smem:$0x3FB3] =	sst s8  }
0x11: {  	[smem:$0x3FB4] =	sst s9;
	s0 =	simm.s32 @!p0 $0x0  }
0x12: {  	s1 =	sld [smem:$0x3F9A];
	s0 =	simm.s32 @p0 $0x1  }
0x13: {  	[smem:$0x3FB5] =	sst s0;
	s0 =	simm.s32 @!p1 $0x0  }
0x14: {  	s2 =	sld [smem:$0x3F99];
	s0 =	simm.s32 @p1 $0x1  }
0x15: {  	[smem:$0x3FB6] =	sst s0;
	s0 =	simm.s32 @!p2 $0x0  }
0x16: {  	s3 =	sld [smem:$0x3FDB];
	s0 =	simm.s32 @p2 $0x1  }
0x17: {  	s4 =	simm.s32 $0x1BF5;
	[smem:$0x3FB8] =	sst s0  }
0x18: {  	s0 =	sld [smem:$0x3F9B];
	_ =	swait.ge [sflag:s4], $0x0  }
0x19: {  	s7 =	sld [smem:$0x3F9C]  }
0x1a: {  	s8 =	sadd.s32 $0xFFFFE003, lr  }
0x1b: {  	s9 =	sadd.s32 $0xFFFFFEF7, lr;
	s5 =	simm.s32 $0xFFFFFFFF;
	p2 =	slt.u32 s8, $0xFFFFF086  }
0x1c: {  	p1 =	slt.u32 s9, $0xF7A;
	s5 =	simm.s32 @!p2 $0x0  }
0x1d: {  	s5 =	simm.s32 @p1 $0x1;
	p0 =	seq.s32 s7, s2  }
0x1e: {  	s7 =	smul.u32 @!p0 $0xF7A, s2;
	p2 =	seq.s32 @!p0 s5, $0x0  }
0x1f: {  	s9 =	smul.u32 $0xF7A, s1;
	s8 =	simm.s32 @!p0 $0x1BF5;
	p2 =	por !p2, p0  }
0x20: {  	[sflag:s8] =	ssyncset.s32 @!p0 $0xFFFFF086;
	s6 =	sadd.s32 @!p0 s3, s7;
	s7 =	simm.s32 @!p0 $0x108  }
0x21: {  	s3 =	sadd.s32 s3, s9;
	s6 =	sadd.s32 @!p0 $0x88, s6;
	s7 =	simm.s32 @p2 $0x1082  }
0x22: {  	[simem:s7], [sflag:s8] =	dma.local @!p0 [hbm:s6], $0xF7A  }
0x23: {  	s9 =	sor.u32 $0xD0000000, s2;
	s6 =	simm.s32 $0x108;
	_ =	swait.ge @!p0 [sflag:s8], $0x0  }
0x24: {  	s3 =	sadd.s32 $0x88, s3;
	s6 =	simm.s32 @!p1 $0x1082;
	[sflag:s4] =	ssyncset.s32 $0xFFFFF086  }
0x25: {  	[simem:s6], [sflag:s4] =	dma.local [hbm:s3], $0xF7A  }
0x26: {  	[smem:$0x3F9C] =	sst s1;
	(tag) =	ssettag s2;
	_ =	strace s9  }
0x27: {  	s1 =	sld [smem:$0x3FAC]  }
0x28: {  	s2 =	sld [smem:$0x3FAD]  }
0x29: {  	s4 =	sld [smem:$0x3FAF]  }
0x2a: {  	p0 =	seq.s32 s5, $0x0;
	s5 =	sld [smem:$0x3FB0]  }
0x2b: {  	s6 =	sld [smem:$0x3FB1]  }
0x2c: {  	s7 =	sld [smem:$0x3FB2]  }
0x2d: {  	s3 =	simm.s32 $0x108;
	s8 =	sld [smem:$0x3FB3]  }
0x2e: {  	s3 =	simm.s32 @!p0 $0x1082;
	s9 =	sld [smem:$0x3FB4]  }
0x2f: {  	lr =	sadd.s32 s0, s3;
	s0 =	sld [smem:$0x3FAB]  }
0x30: {  	s3 =	sld [smem:$0x3FAE]  }
0x31: {  	[smem:$0x3FB7] =	sst s10  }
0x32: {  	s10 =	sld [smem:$0x3FB5];
	_ =	sdelay $0x3  }
0x33: {  	p0 =	seq.s32 s10, $0x1;
	s10 =	sld [smem:$0x3FB7];
	_ =	sdelay $0x3  }
0x34: {  	[smem:$0x3FB7] =	sst s10  }
0x35: {  	s10 =	sld [smem:$0x3FB6];
	_ =	sdelay $0x3  }
0x36: {  	p1 =	seq.s32 s10, $0x1;
	s10 =	sld [smem:$0x3FB7];
	_ =	sdelay $0x3  }
0x37: {  	[smem:$0x3FB7] =	sst s10  }
0x38: {  	s10 =	sld [smem:$0x3FB8]  }
0x39: {  	_ = 	snop;
	(pc) =	sbr.ind lr, $3  }
0x3a: {  	_ = 	snop  }
0x3b: {  	_ = 	snop  }
0x3c: {  	p2 =	seq.s32 s10, $0x1;
	s10 =	sld [smem:$0x3FB7]  }
0x3d: {  	_ =	shalt  }
0x3e: {  	_ =	shalt  }
0x3f: {  	_ =	shalt  }
0x40: {  	_ =	shalt  }
0x41: {  	_ =	shalt  }
0x42: {  	_ =	shalt  }
0x43: {  	_ =	shalt  }
0x44: {  	_ =	shalt  }
0x45: {  	_ =	shalt  }
0x46: {  	_ =	shalt  }
0x47: {  	_ =	shalt  }
0x48: {  	_ =	shalt  }
0x49: {  	_ =	shalt  }
0x4a: {  	_ =	shalt  }
0x4b: {  	_ =	shalt  }
0x4c: {  	_ =	shalt  }
0x4d: {  	_ =	shalt  }
0x4e: {  	_ =	shalt  }
0x4f: {  	_ =	shalt  }
0x50: {  	_ =	shalt  }
0x51: {  	_ =	shalt  }
0x52: {  	_ =	shalt  }
0x53: {  	_ =	shalt  }
0x54: {  	_ =	shalt  }
0x55: {  	_ =	shalt  }
0x56: {  	_ =	shalt  }
0x57: {  	_ =	shalt  }
0x58: {  	_ =	shalt  }
0x59: {  	_ =	shalt  }
0x5a: {  	_ =	shalt  }
0x5b: {  	_ =	shalt  }
0x5c: {  	_ =	shalt  }
0x5d: {  	_ =	shalt  }
0x5e: {  	_ =	shalt  }
0x5f: {  	_ =	shalt  }
0x60: {  	_ =	shalt  }
0x61: {  	_ =	shalt  }
0x62: {  	_ =	shalt  }
0x63: {  	_ =	shalt  }
0x64: {  	_ =	shalt  }
0x65: {  	_ =	shalt  }
0x66: {  	_ =	shalt  }
0x67: {  	_ =	shalt  }
0x68: {  	_ =	shalt  }
0x69: {  	_ =	shalt  }
0x6a: {  	_ =	shalt  }
0x6b: {  	_ =	shalt  }
0x6c: {  	_ =	shalt  }
0x6d: {  	_ =	shalt  }
0x6e: {  	_ =	shalt  }
0x6f: {  	_ =	shalt  }
0x70: {  	_ =	shalt  }
0x71: {  	_ =	shalt  }
0x72: {  	_ =	shalt  }
0x73: {  	_ =	shalt  }
0x74: {  	_ =	shalt  }
0x75: {  	_ =	shalt  }
0x76: {  	_ =	shalt  }
0x77: {  	_ =	shalt  }
0x78: {  	_ =	shalt  }
0x79: {  	_ =	shalt  }
0x7a: {  	_ =	shalt  }
0x7b: {  	_ =	shalt  }
0x7c: {  	_ =	shalt  }
0x7d: {  	_ =	shalt  }
0x7e: {  	_ =	shalt  }
0x7f: {  	_ =	shalt  }
0x80: {  	_ =	shalt  }
0x81: {  	_ =	shalt  }
0x82: {  	_ =	shalt  }
0x83: {  	_ =	shalt  }
0x84: {  	_ =	shalt  }
0x85: {  	_ =	shalt  }
0x86: {  	_ =	shalt  }
0x87: {  	_ =	shalt  }
.Lfunc_end0:
.L_simem_size_0:
called_computation.1_lowered:
.L_overlay_start_0:
0x88: {  	s2 =	sld [smem:$0x3FD9]  }
0x89: {  	s3 =	sld [smem:$0x3FFE];
	_ =	sdelay $0x1  }
0x8a: {  	s1 =	srdreg.scid  }
0x8b: {  	s0 =	sand.u32 $0x1, s1  }
0x8c: {  	s17 =	sshll.u32 s0, $0xA;
	s2 =	sadd.s32 s3, s2  }
0x8d: {  	s2 =	sadd.s32 s2, s17  }
0x8e: {  	[smem:$0x3FC3] =	sst s2  }
0x8f: {  	_ = 	snop  }
0x90: {  	s2 =	sld [smem:$0x3FD0];
	(tm) =	ssettm $0x1  }
0x91: {  	s18 =	sld [smem:$0x3FFB];
	_ =	sdelay $0x3  }
0x92: {  	_ =	strace s18  }
0x93: {  	s3 =	sld [smem:$0x3FFC];
	_ =	sdelay $0x3  }
0x94: {  	_ =	strace s3  }
0x95: {  	s3 =	sld [smem:$0x3FFD];
	_ =	sdelay $0x3  }
0x96: {  	_ =	strace s3  }
0x97: {  	_ =	strace $0x8FFFFFFF  }
0x98: {  	s19 =	sld [smem:$0x3FDB];
	_ =	sdelay $0x1  }
0x99: {  	s4 =	simm.s32 $_scs_section_size  }
0x9a: {  	s5 =	simm.s32 $_size__tile_overlayer_lowered;
	s6 =	simm.s32 $_tile_overlayer_lowered  }
0x9b: {  	s22 =	simm.s32 $0x1BFF;
	s21 =	sshll.u32 s6, $0x1;
	s3 =	sadd.s32 s4, s19  }
0x9c: {  	s7 =	simm.s32 $0x0;
	s20 =	sshll.u32 s5, $0x1;
	s5 =	sadd.s32 s21, s3  }
0x9d: {  	[timem:s7], [sflag:s22] =	dma.local [hbm:s5], s20  }
0x9e: {  	_ =	swait.ge [sflag:s22], s20  }
0x9f: {  	s4 =	ssub.s32 $0x0, s20;
	[sflag:s22] =	ssyncset.done $0x0  }
0xa0: {  	[sflag:s22] =	ssyncadd.s32 s4;
	_ =	sdelay $0x1  }
0xa1: {  	s23 =	simm.s32 $0x1B8B  }
0xa2: {  	_ =	swait.ge [sflag:s23], $0x1  }
0xa3: {  	[sflag:s23] =	ssyncset.done $0x0  }
0xa4: {  	s25 =	simm.s32 $0x1B8E;
	s24 =	sld [smem:$0x3FFE];
	[sflag:s23] =	ssyncadd.s32 $0xFFFFFFFF  }
0xa5: {  	s26 =	simm.s32 $execute0_lowered;
	[smem:$0x3FD2] =	sst s25  }
0xa6: {  	s5 =	sshll.u32 s26, $0x1;
	_ =	strace $0x80000046;
	[dreg:$0x1] =	wrdreg $0xFFFFFFFF  }
0xa7: {  	s28 =	simm.s32 $_size_execute0_lowered;
	s3 =	sadd.s32 s3, s5;
	[dreg:$0x0] =	wrdreg $0x0  }
0xa8: {  	s5 =	sshll.u32 s28, $0x1;
	[dreg:$0x2] =	wrdreg s3  }
0xa9: {  	[dreg:$0x3] =	wrdreg s5  }
0xaa: {  	[dreg:$0x4] =	wrdreg $0xC0  }
0xab: {  	_ =	task [dreg:s7], $0x5FFFF  }
0xac: {  	[dreg:$0x1] =	wrdreg $0xFFFFFFFF  }
0xad: {  	[dreg:$0x0] =	wrdreg $0x60  }
0xae: {  	[dreg:$0x2] =	wrdreg s24  }
0xaf: {  	[dreg:$0x3] =	wrdreg s2  }
0xb0: {  	[dreg:$0x4] =	wrdreg $0x64C00  }
0xb1: {  	[dreg:$0x5] =	wrdreg $0x9  }
0xb2: {  	_ =	task.clear_ibuf [dreg:s7], $0x6FFFF;
	_ =	strace $0x90000046  }
0xb3: {  	s29 =	simm.s32 $0x9;
	_ =	strace $0x80000048  }
0xb4: {  	_ =	swait.ge [sflag:s29], $0x1  }
0xb5: {  	[sflag:s29] =	ssyncadd.s32 $0xFFFFFFFF  }
0xb6: {  	_ =	strace $0x90000048  }
0xb7: {  	_ =	sfence  }
0xb8: {  	s30 =	sld [smem:$0x0];
	_ =	sdelay $0x2  }
0xb9: {  	s31 =	sshll.u32 s1, $0xD;
	s1 =	sshrl.u32 s1, $0x2  }
0xba: {  	s3 =	sand.u32 $0x4000, s31;
	s1 =	sadd.s32 s1, s30  }
0xbb: {  	s0 =	sor.u32 s3, s0;
	s1 =	sshll.u32 s1, $0x11  }
0xbc: {  	s0 =	sor.u32 s1, s0  }
0xbd: {  	s0 =	sadd.s32 $0x8F2B, s0  }
0xbe: {  	[sflag:s0] =	ssyncadd.remote.s32 $0x1  }
0xbf: {  	_ =	sfence.sel $0xFFFF  }
0xc0: {  	[dreg:$0x0] =	wrdreg $0xFFFFFFFF;
	(pc) =	sbr.abs _section_cstart, $3  }
0xc1: {  	[dreg:$0x1] =	wrdreg $0xFFFFFFFF  }
0xc2: {  	_ =	task.clear_ibuf [dreg:s7], $0x2FFFF;
	_ =	strace $0x9FFFFFFF  }
0xc3: {  	(tm) =	ssettm $0x7FFFFFFF  }
tec
execute0_lowered:
.L_overlay_start_1:
0x0: {  	(tag) =	ssettag $0x1  }
0x1: {  	s1 =	rddreg [dreg:$0x0]  }
0x2: {  	s0 =	rddreg [dreg:$0x1]  }
0x3: {  	s3 =	srdreg.scid;
	s5 =	stileid.u32  }
0x4: {  	s2 =	rddreg [dreg:$0x2];
	s11 =	simm.s32 $0x18E20;
	s12 =	simm.s32 $0x1  }
0x5: {  	s13 =	simm.s32 $0x6;
	s29 =	simm.s32 $0xC;
	s30 =	simm.s32 $0x3  }
0x6: {  	s31 =	simm.s32 $0x8;
	s19 =	simm.s32 $0xE;
	s4 =	sand.u32 $0x1, s3  }
0x7: {  	s6 =	sshll.u32 s5, $0x1;
	s3 =	simm.s32 $0x0;
	s10 =	sadd.s32 $0x800, s1  }
0x8: {  	s24 =	sadd.s32 $0x1E00, s2;
	s25 =	sadd.s32 $0x3C00, s2;
	[smem:$0x7FF] =	sst s3  }
0x9: {  	s26 =	sadd.s32 $0x5A00, s2;
	_ =	strace $0x80000047;
	[dreg:$0x4] =	wrdreg s10  }
0xa: {  	s28 =	sadd.s32 $0x7800, s2;
	p0 =	sne.s32 s5, $0x0;
	[dreg:$0x8] =	wrdreg s24  }
0xb: {  	s5 =	simm.s32 $0x9;
	s6 =	sor.u32 s4, s6;
	[dreg:$0x9] =	wrdreg s25  }
0xc: {  	s8 =	ssub.s32 $0x2, s4;
	s4 =	sadd.s32 $0xDA00, s1;
	[dreg:$0xa] =	wrdreg s26  }
0xd: {  	s7 =	smul.u32 $0x320, s6;
	s20 =	sshrl.u32 s8, $0x1;
	[dreg:$0xb] =	wrdreg s28  }
0xe: {  	s24 =	simm.s32 $0xB;
	s25 =	simm.s32 $0x2;
	s26 =	simm.s32 $0x7  }
0xf: {  	s10 =	simm.s32 $0x0;
	s21 =	ssub.s32 s8, s20;
	s20 =	simm.s32 $0xD  }
0x10: {  	s8 =	simm.s32 $0x5;
	s9 =	sadd.s32 s7, s1;
	s1 =	sadd.s32 $0xA00, s1  }
0x11: {  	s7 =	smul.u32 $0x32, s6;
	[dreg:$0x5] =	wrdreg s1;
	s22 =	sadd.s32 $0x1200, s9  }
0x12: {  	s23 =	sadd.s32 $0x7600, s9;
	s1 =	smax.u32 s21, $0x1;
	[dreg:$0x6] =	wrdreg s22  }
0x13: {  	s21 =	simm.s32 $0x4;
	s9 =	simm.s32 $0xA;
	[dreg:$0x7] =	wrdreg s23  }
0x14: {  	s22 =	sor.u32 $0x1, s7;
	s15 =	sadd.s32 $0x2, s7;
	[dreg:$0xd] =	wrdreg s1  }
0x15: {  	v0 =	vlaneseq.u32;
	s16 =	sadd.s32 $0x3, s7;
	s23 =	simm.s32 $0x80;
	[dreg:$0xc] =	wrdreg s22  }
.LBB2_1:
0x16: {  	s14 =	simm.s32 $0x0  }
0x17: {  	s1 =	rddreg [dreg:$0x6];
	s6 =	simm.s32 $0x20;
	s17 =	simm.s32 $0x10;
	v2 =	vor.u32 s14, v0  }
0x18: {  	[tilespmem:s3], [sflag:$0x10] =	stream.linear.gather [hbm4b:s1+s3], $0x1900, $0x38;
	v3 =	vor.u32 s6, v0;
	v4 =	vmulhi.u32 $0x51EB851F, v2;
	[tilespmem:$0x1AE20] =	vst v63  }
0x19: {  	[dreg:$0xe] =	wrdreg s10;
	s22 =	simm.s32 $0x40;
	s14 =	simm.s32 $0x10;
	v5 =	vor.u32 s17, v0;
	v6 =	vmulhi.u32 $0x51EB851F, v3  }
0x1a: {  	s18 =	simm.s32 $0x30;
	s28 =	simm.s32 $0x50;
	v9 =	vor.u32 s22, v0;
	_ =	swait.ge [sflag:s14], $0x1900;
	v8 =	vmulhi.u32 $0x51EB851F, v5  }
0x1b: {  	v7 =	vor.u32 s18, v0;
	s18 =	simm.s32 $0x60;
	s17 =	simm.s32 $0x1900;
	v10 =	vmulhi.u32 $0x51EB851F, v9;
	[sflag:s14] =	ssyncset.done $0x0  }
0x1c: {  	v11 =	vor.u32 s28, v0;
	s28 =	simm.s32 $0x70;
	v12 =	vmulhi.u32 $0x51EB851F, v7;
	s22 =	rddreg [dreg:$0x7];
	[sflag:s14] =	ssyncadd.s32 $0xFFFFE700  }
0x1d: {  	v1 =	vor.u32 s18, v0;
	v13 =	vor.u32 s28, v0;
	v15 =	vmulhi.u32 $0x51EB851F, v11;
	[tilespmem:s17], [sflag:$0x10] =	stream.linear.gather [hbm4b:s22+s3], $0x1900, $0x38;
	[tilespmem:$0x1AE20] =	vst v63  }
0x1e: {  	v14 =	vmulhi.u32 $0x51EB851F, v13;
	v6 =	vshrl.u32 v6, $0x6;
	v8 =	vshrl.u32 v8, $0x6;
	_ =	swait.ge [sflag:s14], $0x1900  }
0x1f: {  	v10 =	vshrl.u32 v10, $0x6;
	v12 =	vshrl.u32 v12, $0x6;
	v4 =	vshrl.u32 v4, $0x6;
	[sflag:s14] =	ssyncset.done $0x0  }
0x20: {  	s10 =	simm.s32 $0x1940;
	v6 =	vmul.u32 $0xC8, v6;
	v12 =	vmul.u32 $0xC8, v12;
	v4 =	vmul.u32 $0xC8, v4;
	[sflag:s14] =	ssyncadd.s32 $0xFFFFE700  }
0x21: {  	v8 =	vmul.u32 $0xC8, v8;
	v17 =	vmul.u32 $0xC8, v10;
	v10 =	vshrl.u32 v14, $0x6;
	v16 =	vld [tilespmem:s10+$0xFFFFFFC0]  }
0x22: {  	v12 =	vsub.s32 v7, v12;
	v7 =	vmul.u32 $0xC8, v10;
	v2 =	vsub.s32 v2, v4;
	v62 =	vld [tilespmem:s10+$0x30]  }
0x23: {  	v4 =	vshrl.u32 v15, $0x6;
	v5 =	vsub.s32 v5, v8;
	v6 =	vsub.s32 v3, v6  }
0x24: {  	v8 =	vmulhi.u32 $0x51EB851F, v1;
	v2 =	vmul.u32 $0x3, v2;
	v3 =	vsub.s32 v13, v7;
	v7 =	vld [tilespmem:s10+$0xFFFFFFF0]  }
0x25: {  	v9 =	vsub.s32 v9, v17;
	v4 =	vmul.u32 $0xC8, v4;
	v13 =	vmul.u32 $0x3, v3  }
0x26: {  	v10 =	vmul.u32 $0x3, v12;
	v8 =	vshrl.u32 v8, $0x6;
	v3 =	vld [tilespmem:s10+$0x0];
	v63 =	vadd.s32 v2, v16  }
0x27: {  	s18 =	simm.s32 $0x19C0;
	s17 =	simm.s32 $0xF0;
	v4 =	vsub.s32 v11, v4;
	v2 =	vmul.u32 $0x3, v5;
	v5 =	vld [tilespmem:s10+$0xFFFFFFE0];
	v11 =	vadd.s32 v13, v62;
	[tilespmem:s10+$0xFFFFFFC0] =	vst v63  }
.LBB2_2:
0x28: {  	s1 =	sadd.s32 $0xFFFFFF90, s17  }
0x29: {  	s6 =	sadd.s32 $0xFFFFFFA0, s17;
	s28 =	sadd.s32 $0xFFFFFFB0, s17;
	v6 =	vmul.u32 $0x3, v6;
	v7 =	vadd.s32 v10, v7;
	v8 =	vmul.u32 $0xC8, v8;
	[tilespmem:s10+$0x30] =	vst v11;
	s22 =	smov.u32 s17  }
0x2a: {  	s14 =	sadd.s32 $0xFFFFFFE0, s17;
	v10 =	vor.u32 s1, v0;
	v11 =	vor.u32 s6, v0;
	s1 =	sadd.s32 $0xFFFFFFC0, s17;
	s6 =	sadd.s32 $0xFFFFFFD0, s17;
	v12 =	vld [tilespmem:s10+$0xFFFFFFD0];
	[tilespmem:s10+$0xFFFFFFF0] =	vst v7;
	v7 =	vmul.u32 $0x3, v9  }
0x2b: {  	p1 =	sne.s32 s17, $0x18F0;
	s17 =	sadd.s32 $0x80, s17;
	v9 =	vor.u32 s1, v0;
	v13 =	vor.u32 s6, v0;
	s1 =	sadd.s32 $0xFFFFFFF0, s22;
	v8 =	vsub.s32 v1, v8;
	v14 =	vld [tilespmem:s10+$0x20]  }
0x2c: {  	v15 =	vor.u32 s28, v0;
	v16 =	vor.u32 s14, v0;
	v1 =	vor.u32 s1, v0  }
0x2d: {  	v17 =	vmulhi.u32 $0x51EB851F, v10;
	v3 =	vadd.s32 v7, v3;
	v5 =	vadd.s32 v6, v5  }
0x2e: {  	v7 =	vmul.u32 $0x3, v8;
	v6 =	vmulhi.u32 $0x51EB851F, v15;
	[tilespmem:s10+$0x0] =	vst v3;
	v3 =	vmul.u32 $0x3, v4;
	v4 =	vld [tilespmem:s10+$0x10]  }
0x2f: {  	v8 =	vmulhi.u32 $0x51EB851F, v11;
	v2 =	vadd.s32 v2, v12;
	[tilespmem:s10+$0xFFFFFFE0] =	vst v5  }
0x30: {  	v5 =	vshrl.u32 v6, $0x6;
	v6 =	vmulhi.u32 $0x51EB851F, v13;
	[tilespmem:s10+$0xFFFFFFD0] =	vst v2;
	v2 =	vadd.s32 v7, v14  }
0x31: {  	v7 =	vshrl.u32 v8, $0x6;
	v5 =	vmul.u32 $0xC8, v5;
	v8 =	vmulhi.u32 $0x51EB851F, v9;
	[tilespmem:s10+$0x20] =	vst v2  }
0x32: {  	v12 =	vor.u32 s22, v0;
	v2 =	vshrl.u32 v6, $0x6;
	v6 =	vmulhi.u32 $0x51EB851F, v16  }
0x33: {  	v14 =	vmulhi.u32 $0x51EB851F, v12;
	v7 =	vmul.u32 $0xC8, v7;
	v8 =	vshrl.u32 v8, $0x6  }
0x34: {  	v17 =	vshrl.u32 v17, $0x6;
	v8 =	vmul.u32 $0xC8, v8;
	v3 =	vadd.s32 v3, v4  }
0x35: {  	v18 =	vmul.u32 $0xC8, v2;
	v2 =	vshrl.u32 v14, $0x6;
	v4 =	vmul.u32 $0xC8, v17;
	v17 =	vld [tilespmem:s18+$0xFFFFFFC0];
	[tilespmem:s10+$0x10] =	vst v3;
	s10 =	smov.u32 s18  }
0x36: {  	v2 =	vmul.u32 $0xC8, v2;
	v3 =	vsub.s32 v9, v8;
	v8 =	vshrl.u32 v6, $0x6;
	v14 =	vld [tilespmem:s18+$0x30]  }
.Ltmp0:
0x37: {  	v4 =	vsub.s32 v10, v4;
	v9 =	vsub.s32 v11, v7;
	v6 =	vsub.s32 v15, v5;
	v7 =	vld [tilespmem:s18+$0xFFFFFFF0];
	(pc) =	sbr.rel @p1 .LBB2_2-.Ltmp0, $4  }
0x38: {  	v5 =	vmulhi.u32 $0x51EB851F, v1;
	v10 =	vsub.s32 v12, v2;
	v4 =	vmul.u32 $0x3, v4  }
0x39: {  	v2 =	vmul.u32 $0x3, v9;
	v11 =	vmul.u32 $0xC8, v8;
	v12 =	vmul.u32 $0x3, v10  }
0x3a: {  	v10 =	vmul.u32 $0x3, v3;
	v8 =	vshrl.u32 v5, $0x6;
	v4 =	vadd.s32 v4, v17;
	v3 =	vld [tilespmem:s18+$0x0]  }
0x3b: {  	v9 =	vsub.s32 v13, v18;
	s18 =	sadd.s32 $0x80, s18;
	[tilespmem:s10+$0xFFFFFFC0] =	vst v4;
	v5 =	vld [tilespmem:s10+$0xFFFFFFE0];
	v4 =	vsub.s32 v16, v11;
	v11 =	vadd.s32 v12, v14  }
0x3c: {  	v61 =	vld [tilespmem:s10+$0xFFFFFFD0]  }
0x3d: {  	v62 =	vld [tilespmem:s10+$0x20];
	v8 =	vmul.u32 $0xC8, v8  }
0x3e: {  	v9 =	vmul.u32 $0x3, v9  }
0x3f: {  	v7 =	vadd.s32 v10, v7;
	[tilespmem:s10+$0x30] =	vst v11;
	v63 =	vld [tilespmem:s10+$0x10];
	v1 =	vsub.s32 v1, v8  }
0x40: {  	[tilespmem:s10+$0xFFFFFFF0] =	vst v7;
	v3 =	vadd.s32 v9, v3;
	v1 =	vmul.u32 $0x3, v1  }
.Ltmp1:
0x41: {  	[tilespmem:s10+$0x0] =	vst v3;
	v3 =	vmul.u32 $0x3, v6;
	v2 =	vadd.s32 v2, v61;
	(pc) =	sbr.rel @p0 .LBB2_15-.Ltmp1, $4  }
0x42: {  	v4 =	vmul.u32 $0x3, v4;
	v1 =	vadd.s32 v1, v62;
	[tilespmem:s10+$0xFFFFFFD0] =	vst v2  }
0x43: {  	v3 =	vadd.s32 v3, v5;
	[tilespmem:s10+$0x20] =	vst v1  }
0x44: {  	v1 =	vadd.s32 v4, v63;
	[tilespmem:s10+$0xFFFFFFE0] =	vst v3  }
0x45: {  	[tilespmem:s10+$0x10] =	vst v1  }
0x46: {  	s1 =	simm.s32 $0x0  }
0x47: {  	s6 =	rddreg [dreg:$0x5];
	s10 =	simm.s32 $0x3200;
	s14 =	simm.s32 $0x10  }
0x48: {  	[tilespmem:s10], [sflag:$0x10] =	stream.linear.gather [hbm4b:s6+s1], $0x3200, $0x38;
	[tilespmem:$0x1AE20] =	vst v63  }
0x49: {  	_ =	swait.ge [sflag:s14], $0x3200  }
0x4a: {  	[sflag:s14] =	ssyncset.done $0x0  }
0x4b: {  	s22 =	simm.s32 $0x6400;
	s18 =	rddreg [dreg:$0x4];
	[sflag:s14] =	ssyncadd.s32 $0xFFFFCE00  }
0x4c: {  	[tilespmem:s22], [sflag:$0x10] =	stream.linear.gather [hbm4b:s18+s1], $0xC0, $0x38;
	[tilespmem:$0x1AE20] =	vst v63  }
0x4d: {  	_ =	swait.ge [sflag:s14], $0xC0  }
0x4e: {  	[sflag:s14] =	ssyncset.done $0x0  }
0x4f: {  	[sflag:s14] =	ssyncadd.s32 $0xFFFFFF40  }
0x50: {  	s17 =	simm.s32 $0x0;
	v1 =	vld [tilespmem:$0x6400]  }
0x51: {  	v2 =	vld [tilespmem:s17+$0x3200];
	_ =	sdelay $0x4  }
0x52: {  	v1 =	vadd.f32 v1, v2  }
0x53: {  	s10 =	simm.s32 $0x10E80  }
0x54: {  	[tilespmem:s10+$0xFFFFFFA0] =	vst v1  }
0x55: {  	v1 =	vld [tilespmem:s17+$0x3210]  }
0x56: {  	v2 =	vld [tilespmem:$0x6410];
	_ =	sdelay $0x4  }
0x57: {  	v1 =	vadd.f32 v2, v1;
	_ =	sdelay $0x1  }
0x58: {  	[tilespmem:s10+$0xFFFFFFB0] =	vst v1  }
0x59: {  	v1 =	vld [tilespmem:s17+$0x3220]  }
0x5a: {  	v2 =	vld [tilespmem:$0x6420];
	_ =	sdelay $0x4  }
0x5b: {  	v1 =	vadd.f32 v2, v1;
	_ =	sdelay $0x1  }
0x5c: {  	[tilespmem:s10+$0xFFFFFFC0] =	vst v1  }
0x5d: {  	v1 =	vld [tilespmem:s17+$0x3230]  }
0x5e: {  	v2 =	vld [tilespmem:$0x6430];
	_ =	sdelay $0x4  }
0x5f: {  	v1 =	vadd.f32 v2, v1;
	_ =	sdelay $0x1  }
0x60: {  	[tilespmem:s10+$0xFFFFFFD0] =	vst v1  }
0x61: {  	v1 =	vld [tilespmem:s17+$0x3200]  }
0x62: {  	v2 =	vld [tilespmem:$0x6440];
	_ =	sdelay $0x4  }
0x63: {  	v1 =	vadd.f32 v2, v1;
	_ =	sdelay $0x1  }
0x64: {  	[tilespmem:s10+$0xFFFFFFE0] =	vst v1  }
0x65: {  	v1 =	vld [tilespmem:s17+$0x3210]  }
0x66: {  	v2 =	vld [tilespmem:$0x6450];
	_ =	sdelay $0x4  }
0x67: {  	v1 =	vadd.f32 v2, v1;
	_ =	sdelay $0x1  }
0x68: {  	[tilespmem:s10+$0xFFFFFFF0] =	vst v1  }
0x69: {  	v1 =	vld [tilespmem:s17+$0x3220]  }
0x6a: {  	v2 =	vld [tilespmem:$0x6460];
	_ =	sdelay $0x4  }
0x6b: {  	v1 =	vadd.f32 v2, v1;
	_ =	sdelay $0x1  }
0x6c: {  	[tilespmem:s10+$0x0] =	vst v1  }
0x6d: {  	v1 =	vld [tilespmem:s17+$0x3230]  }
0x6e: {  	v2 =	vld [tilespmem:$0x6470];
	_ =	sdelay $0x4  }
0x6f: {  	v1 =	vadd.f32 v2, v1;
	_ =	sdelay $0x1  }
0x70: {  	[tilespmem:s10+$0x10] =	vst v1  }
0x71: {  	v1 =	vld [tilespmem:s17+$0x3200]  }
0x72: {  	v2 =	vld [tilespmem:$0x6480];
	_ =	sdelay $0x4  }
0x73: {  	v1 =	vadd.f32 v2, v1;
	_ =	sdelay $0x1  }
0x74: {  	[tilespmem:s10+$0x20] =	vst v1  }
0x75: {  	v1 =	vld [tilespmem:s17+$0x3210]  }
0x76: {  	v2 =	vld [tilespmem:$0x6490];
	_ =	sdelay $0x4  }
0x77: {  	v1 =	vadd.f32 v2, v1;
	_ =	sdelay $0x1  }
0x78: {  	[tilespmem:s10+$0x30] =	vst v1  }
0x79: {  	v1 =	vld [tilespmem:s17+$0x3220]  }
0x7a: {  	s28 =	simm.s32 $0x100;
	s18 =	simm.s32 $0x10E80;
	v2 =	vld [tilespmem:$0x64A0]  }
.LBB2_5:
0x7b: {  	_ =	sdelay $0x2  }
0x7c: {  	p1 =	sne.s32 s28, $0x2700  }
0x7d: {  	s10 =	sadd.s32 $0xC0, s10;
	s1 =	smov.u32 s28;
	s28 =	sadd.s32 $0x100, s28;
	v1 =	vadd.f32 v2, v1  }
0x7e: {  	_ = 	snop  }
0x7f: {  	[tilespmem:s18+$0x40] =	vst v1  }
0x80: {  	v1 =	vld [tilespmem:s17+$0x3230]  }
0x81: {  	v2 =	vld [tilespmem:$0x64B0];
	_ =	sdelay $0x4  }
0x82: {  	v1 =	vadd.f32 v2, v1;
	_ =	sdelay $0x1  }
0x83: {  	[tilespmem:s18+$0x50] =	vst v1;
	s18 =	smov.u32 s10  }
0x84: {  	s17 =	sshra.s32 s1, $0x2;
	v1 =	vld [tilespmem:$0x6400]  }
0x85: {  	v2 =	vld [tilespmem:s17+$0x3200];
	_ =	sdelay $0x4  }
0x86: {  	v1 =	vadd.f32 v1, v2;
	_ =	sdelay $0x1  }
0x87: {  	[tilespmem:s10+$0xFFFFFFA0] =	vst v1  }
0x88: {  	v1 =	vld [tilespmem:s17+$0x3210]  }
0x89: {  	v2 =	vld [tilespmem:$0x6410];
	_ =	sdelay $0x4  }
0x8a: {  	v1 =	vadd.f32 v2, v1;
	_ =	sdelay $0x1  }
0x8b: {  	[tilespmem:s10+$0xFFFFFFB0] =	vst v1  }
0x8c: {  	v1 =	vld [tilespmem:s17+$0x3220]  }
0x8d: {  	v2 =	vld [tilespmem:$0x6420];
	_ =	sdelay $0x4  }
0x8e: {  	v1 =	vadd.f32 v2, v1;
	_ =	sdelay $0x1  }
0x8f: {  	[tilespmem:s10+$0xFFFFFFC0] =	vst v1  }
0x90: {  	v1 =	vld [tilespmem:s17+$0x3230]  }
0x91: {  	v2 =	vld [tilespmem:$0x6430];
	_ =	sdelay $0x4  }
0x92: {  	v1 =	vadd.f32 v2, v1;
	_ =	sdelay $0x1  }
0x93: {  	[tilespmem:s10+$0xFFFFFFD0] =	vst v1  }
0x94: {  	v1 =	vld [tilespmem:s17+$0x3200]  }
0x95: {  	v2 =	vld [tilespmem:$0x6440];
	_ =	sdelay $0x4  }
0x96: {  	v1 =	vadd.f32 v2, v1;
	_ =	sdelay $0x1  }
0x97: {  	[tilespmem:s10+$0xFFFFFFE0] =	vst v1  }
0x98: {  	v1 =	vld [tilespmem:s17+$0x3210]  }
0x99: {  	v2 =	vld [tilespmem:$0x6450];
	_ =	sdelay $0x4  }
0x9a: {  	v1 =	vadd.f32 v2, v1;
	_ =	sdelay $0x1  }
0x9b: {  	[tilespmem:s10+$0xFFFFFFF0] =	vst v1  }
0x9c: {  	v1 =	vld [tilespmem:s17+$0x3220]  }
0x9d: {  	v2 =	vld [tilespmem:$0x6460];
	_ =	sdelay $0x4  }
0x9e: {  	v1 =	vadd.f32 v2, v1;
	_ =	sdelay $0x1  }
0x9f: {  	[tilespmem:s10+$0x0] =	vst v1  }
0xa0: {  	v1 =	vld [tilespmem:s17+$0x3230]  }
0xa1: {  	v2 =	vld [tilespmem:$0x6470];
	_ =	sdelay $0x4  }
0xa2: {  	v1 =	vadd.f32 v2, v1;
	_ =	sdelay $0x1  }
0xa3: {  	[tilespmem:s10+$0x10] =	vst v1  }
0xa4: {  	v1 =	vld [tilespmem:s17+$0x3200]  }
0xa5: {  	v2 =	vld [tilespmem:$0x6480];
	_ =	sdelay $0x4  }
0xa6: {  	v1 =	vadd.f32 v2, v1;
	_ =	sdelay $0x1  }
0xa7: {  	[tilespmem:s10+$0x20] =	vst v1  }
0xa8: {  	v1 =	vld [tilespmem:s17+$0x3210]  }
0xa9: {  	v2 =	vld [tilespmem:$0x6490];
	_ =	sdelay $0x4  }
.Ltmp2:
0xaa: {  	v1 =	vadd.f32 v2, v1;
	(pc) =	sbr.rel @p1 .LBB2_5-.Ltmp2, $4  }
0xab: {  	_ = 	snop  }
0xac: {  	[tilespmem:s10+$0x30] =	vst v1  }
0xad: {  	v1 =	vld [tilespmem:s17+$0x3220]  }
0xae: {  	v2 =	vld [tilespmem:$0x64A0]  }
0xaf: {  	_ =	sdelay $0x3  }
0xb0: {  	v1 =	vadd.f32 v2, v1;
	_ =	sdelay $0x1  }
0xb1: {  	[tilespmem:s18+$0x40] =	vst v1  }
0xb2: {  	v1 =	vld [tilespmem:s17+$0x3230]  }
0xb3: {  	v2 =	vld [tilespmem:$0x64B0];
	_ =	sdelay $0x4  }
0xb4: {  	v1 =	vadd.f32 v2, v1;
	_ =	sdelay $0x1  }
0xb5: {  	s1 =	simm.s32 $0x10E20;
	[tilespmem:s18+$0x50] =	vst v1  }
0xb6: {  	[spmem:s2] =	stream.linear.scatter [tilespmem:s1], [sflag:$0x10], $0x1E00, $0x38;
	[tilespmem:$0x1AE20] =	vst v63  }
0xb7: {  	_ =	swait.ge [sflag:s14], $0x1E00  }
0xb8: {  	[sflag:s14] =	ssyncset.done $0x0  }
0xb9: {  	[sflag:s14] =	ssyncadd.s32 $0xFFFFE200  }
0xba: {  	s17 =	simm.s32 $0x0;
	v1 =	vld [tilespmem:$0x6400]  }
0xbb: {  	v2 =	vld [tilespmem:s17+$0x3C00];
	_ =	sdelay $0x4  }
0xbc: {  	v1 =	vadd.f32 v1, v2  }
0xbd: {  	s10 =	simm.s32 $0x10E80  }
0xbe: {  	[tilespmem:s10+$0xFFFFFFA0] =	vst v1  }
0xbf: {  	v1 =	vld [tilespmem:s17+$0x3C10]  }
0xc0: {  	v2 =	vld [tilespmem:$0x6410];
	_ =	sdelay $0x4  }
0xc1: {  	v1 =	vadd.f32 v2, v1;
	_ =	sdelay $0x1  }
0xc2: {  	[tilespmem:s10+$0xFFFFFFB0] =	vst v1  }
0xc3: {  	v1 =	vld [tilespmem:s17+$0x3C20]  }
0xc4: {  	v2 =	vld [tilespmem:$0x6420];
	_ =	sdelay $0x4  }
0xc5: {  	v1 =	vadd.f32 v2, v1;
	_ =	sdelay $0x1  }
0xc6: {  	[tilespmem:s10+$0xFFFFFFC0] =	vst v1  }
0xc7: {  	v1 =	vld [tilespmem:s17+$0x3C30]  }
0xc8: {  	v2 =	vld [tilespmem:$0x6430];
	_ =	sdelay $0x4  }
0xc9: {  	v1 =	vadd.f32 v2, v1;
	_ =	sdelay $0x1  }
0xca: {  	[tilespmem:s10+$0xFFFFFFD0] =	vst v1  }
0xcb: {  	v1 =	vld [tilespmem:s17+$0x3C00]  }
0xcc: {  	v2 =	vld [tilespmem:$0x6440];
	_ =	sdelay $0x4  }
0xcd: {  	v1 =	vadd.f32 v2, v1;
	_ =	sdelay $0x1  }
0xce: {  	[tilespmem:s10+$0xFFFFFFE0] =	vst v1  }
0xcf: {  	v1 =	vld [tilespmem:s17+$0x3C10]  }
0xd0: {  	v2 =	vld [tilespmem:$0x6450];
	_ =	sdelay $0x4  }
0xd1: {  	v1 =	vadd.f32 v2, v1;
	_ =	sdelay $0x1  }
0xd2: {  	[tilespmem:s10+$0xFFFFFFF0] =	vst v1  }
0xd3: {  	v1 =	vld [tilespmem:s17+$0x3C20]  }
0xd4: {  	v2 =	vld [tilespmem:$0x6460];
	_ =	sdelay $0x4  }
0xd5: {  	v1 =	vadd.f32 v2, v1;
	_ =	sdelay $0x1  }
0xd6: {  	[tilespmem:s10+$0x0] =	vst v1  }
0xd7: {  	v1 =	vld [tilespmem:s17+$0x3C30]  }
0xd8: {  	v2 =	vld [tilespmem:$0x6470];
	_ =	sdelay $0x4  }
0xd9: {  	v1 =	vadd.f32 v2, v1;
	_ =	sdelay $0x1  }
0xda: {  	[tilespmem:s10+$0x10] =	vst v1  }
0xdb: {  	v1 =	vld [tilespmem:s17+$0x3C00]  }
0xdc: {  	v2 =	vld [tilespmem:$0x6480];
	_ =	sdelay $0x4  }
0xdd: {  	v1 =	vadd.f32 v2, v1;
	_ =	sdelay $0x1  }
0xde: {  	[tilespmem:s10+$0x20] =	vst v1  }
0xdf: {  	v1 =	vld [tilespmem:s17+$0x3C10]  }
0xe0: {  	v2 =	vld [tilespmem:$0x6490];
	_ =	sdelay $0x4  }
0xe1: {  	v1 =	vadd.f32 v2, v1;
	_ =	sdelay $0x1  }
0xe2: {  	[tilespmem:s10+$0x30] =	vst v1  }
0xe3: {  	v1 =	vld [tilespmem:s17+$0x3C20]  }
0xe4: {  	s28 =	simm.s32 $0x100;
	s18 =	simm.s32 $0x10E80;
	v2 =	vld [tilespmem:$0x64A0]  }
.LBB2_7:
0xe5: {  	_ =	sdelay $0x2  }
0xe6: {  	p1 =	sne.s32 s28, $0x2700  }
0xe7: {  	s10 =	sadd.s32 $0xC0, s10;
	s1 =	smov.u32 s28;
	s28 =	sadd.s32 $0x100, s28;
	v1 =	vadd.f32 v2, v1  }
0xe8: {  	_ = 	snop  }
0xe9: {  	[tilespmem:s18+$0x40] =	vst v1  }
0xea: {  	v1 =	vld [tilespmem:s17+$0x3C30]  }
0xeb: {  	v2 =	vld [tilespmem:$0x64B0];
	_ =	sdelay $0x4  }
0xec: {  	v1 =	vadd.f32 v2, v1;
	_ =	sdelay $0x1  }
0xed: {  	[tilespmem:s18+$0x50] =	vst v1;
	s18 =	smov.u32 s10  }
0xee: {  	s17 =	sshra.s32 s1, $0x2;
	v1 =	vld [tilespmem:$0x6400]  }
0xef: {  	v2 =	vld [tilespmem:s17+$0x3C00];
	_ =	sdelay $0x4  }
0xf0: {  	v1 =	vadd.f32 v1, v2;
	_ =	sdelay $0x1  }
0xf1: {  	[tilespmem:s10+$0xFFFFFFA0] =	vst v1  }
0xf2: {  	v1 =	vld [tilespmem:s17+$0x3C10]  }
0xf3: {  	v2 =	vld [tilespmem:$0x6410];
	_ =	sdelay $0x4  }
0xf4: {  	v1 =	vadd.f32 v2, v1;
	_ =	sdelay $0x1  }
0xf5: {  	[tilespmem:s10+$0xFFFFFFB0] =	vst v1  }
0xf6: {  	v1 =	vld [tilespmem:s17+$0x3C20]  }
0xf7: {  	v2 =	vld [tilespmem:$0x6420];
	_ =	sdelay $0x4  }
0xf8: {  	v1 =	vadd.f32 v2, v1;
	_ =	sdelay $0x1  }
0xf9: {  	[tilespmem:s10+$0xFFFFFFC0] =	vst v1  }
0xfa: {  	v1 =	vld [tilespmem:s17+$0x3C30]  }
0xfb: {  	v2 =	vld [tilespmem:$0x6430];
	_ =	sdelay $0x4  }
0xfc: {  	v1 =	vadd.f32 v2, v1;
	_ =	sdelay $0x1  }
0xfd: {  	[tilespmem:s10+$0xFFFFFFD0] =	vst v1  }
0xfe: {  	v1 =	vld [tilespmem:s17+$0x3C00]  }
0xff: {  	v2 =	vld [tilespmem:$0x6440];
	_ =	sdelay $0x4  }
0x100: {  	v1 =	vadd.f32 v2, v1;
	_ =	sdelay $0x1  }
0x101: {  	[tilespmem:s10+$0xFFFFFFE0] =	vst v1  }
0x102: {  	v1 =	vld [tilespmem:s17+$0x3C10]  }
0x103: {  	v2 =	vld [tilespmem:$0x6450];
	_ =	sdelay $0x4  }
0x104: {  	v1 =	vadd.f32 v2, v1;
	_ =	sdelay $0x1  }
0x105: {  	[tilespmem:s10+$0xFFFFFFF0] =	vst v1  }
0x106: {  	v1 =	vld [tilespmem:s17+$0x3C20]  }
0x107: {  	v2 =	vld [tilespmem:$0x6460];
	_ =	sdelay $0x4  }
0x108: {  	v1 =	vadd.f32 v2, v1;
	_ =	sdelay $0x1  }
0x109: {  	[tilespmem:s10+$0x0] =	vst v1  }
0x10a: {  	v1 =	vld [tilespmem:s17+$0x3C30]  }
0x10b: {  	v2 =	vld [tilespmem:$0x6470];
	_ =	sdelay $0x4  }
0x10c: {  	v1 =	vadd.f32 v2, v1;
	_ =	sdelay $0x1  }
0x10d: {  	[tilespmem:s10+$0x10] =	vst v1  }
0x10e: {  	v1 =	vld [tilespmem:s17+$0x3C00]  }
0x10f: {  	v2 =	vld [tilespmem:$0x6480];
	_ =	sdelay $0x4  }
0x110: {  	v1 =	vadd.f32 v2, v1;
	_ =	sdelay $0x1  }
0x111: {  	[tilespmem:s10+$0x20] =	vst v1  }
0x112: {  	v1 =	vld [tilespmem:s17+$0x3C10]  }
0x113: {  	v2 =	vld [tilespmem:$0x6490];
	_ =	sdelay $0x4  }
.Ltmp3:
0x114: {  	v1 =	vadd.f32 v2, v1;
	(pc) =	sbr.rel @p1 .LBB2_7-.Ltmp3, $4  }
0x115: {  	_ = 	snop  }
0x116: {  	[tilespmem:s10+$0x30] =	vst v1  }
0x117: {  	v1 =	vld [tilespmem:s17+$0x3C20]  }
0x118: {  	v2 =	vld [tilespmem:$0x64A0]  }
0x119: {  	_ =	sdelay $0x3  }
0x11a: {  	v1 =	vadd.f32 v2, v1;
	_ =	sdelay $0x1  }
0x11b: {  	[tilespmem:s18+$0x40] =	vst v1  }
0x11c: {  	v1 =	vld [tilespmem:s17+$0x3C30]  }
0x11d: {  	v2 =	vld [tilespmem:$0x64B0];
	_ =	sdelay $0x4  }
0x11e: {  	v1 =	vadd.f32 v2, v1;
	_ =	sdelay $0x1  }
0x11f: {  	s1 =	rddreg [dreg:$0x8];
	s6 =	simm.s32 $0x10E20;
	[tilespmem:s18+$0x50] =	vst v1  }
0x120: {  	[spmem:s1] =	stream.linear.scatter [tilespmem:s6], [sflag:$0x10], $0x1E00, $0x38;
	[tilespmem:$0x1AE20] =	vst v63  }
0x121: {  	_ =	swait.ge [sflag:s14], $0x1E00  }
0x122: {  	[sflag:s14] =	ssyncset.done $0x0  }
0x123: {  	[sflag:s14] =	ssyncadd.s32 $0xFFFFE200  }
0x124: {  	s17 =	simm.s32 $0x0;
	v1 =	vld [tilespmem:$0x6400]  }
0x125: {  	v2 =	vld [tilespmem:s17+$0x4600];
	_ =	sdelay $0x4  }
0x126: {  	v1 =	vadd.f32 v1, v2  }
0x127: {  	s10 =	simm.s32 $0x10E80  }
0x128: {  	[tilespmem:s10+$0xFFFFFFA0] =	vst v1  }
0x129: {  	v1 =	vld [tilespmem:s17+$0x4610]  }
0x12a: {  	v2 =	vld [tilespmem:$0x6410];
	_ =	sdelay $0x4  }
0x12b: {  	v1 =	vadd.f32 v2, v1;
	_ =	sdelay $0x1  }
0x12c: {  	[tilespmem:s10+$0xFFFFFFB0] =	vst v1  }
0x12d: {  	v1 =	vld [tilespmem:s17+$0x4620]  }
0x12e: {  	v2 =	vld [tilespmem:$0x6420];
	_ =	sdelay $0x4  }
0x12f: {  	v1 =	vadd.f32 v2, v1;
	_ =	sdelay $0x1  }
0x130: {  	[tilespmem:s10+$0xFFFFFFC0] =	vst v1  }
0x131: {  	v1 =	vld [tilespmem:s17+$0x4630]  }
0x132: {  	v2 =	vld [tilespmem:$0x6430];
	_ =	sdelay $0x4  }
0x133: {  	v1 =	vadd.f32 v2, v1;
	_ =	sdelay $0x1  }
0x134: {  	[tilespmem:s10+$0xFFFFFFD0] =	vst v1  }
0x135: {  	v1 =	vld [tilespmem:s17+$0x4600]  }
0x136: {  	v2 =	vld [tilespmem:$0x6440];
	_ =	sdelay $0x4  }
0x137: {  	v1 =	vadd.f32 v2, v1;
	_ =	sdelay $0x1  }
0x138: {  	[tilespmem:s10+$0xFFFFFFE0] =	vst v1  }
0x139: {  	v1 =	vld [tilespmem:s17+$0x4610]  }
0x13a: {  	v2 =	vld [tilespmem:$0x6450];
	_ =	sdelay $0x4  }
0x13b: {  	v1 =	vadd.f32 v2, v1;
	_ =	sdelay $0x1  }
0x13c: {  	[tilespmem:s10+$0xFFFFFFF0] =	vst v1  }
0x13d: {  	v1 =	vld [tilespmem:s17+$0x4620]  }
0x13e: {  	v2 =	vld [tilespmem:$0x6460];
	_ =	sdelay $0x4  }
0x13f: {  	v1 =	vadd.f32 v2, v1;
	_ =	sdelay $0x1  }
0x140: {  	[tilespmem:s10+$0x0] =	vst v1  }
0x141: {  	v1 =	vld [tilespmem:s17+$0x4630]  }
0x142: {  	v2 =	vld [tilespmem:$0x6470];
	_ =	sdelay $0x4  }
0x143: {  	v1 =	vadd.f32 v2, v1;
	_ =	sdelay $0x1  }
0x144: {  	[tilespmem:s10+$0x10] =	vst v1  }
0x145: {  	v1 =	vld [tilespmem:s17+$0x4600]  }
0x146: {  	v2 =	vld [tilespmem:$0x6480];
	_ =	sdelay $0x4  }
0x147: {  	v1 =	vadd.f32 v2, v1;
	_ =	sdelay $0x1  }
0x148: {  	[tilespmem:s10+$0x20] =	vst v1  }
0x149: {  	v1 =	vld [tilespmem:s17+$0x4610]  }
0x14a: {  	v2 =	vld [tilespmem:$0x6490];
	_ =	sdelay $0x4  }
0x14b: {  	v1 =	vadd.f32 v2, v1;
	_ =	sdelay $0x1  }
0x14c: {  	[tilespmem:s10+$0x30] =	vst v1  }
0x14d: {  	v1 =	vld [tilespmem:s17+$0x4620]  }
0x14e: {  	s28 =	simm.s32 $0x100;
	s18 =	simm.s32 $0x10E80;
	v2 =	vld [tilespmem:$0x64A0]  }
.LBB2_9:
0x14f: {  	_ =	sdelay $0x2  }
0x150: {  	p1 =	sne.s32 s28, $0x2700  }
0x151: {  	s10 =	sadd.s32 $0xC0, s10;
	s1 =	smov.u32 s28;
	s28 =	sadd.s32 $0x100, s28;
	v1 =	vadd.f32 v2, v1  }
0x152: {  	_ = 	snop  }
0x153: {  	[tilespmem:s18+$0x40] =	vst v1  }
0x154: {  	v1 =	vld [tilespmem:s17+$0x4630]  }
0x155: {  	v2 =	vld [tilespmem:$0x64B0];
	_ =	sdelay $0x4  }
0x156: {  	v1 =	vadd.f32 v2, v1;
	_ =	sdelay $0x1  }
0x157: {  	[tilespmem:s18+$0x50] =	vst v1;
	s18 =	smov.u32 s10  }
0x158: {  	s17 =	sshra.s32 s1, $0x2;
	v1 =	vld [tilespmem:$0x6400]  }
0x159: {  	v2 =	vld [tilespmem:s17+$0x4600];
	_ =	sdelay $0x4  }
0x15a: {  	v1 =	vadd.f32 v1, v2;
	_ =	sdelay $0x1  }
0x15b: {  	[tilespmem:s10+$0xFFFFFFA0] =	vst v1  }
0x15c: {  	v1 =	vld [tilespmem:s17+$0x4610]  }
0x15d: {  	v2 =	vld [tilespmem:$0x6410];
	_ =	sdelay $0x4  }
0x15e: {  	v1 =	vadd.f32 v2, v1;
	_ =	sdelay $0x1  }
0x15f: {  	[tilespmem:s10+$0xFFFFFFB0] =	vst v1  }
0x160: {  	v1 =	vld [tilespmem:s17+$0x4620]  }
0x161: {  	v2 =	vld [tilespmem:$0x6420];
	_ =	sdelay $0x4  }
0x162: {  	v1 =	vadd.f32 v2, v1;
	_ =	sdelay $0x1  }
0x163: {  	[tilespmem:s10+$0xFFFFFFC0] =	vst v1  }
0x164: {  	v1 =	vld [tilespmem:s17+$0x4630]  }
0x165: {  	v2 =	vld [tilespmem:$0x6430];
	_ =	sdelay $0x4  }
0x166: {  	v1 =	vadd.f32 v2, v1;
	_ =	sdelay $0x1  }
0x167: {  	[tilespmem:s10+$0xFFFFFFD0] =	vst v1  }
0x168: {  	v1 =	vld [tilespmem:s17+$0x4600]  }
0x169: {  	v2 =	vld [tilespmem:$0x6440];
	_ =	sdelay $0x4  }
0x16a: {  	v1 =	vadd.f32 v2, v1;
	_ =	sdelay $0x1  }
0x16b: {  	[tilespmem:s10+$0xFFFFFFE0] =	vst v1  }
0x16c: {  	v1 =	vld [tilespmem:s17+$0x4610]  }
0x16d: {  	v2 =	vld [tilespmem:$0x6450];
	_ =	sdelay $0x4  }
0x16e: {  	v1 =	vadd.f32 v2, v1;
	_ =	sdelay $0x1  }
0x16f: {  	[tilespmem:s10+$0xFFFFFFF0] =	vst v1  }
0x170: {  	v1 =	vld [tilespmem:s17+$0x4620]  }
0x171: {  	v2 =	vld [tilespmem:$0x6460];
	_ =	sdelay $0x4  }
0x172: {  	v1 =	vadd.f32 v2, v1;
	_ =	sdelay $0x1  }
0x173: {  	[tilespmem:s10+$0x0] =	vst v1  }
0x174: {  	v1 =	vld [tilespmem:s17+$0x4630]  }
0x175: {  	v2 =	vld [tilespmem:$0x6470];
	_ =	sdelay $0x4  }
0x176: {  	v1 =	vadd.f32 v2, v1;
	_ =	sdelay $0x1  }
0x177: {  	[tilespmem:s10+$0x10] =	vst v1  }
0x178: {  	v1 =	vld [tilespmem:s17+$0x4600]  }
0x179: {  	v2 =	vld [tilespmem:$0x6480];
	_ =	sdelay $0x4  }
0x17a: {  	v1 =	vadd.f32 v2, v1;
	_ =	sdelay $0x1  }
0x17b: {  	[tilespmem:s10+$0x20] =	vst v1  }
0x17c: {  	v1 =	vld [tilespmem:s17+$0x4610]  }
0x17d: {  	v2 =	vld [tilespmem:$0x6490];
	_ =	sdelay $0x4  }
.Ltmp4:
0x17e: {  	v1 =	vadd.f32 v2, v1;
	(pc) =	sbr.rel @p1 .LBB2_9-.Ltmp4, $4  }
0x17f: {  	_ = 	snop  }
0x180: {  	[tilespmem:s10+$0x30] =	vst v1  }
0x181: {  	v1 =	vld [tilespmem:s17+$0x4620]  }
0x182: {  	v2 =	vld [tilespmem:$0x64A0]  }
0x183: {  	_ =	sdelay $0x3  }
0x184: {  	v1 =	vadd.f32 v2, v1;
	_ =	sdelay $0x1  }
0x185: {  	[tilespmem:s18+$0x40] =	vst v1  }
0x186: {  	v1 =	vld [tilespmem:s17+$0x4630]  }
0x187: {  	v2 =	vld [tilespmem:$0x64B0];
	_ =	sdelay $0x4  }
0x188: {  	v1 =	vadd.f32 v2, v1;
	_ =	sdelay $0x1  }
0x189: {  	s1 =	rddreg [dreg:$0x9];
	s6 =	simm.s32 $0x10E20;
	[tilespmem:s18+$0x50] =	vst v1  }
0x18a: {  	[spmem:s1] =	stream.linear.scatter [tilespmem:s6], [sflag:$0x10], $0x1E00, $0x38;
	[tilespmem:$0x1AE20] =	vst v63  }
0x18b: {  	_ =	swait.ge [sflag:s14], $0x1E00  }
0x18c: {  	[sflag:s14] =	ssyncset.done $0x0  }
0x18d: {  	[sflag:s14] =	ssyncadd.s32 $0xFFFFE200  }
0x18e: {  	s17 =	simm.s32 $0x0;
	v1 =	vld [tilespmem:$0x6400]  }
0x18f: {  	v2 =	vld [tilespmem:s17+$0x5000];
	_ =	sdelay $0x4  }
0x190: {  	v1 =	vadd.f32 v1, v2  }
0x191: {  	s10 =	simm.s32 $0x10E80  }
0x192: {  	[tilespmem:s10+$0xFFFFFFA0] =	vst v1  }
0x193: {  	v1 =	vld [tilespmem:s17+$0x5010]  }
0x194: {  	v2 =	vld [tilespmem:$0x6410];
	_ =	sdelay $0x4  }
0x195: {  	v1 =	vadd.f32 v2, v1;
	_ =	sdelay $0x1  }
0x196: {  	[tilespmem:s10+$0xFFFFFFB0] =	vst v1  }
0x197: {  	v1 =	vld [tilespmem:s17+$0x5020]  }
0x198: {  	v2 =	vld [tilespmem:$0x6420];
	_ =	sdelay $0x4  }
0x199: {  	v1 =	vadd.f32 v2, v1;
	_ =	sdelay $0x1  }
0x19a: {  	[tilespmem:s10+$0xFFFFFFC0] =	vst v1  }
0x19b: {  	v1 =	vld [tilespmem:s17+$0x5030]  }
0x19c: {  	v2 =	vld [tilespmem:$0x6430];
	_ =	sdelay $0x4  }
0x19d: {  	v1 =	vadd.f32 v2, v1;
	_ =	sdelay $0x1  }
0x19e: {  	[tilespmem:s10+$0xFFFFFFD0] =	vst v1  }
0x19f: {  	v1 =	vld [tilespmem:s17+$0x5000]  }
0x1a0: {  	v2 =	vld [tilespmem:$0x6440];
	_ =	sdelay $0x4  }
0x1a1: {  	v1 =	vadd.f32 v2, v1;
	_ =	sdelay $0x1  }
0x1a2: {  	[tilespmem:s10+$0xFFFFFFE0] =	vst v1  }
0x1a3: {  	v1 =	vld [tilespmem:s17+$0x5010]  }
0x1a4: {  	v2 =	vld [tilespmem:$0x6450];
	_ =	sdelay $0x4  }
0x1a5: {  	v1 =	vadd.f32 v2, v1;
	_ =	sdelay $0x1  }
0x1a6: {  	[tilespmem:s10+$0xFFFFFFF0] =	vst v1  }
0x1a7: {  	v1 =	vld [tilespmem:s17+$0x5020]  }
0x1a8: {  	v2 =	vld [tilespmem:$0x6460];
	_ =	sdelay $0x4  }
0x1a9: {  	v1 =	vadd.f32 v2, v1;
	_ =	sdelay $0x1  }
0x1aa: {  	[tilespmem:s10+$0x0] =	vst v1  }
0x1ab: {  	v1 =	vld [tilespmem:s17+$0x5030]  }
0x1ac: {  	v2 =	vld [tilespmem:$0x6470];
	_ =	sdelay $0x4  }
0x1ad: {  	v1 =	vadd.f32 v2, v1;
	_ =	sdelay $0x1  }
0x1ae: {  	[tilespmem:s10+$0x10] =	vst v1  }
0x1af: {  	v1 =	vld [tilespmem:s17+$0x5000]  }
0x1b0: {  	v2 =	vld [tilespmem:$0x6480];
	_ =	sdelay $0x4  }
0x1b1: {  	v1 =	vadd.f32 v2, v1;
	_ =	sdelay $0x1  }
0x1b2: {  	[tilespmem:s10+$0x20] =	vst v1  }
0x1b3: {  	v1 =	vld [tilespmem:s17+$0x5010]  }
0x1b4: {  	v2 =	vld [tilespmem:$0x6490];
	_ =	sdelay $0x4  }
0x1b5: {  	v1 =	vadd.f32 v2, v1;
	_ =	sdelay $0x1  }
0x1b6: {  	[tilespmem:s10+$0x30] =	vst v1  }
0x1b7: {  	v1 =	vld [tilespmem:s17+$0x5020]  }
0x1b8: {  	s28 =	simm.s32 $0x100;
	s18 =	simm.s32 $0x10E80;
	v2 =	vld [tilespmem:$0x64A0]  }
.LBB2_11:
0x1b9: {  	_ =	sdelay $0x2  }
0x1ba: {  	p1 =	sne.s32 s28, $0x2700  }
0x1bb: {  	s10 =	sadd.s32 $0xC0, s10;
	s1 =	smov.u32 s28;
	s28 =	sadd.s32 $0x100, s28;
	v1 =	vadd.f32 v2, v1  }
0x1bc: {  	_ = 	snop  }
0x1bd: {  	[tilespmem:s18+$0x40] =	vst v1  }
0x1be: {  	v1 =	vld [tilespmem:s17+$0x5030]  }
0x1bf: {  	v2 =	vld [tilespmem:$0x64B0];
	_ =	sdelay $0x4  }
0x1c0: {  	v1 =	vadd.f32 v2, v1;
	_ =	sdelay $0x1  }
0x1c1: {  	[tilespmem:s18+$0x50] =	vst v1;
	s18 =	smov.u32 s10  }
0x1c2: {  	s17 =	sshra.s32 s1, $0x2;
	v1 =	vld [tilespmem:$0x6400]  }
0x1c3: {  	v2 =	vld [tilespmem:s17+$0x5000];
	_ =	sdelay $0x4  }
0x1c4: {  	v1 =	vadd.f32 v1, v2;
	_ =	sdelay $0x1  }
0x1c5: {  	[tilespmem:s10+$0xFFFFFFA0] =	vst v1  }
0x1c6: {  	v1 =	vld [tilespmem:s17+$0x5010]  }
0x1c7: {  	v2 =	vld [tilespmem:$0x6410];
	_ =	sdelay $0x4  }
0x1c8: {  	v1 =	vadd.f32 v2, v1;
	_ =	sdelay $0x1  }
0x1c9: {  	[tilespmem:s10+$0xFFFFFFB0] =	vst v1  }
0x1ca: {  	v1 =	vld [tilespmem:s17+$0x5020]  }
0x1cb: {  	v2 =	vld [tilespmem:$0x6420];
	_ =	sdelay $0x4  }
0x1cc: {  	v1 =	vadd.f32 v2, v1;
	_ =	sdelay $0x1  }
0x1cd: {  	[tilespmem:s10+$0xFFFFFFC0] =	vst v1  }
0x1ce: {  	v1 =	vld [tilespmem:s17+$0x5030]  }
0x1cf: {  	v2 =	vld [tilespmem:$0x6430];
	_ =	sdelay $0x4  }
0x1d0: {  	v1 =	vadd.f32 v2, v1;
	_ =	sdelay $0x1  }
0x1d1: {  	[tilespmem:s10+$0xFFFFFFD0] =	vst v1  }
0x1d2: {  	v1 =	vld [tilespmem:s17+$0x5000]  }
0x1d3: {  	v2 =	vld [tilespmem:$0x6440];
	_ =	sdelay $0x4  }
0x1d4: {  	v1 =	vadd.f32 v2, v1;
	_ =	sdelay $0x1  }
0x1d5: {  	[tilespmem:s10+$0xFFFFFFE0] =	vst v1  }
0x1d6: {  	v1 =	vld [tilespmem:s17+$0x5010]  }
0x1d7: {  	v2 =	vld [tilespmem:$0x6450];
	_ =	sdelay $0x4  }
0x1d8: {  	v1 =	vadd.f32 v2, v1;
	_ =	sdelay $0x1  }
0x1d9: {  	[tilespmem:s10+$0xFFFFFFF0] =	vst v1  }
0x1da: {  	v1 =	vld [tilespmem:s17+$0x5020]  }
0x1db: {  	v2 =	vld [tilespmem:$0x6460];
	_ =	sdelay $0x4  }
0x1dc: {  	v1 =	vadd.f32 v2, v1;
	_ =	sdelay $0x1  }
0x1dd: {  	[tilespmem:s10+$0x0] =	vst v1  }
0x1de: {  	v1 =	vld [tilespmem:s17+$0x5030]  }
0x1df: {  	v2 =	vld [tilespmem:$0x6470];
	_ =	sdelay $0x4  }
0x1e0: {  	v1 =	vadd.f32 v2, v1;
	_ =	sdelay $0x1  }
0x1e1: {  	[tilespmem:s10+$0x10] =	vst v1  }
0x1e2: {  	v1 =	vld [tilespmem:s17+$0x5000]  }
0x1e3: {  	v2 =	vld [tilespmem:$0x6480];
	_ =	sdelay $0x4  }
0x1e4: {  	v1 =	vadd.f32 v2, v1;
	_ =	sdelay $0x1  }
0x1e5: {  	[tilespmem:s10+$0x20] =	vst v1  }
0x1e6: {  	v1 =	vld [tilespmem:s17+$0x5010]  }
0x1e7: {  	v2 =	vld [tilespmem:$0x6490];
	_ =	sdelay $0x4  }
.Ltmp5:
0x1e8: {  	v1 =	vadd.f32 v2, v1;
	(pc) =	sbr.rel @p1 .LBB2_11-.Ltmp5, $4  }
0x1e9: {  	_ = 	snop  }
0x1ea: {  	[tilespmem:s10+$0x30] =	vst v1  }
0x1eb: {  	v1 =	vld [tilespmem:s17+$0x5020]  }
0x1ec: {  	v2 =	vld [tilespmem:$0x64A0]  }
0x1ed: {  	_ =	sdelay $0x3  }
0x1ee: {  	v1 =	vadd.f32 v2, v1;
	_ =	sdelay $0x1  }
0x1ef: {  	[tilespmem:s18+$0x40] =	vst v1  }
0x1f0: {  	v1 =	vld [tilespmem:s17+$0x5030]  }
0x1f1: {  	v2 =	vld [tilespmem:$0x64B0];
	_ =	sdelay $0x4  }
0x1f2: {  	v1 =	vadd.f32 v2, v1;
	_ =	sdelay $0x1  }
0x1f3: {  	s1 =	rddreg [dreg:$0xa];
	s6 =	simm.s32 $0x10E20;
	[tilespmem:s18+$0x50] =	vst v1  }
0x1f4: {  	[spmem:s1] =	stream.linear.scatter [tilespmem:s6], [sflag:$0x10], $0x1E00, $0x38;
	[tilespmem:$0x1AE20] =	vst v63  }
0x1f5: {  	_ =	swait.ge [sflag:s14], $0x1E00  }
0x1f6: {  	[sflag:s14] =	ssyncset.done $0x0  }
0x1f7: {  	[sflag:s14] =	ssyncadd.s32 $0xFFFFE200  }
0x1f8: {  	s17 =	simm.s32 $0x0;
	v1 =	vld [tilespmem:$0x6400]  }
0x1f9: {  	v2 =	vld [tilespmem:s17+$0x5A00];
	_ =	sdelay $0x4  }
0x1fa: {  	v1 =	vadd.f32 v1, v2  }
0x1fb: {  	s10 =	simm.s32 $0x10E80  }
0x1fc: {  	[tilespmem:s10+$0xFFFFFFA0] =	vst v1  }
0x1fd: {  	v1 =	vld [tilespmem:s17+$0x5A10]  }
0x1fe: {  	v2 =	vld [tilespmem:$0x6410];
	_ =	sdelay $0x4  }
0x1ff: {  	v1 =	vadd.f32 v2, v1;
	_ =	sdelay $0x1  }
0x200: {  	[tilespmem:s10+$0xFFFFFFB0] =	vst v1  }
0x201: {  	v1 =	vld [tilespmem:s17+$0x5A20]  }
0x202: {  	v2 =	vld [tilespmem:$0x6420];
	_ =	sdelay $0x4  }
0x203: {  	v1 =	vadd.f32 v2, v1;
	_ =	sdelay $0x1  }
0x204: {  	[tilespmem:s10+$0xFFFFFFC0] =	vst v1  }
0x205: {  	v1 =	vld [tilespmem:s17+$0x5A30]  }
0x206: {  	v2 =	vld [tilespmem:$0x6430];
	_ =	sdelay $0x4  }
0x207: {  	v1 =	vadd.f32 v2, v1;
	_ =	sdelay $0x1  }
0x208: {  	[tilespmem:s10+$0xFFFFFFD0] =	vst v1  }
0x209: {  	v1 =	vld [tilespmem:s17+$0x5A00]  }
0x20a: {  	v2 =	vld [tilespmem:$0x6440];
	_ =	sdelay $0x4  }
0x20b: {  	v1 =	vadd.f32 v2, v1;
	_ =	sdelay $0x1  }
0x20c: {  	[tilespmem:s10+$0xFFFFFFE0] =	vst v1  }
0x20d: {  	v1 =	vld [tilespmem:s17+$0x5A10]  }
0x20e: {  	v2 =	vld [tilespmem:$0x6450];
	_ =	sdelay $0x4  }
0x20f: {  	v1 =	vadd.f32 v2, v1;
	_ =	sdelay $0x1  }
0x210: {  	[tilespmem:s10+$0xFFFFFFF0] =	vst v1  }
0x211: {  	v1 =	vld [tilespmem:s17+$0x5A20]  }
0x212: {  	v2 =	vld [tilespmem:$0x6460];
	_ =	sdelay $0x4  }
0x213: {  	v1 =	vadd.f32 v2, v1;
	_ =	sdelay $0x1  }
0x214: {  	[tilespmem:s10+$0x0] =	vst v1  }
0x215: {  	v1 =	vld [tilespmem:s17+$0x5A30]  }
0x216: {  	v2 =	vld [tilespmem:$0x6470];
	_ =	sdelay $0x4  }
0x217: {  	v1 =	vadd.f32 v2, v1;
	_ =	sdelay $0x1  }
0x218: {  	[tilespmem:s10+$0x10] =	vst v1  }
0x219: {  	v1 =	vld [tilespmem:s17+$0x5A00]  }
0x21a: {  	v2 =	vld [tilespmem:$0x6480];
	_ =	sdelay $0x4  }
0x21b: {  	v1 =	vadd.f32 v2, v1;
	_ =	sdelay $0x1  }
0x21c: {  	[tilespmem:s10+$0x20] =	vst v1  }
0x21d: {  	v1 =	vld [tilespmem:s17+$0x5A10]  }
0x21e: {  	v2 =	vld [tilespmem:$0x6490];
	_ =	sdelay $0x4  }
0x21f: {  	v1 =	vadd.f32 v2, v1;
	_ =	sdelay $0x1  }
0x220: {  	[tilespmem:s10+$0x30] =	vst v1  }
0x221: {  	v1 =	vld [tilespmem:s17+$0x5A20]  }
0x222: {  	s28 =	simm.s32 $0x100;
	s18 =	simm.s32 $0x10E80;
	v2 =	vld [tilespmem:$0x64A0]  }
.LBB2_13:
0x223: {  	_ =	sdelay $0x2  }
0x224: {  	p1 =	sne.s32 s28, $0x2700  }
0x225: {  	s10 =	sadd.s32 $0xC0, s10;
	s1 =	smov.u32 s28;
	s28 =	sadd.s32 $0x100, s28;
	v1 =	vadd.f32 v2, v1  }
0x226: {  	_ = 	snop  }
0x227: {  	[tilespmem:s18+$0x40] =	vst v1  }
0x228: {  	v1 =	vld [tilespmem:s17+$0x5A30]  }
0x229: {  	v2 =	vld [tilespmem:$0x64B0];
	_ =	sdelay $0x4  }
0x22a: {  	v1 =	vadd.f32 v2, v1;
	_ =	sdelay $0x1  }
0x22b: {  	[tilespmem:s18+$0x50] =	vst v1;
	s18 =	smov.u32 s10  }
0x22c: {  	s17 =	sshra.s32 s1, $0x2;
	v1 =	vld [tilespmem:$0x6400]  }
0x22d: {  	v2 =	vld [tilespmem:s17+$0x5A00];
	_ =	sdelay $0x4  }
0x22e: {  	v1 =	vadd.f32 v1, v2;
	_ =	sdelay $0x1  }
0x22f: {  	[tilespmem:s10+$0xFFFFFFA0] =	vst v1  }
0x230: {  	v1 =	vld [tilespmem:s17+$0x5A10]  }
0x231: {  	v2 =	vld [tilespmem:$0x6410];
	_ =	sdelay $0x4  }
0x232: {  	v1 =	vadd.f32 v2, v1;
	_ =	sdelay $0x1  }
0x233: {  	[tilespmem:s10+$0xFFFFFFB0] =	vst v1  }
0x234: {  	v1 =	vld [tilespmem:s17+$0x5A20]  }
0x235: {  	v2 =	vld [tilespmem:$0x6420];
	_ =	sdelay $0x4  }
0x236: {  	v1 =	vadd.f32 v2, v1;
	_ =	sdelay $0x1  }
0x237: {  	[tilespmem:s10+$0xFFFFFFC0] =	vst v1  }
0x238: {  	v1 =	vld [tilespmem:s17+$0x5A30]  }
0x239: {  	v2 =	vld [tilespmem:$0x6430];
	_ =	sdelay $0x4  }
0x23a: {  	v1 =	vadd.f32 v2, v1;
	_ =	sdelay $0x1  }
0x23b: {  	[tilespmem:s10+$0xFFFFFFD0] =	vst v1  }
0x23c: {  	v1 =	vld [tilespmem:s17+$0x5A00]  }
0x23d: {  	v2 =	vld [tilespmem:$0x6440];
	_ =	sdelay $0x4  }
0x23e: {  	v1 =	vadd.f32 v2, v1;
	_ =	sdelay $0x1  }
0x23f: {  	[tilespmem:s10+$0xFFFFFFE0] =	vst v1  }
0x240: {  	v1 =	vld [tilespmem:s17+$0x5A10]  }
0x241: {  	v2 =	vld [tilespmem:$0x6450];
	_ =	sdelay $0x4  }
0x242: {  	v1 =	vadd.f32 v2, v1;
	_ =	sdelay $0x1  }
0x243: {  	[tilespmem:s10+$0xFFFFFFF0] =	vst v1  }
0x244: {  	v1 =	vld [tilespmem:s17+$0x5A20]  }
0x245: {  	v2 =	vld [tilespmem:$0x6460];
	_ =	sdelay $0x4  }
0x246: {  	v1 =	vadd.f32 v2, v1;
	_ =	sdelay $0x1  }
0x247: {  	[tilespmem:s10+$0x0] =	vst v1  }
0x248: {  	v1 =	vld [tilespmem:s17+$0x5A30]  }
0x249: {  	v2 =	vld [tilespmem:$0x6470];
	_ =	sdelay $0x4  }
0x24a: {  	v1 =	vadd.f32 v2, v1;
	_ =	sdelay $0x1  }
0x24b: {  	[tilespmem:s10+$0x10] =	vst v1  }
0x24c: {  	v1 =	vld [tilespmem:s17+$0x5A00]  }
0x24d: {  	v2 =	vld [tilespmem:$0x6480];
	_ =	sdelay $0x4  }
0x24e: {  	v1 =	vadd.f32 v2, v1;
	_ =	sdelay $0x1  }
0x24f: {  	[tilespmem:s10+$0x20] =	vst v1  }
0x250: {  	v1 =	vld [tilespmem:s17+$0x5A10]  }
0x251: {  	v2 =	vld [tilespmem:$0x6490];
	_ =	sdelay $0x4  }
.Ltmp6:
0x252: {  	v1 =	vadd.f32 v2, v1;
	(pc) =	sbr.rel @p1 .LBB2_13-.Ltmp6, $4  }
0x253: {  	_ = 	snop  }
0x254: {  	[tilespmem:s10+$0x30] =	vst v1  }
0x255: {  	v1 =	vld [tilespmem:s17+$0x5A20]  }
0x256: {  	v2 =	vld [tilespmem:$0x64A0]  }
0x257: {  	_ =	sdelay $0x3  }
0x258: {  	v1 =	vadd.f32 v2, v1;
	_ =	sdelay $0x1  }
0x259: {  	[tilespmem:s18+$0x40] =	vst v1  }
0x25a: {  	v1 =	vld [tilespmem:s17+$0x5A30]  }
0x25b: {  	v2 =	vld [tilespmem:$0x64B0];
	_ =	sdelay $0x4  }
0x25c: {  	v1 =	vadd.f32 v2, v1;
	_ =	sdelay $0x1  }
0x25d: {  	s1 =	rddreg [dreg:$0xb];
	s6 =	simm.s32 $0x10E20;
	[tilespmem:s18+$0x50] =	vst v1  }
0x25e: {  	[spmem:s1] =	stream.linear.scatter [tilespmem:s6], [sflag:$0x10], $0x1E00, $0x38;
	[tilespmem:$0x1AE20] =	vst v63  }
0x25f: {  	_ =	swait.ge [sflag:s14], $0x1E00  }
0x260: {  	[sflag:s14] =	ssyncset.done $0x0  }
0x261: {  	[sflag:s14] =	ssyncadd.s32 $0xFFFFE200  }
.LBB2_15:
0x262: {  	[bflag:$0x0] =	sbarrier.arrive $0xFFFF;
	s18 =	simm.s32 $0x0;
	s1 =	simm.s32 $0x6E20  }
0x263: {  	[tilespmem:s1], [sflag:$0x1] =	stream.indirect.gather [hbm4b:s4+s23], $0x40, s18, s23, $0xb8;
	[tilespmem:$0x1AE20] =	vst v63  }
0x264: {  	s28 =	simm.s32 $0x1900;
	s6 =	simm.s32 $0x10E20  }
0x265: {  	[tilespmem:s6], [sflag:$0x6] =	stream.indirect.gather [spmem:s2], $0x40, s28, s23, $0xb8;
	[tilespmem:$0x1AE20] =	vst v63  }
0x266: {  	s10 =	simm.s32 $0x8E20  }
0x267: {  	[tilespmem:s10], [sflag:$0x2] =	stream.indirect.gather [hbm4b:s4+s23], $0x40, s23, s23, $0xb8;
	[tilespmem:$0x1AE20] =	vst v63  }
0x268: {  	s14 =	simm.s32 $0x1980;
	s17 =	simm.s32 $0x12E20  }
0x269: {  	[tilespmem:s17], [sflag:$0x7] =	stream.indirect.gather [spmem:s2], $0x40, s14, s23, $0xb8;
	[tilespmem:$0x1AE20] =	vst v63  }
0x26a: {  	s22 =	simm.s32 $0x100;
	s28 =	simm.s32 $0xAE20  }
0x26b: {  	[tilespmem:s28], [sflag:$0x3] =	stream.indirect.gather [hbm4b:s4+s23], $0x40, s22, s23, $0xb8;
	[tilespmem:$0x1AE20] =	vst v63  }
0x26c: {  	s6 =	simm.s32 $0x1A00;
	s10 =	simm.s32 $0x14E20  }
0x26d: {  	[tilespmem:s10], [sflag:$0x8] =	stream.indirect.gather [spmem:s2], $0x40, s6, s23, $0xb8;
	[tilespmem:$0x1AE20] =	vst v63  }
0x26e: {  	s14 =	simm.s32 $0x180;
	s17 =	simm.s32 $0xCE20  }
0x26f: {  	[tilespmem:s17], [sflag:$0x4] =	stream.indirect.gather [hbm4b:s4+s23], $0x40, s14, s23, $0xb8;
	[tilespmem:$0x1AE20] =	vst v63  }
0x270: {  	s22 =	simm.s32 $0x1A80;
	s28 =	simm.s32 $0x16E20  }
0x271: {  	[tilespmem:s28], [sflag:$0x9] =	stream.indirect.gather [spmem:s2], $0x40, s22, s23, $0xb8;
	[tilespmem:$0x1AE20] =	vst v63  }
0x272: {  	s22 =	rddreg [dreg:$0xc]  }
.LBB2_16:
0x273: {  	p1 =	seq.s32 s18, $0x0  }
0x274: {  	s10 =	smul.u32 $0x5, s18;
	s1 =	simm.s32 @!p1 $0xF  }
0x275: {  	_ =	swait.ge @!p1 [sflag:s1], $0x2000  }
0x276: {  	s17 =	sadd.s32 $0x4, s10;
	[sflag:s1] =	ssyncset.done @!p1 $0x0  }
0x277: {  	s6 =	simm.s32 $0xEE20;
	s14 =	sshll.u32 s17, $0x7;
	[sflag:s1] =	ssyncadd.s32 @!p1 $0xFFFFE000  }
0x278: {  	[tilespmem:s6], [sflag:$0x5] =	stream.indirect.gather [hbm4b:s4+s23], $0x40, s14, s23, $0xb8;
	[tilespmem:$0x1AE20] =	vst v63  }
0x279: {  	s1 =	sadd.s32 $0x1900, s14  }
0x27a: {  	[tilespmem:s11], [sflag:$0xA] =	stream.indirect.gather [spmem:s2], $0x40, s1, s23, $0xb8;
	[tilespmem:$0x1AE20] =	vst v63  }
0x27b: {  	_ =	swait.ge [sflag:s12], $0x2000  }
0x27c: {  	[sflag:s12] =	ssyncset.done $0x0  }
0x27d: {  	[sflag:s12] =	ssyncadd.s32 $0xFFFFE000  }
0x27e: {  	_ =	swait.ge [sflag:s13], $0x2000  }
0x27f: {  	[sflag:s13] =	ssyncset.done $0x0  }
0x280: {  	s1 =	simm.s32 $0x0;
	[sflag:s13] =	ssyncadd.s32 $0xFFFFE000  }
0x281: {  	v6 =	vld [tilespmem:s1+$0x6E20]  }
0x282: {  	v7 =	vld [tilespmem:s1+$0x6E30]  }
0x283: {  	v2 =	vld [tilespmem:s1+$0x6E40]  }
0x284: {  	v1 =	vld [tilespmem:s1+$0x6E50]  }
0x285: {  	v3 =	vld [tilespmem:s1+$0x10E20]  }
0x286: {  	v5 =	vld [tilespmem:s1+$0x10E30]  }
0x287: {  	s28 =	simm.s32 $0x100;
	v4 =	vld [tilespmem:s1+$0x10E40]  }
.LBB2_17:
0x288: {  	s6 =	sshra.s32 s28, $0x2;
	p1 =	sne.s32 s28, $0x7F00;
	v8 =	vld [tilespmem:s1+$0x10E50];
	v9 =	vmov v2  }
0x289: {  	v10 =	vld [tilespmem:s6+$0x6E20];
	v11 =	vmov v1  }
0x28a: {  	v12 =	vld [tilespmem:s6+$0x6E30];
	v3 =	vadd.f32 v6, v3  }
.Ltmp7:
0x28b: {  	v2 =	vld [tilespmem:s6+$0x6E40];
	v5 =	vadd.f32 v7, v5;
	(pc) =	sbr.rel @p1 .LBB2_17-.Ltmp7, $4  }
0x28c: {  	v1 =	vld [tilespmem:s6+$0x6E50];
	[tilespmem:s1+$0x10E20] =	vst v3;
	v4 =	vadd.f32 v9, v4  }
0x28d: {  	v3 =	vld [tilespmem:s6+$0x10E20];
	[tilespmem:s1+$0x10E30] =	vst v5;
	v8 =	vadd.f32 v11, v8  }
0x28e: {  	v5 =	vld [tilespmem:s6+$0x10E30];
	[tilespmem:s1+$0x10E40] =	vst v4;
	v6 =	vmov v10  }
0x28f: {  	s28 =	sadd.s32 $0x100, s28;
	v4 =	vld [tilespmem:s6+$0x10E40];
	[tilespmem:s1+$0x10E50] =	vst v8;
	v7 =	vmov v12;
	s1 =	smov.u32 s6  }
0x290: {  	v8 =	vld [tilespmem:s1+$0x10E50];
	_ =	sdelay $0x1  }
0x291: {  	v3 =	vadd.f32 v6, v3  }
0x292: {  	v5 =	vadd.f32 v7, v5  }
0x293: {  	[tilespmem:s1+$0x10E20] =	vst v3;
	v2 =	vadd.f32 v2, v4  }
0x294: {  	s6 =	sadd.s32 s7, s10;
	[tilespmem:s1+$0x10E30] =	vst v5;
	v1 =	vadd.f32 v1, v8  }
0x295: {  	p1 =	seq.s32 s18, $0x9;
	s6 =	sshll.u32 s6, $0xA;
	[tilespmem:s1+$0x10E40] =	vst v2  }
0x296: {  	s14 =	simm.s32 $0x10E20;
	s28 =	smul.u32 @!p1 $0x280, s18;
	s6 =	sadd.s32 s0, s6;
	[tilespmem:s1+$0x10E50] =	vst v1  }
0x297: {  	[hbm4b:s6+s3] =	stream.linear.scatter [tilespmem:s14], [sflag:$0xB], $0x2000, $0x38;
	[tilespmem:$0x1AE20] =	vst v63  }
0x298: {  	_ =	swait.ge [sflag:s24], $0x2000  }
0x299: {  	s1 =	sadd.s32 @!p1 $0x280, s28;
	[sflag:s24] =	ssyncset.done $0x0  }
0x29a: {  	s6 =	simm.s32 @!p1 $0x80;
	s14 =	simm.s32 @!p1 $0x6E20;
	[sflag:s24] =	ssyncadd.s32 $0xFFFFE000  }
0x29b: {  	[tilespmem:s14], [sflag:$0x1] =	stream.indirect.gather @!p1 [hbm4b:s4+s6], $0x40, s1, s6, $0xb8;
	[tilespmem:$0x1AE20] =	vst v63  }
0x29c: {  	s1 =	sadd.s32 @!p1 $0x1B80, s28;
	s14 =	simm.s32 @!p1 $0x10E20  }
0x29d: {  	[tilespmem:s14], [sflag:$0x6] =	stream.indirect.gather @!p1 [spmem:s2], $0x40, s1, s6, $0xb8;
	[tilespmem:$0x1AE20] =	vst v63  }
0x29e: {  	_ =	swait.ge [sflag:s25], $0x2000  }
0x29f: {  	[sflag:s25] =	ssyncset.done $0x0  }
0x2a0: {  	[sflag:s25] =	ssyncadd.s32 $0xFFFFE000  }
0x2a1: {  	_ =	swait.ge [sflag:s26], $0x2000  }
0x2a2: {  	[sflag:s26] =	ssyncset.done $0x0  }
0x2a3: {  	s1 =	simm.s32 $0x0;
	[sflag:s26] =	ssyncadd.s32 $0xFFFFE000  }
0x2a4: {  	v6 =	vld [tilespmem:s1+$0x8E20]  }
0x2a5: {  	v7 =	vld [tilespmem:s1+$0x8E30]  }
0x2a6: {  	v2 =	vld [tilespmem:s1+$0x8E40]  }
0x2a7: {  	v1 =	vld [tilespmem:s1+$0x8E50]  }
0x2a8: {  	v3 =	vld [tilespmem:s1+$0x12E20]  }
0x2a9: {  	v5 =	vld [tilespmem:s1+$0x12E30]  }
0x2aa: {  	s6 =	simm.s32 $0x100;
	v4 =	vld [tilespmem:s1+$0x12E40]  }
.LBB2_19:
0x2ab: {  	s14 =	sshra.s32 s6, $0x2;
	p2 =	sne.s32 s6, $0x7F00;
	v8 =	vld [tilespmem:s1+$0x12E50];
	v9 =	vmov v2  }
0x2ac: {  	v10 =	vld [tilespmem:s14+$0x8E20];
	v11 =	vmov v1  }
0x2ad: {  	v12 =	vld [tilespmem:s14+$0x8E30];
	v3 =	vadd.f32 v6, v3  }
.Ltmp8:
0x2ae: {  	v2 =	vld [tilespmem:s14+$0x8E40];
	v5 =	vadd.f32 v7, v5;
	(pc) =	sbr.rel @p2 .LBB2_19-.Ltmp8, $4  }
0x2af: {  	v1 =	vld [tilespmem:s14+$0x8E50];
	[tilespmem:s1+$0x12E20] =	vst v3;
	v4 =	vadd.f32 v9, v4  }
0x2b0: {  	v3 =	vld [tilespmem:s14+$0x12E20];
	[tilespmem:s1+$0x12E30] =	vst v5;
	v8 =	vadd.f32 v11, v8  }
0x2b1: {  	v5 =	vld [tilespmem:s14+$0x12E30];
	[tilespmem:s1+$0x12E40] =	vst v4;
	v6 =	vmov v10  }
0x2b2: {  	s6 =	sadd.s32 $0x100, s6;
	v4 =	vld [tilespmem:s14+$0x12E40];
	[tilespmem:s1+$0x12E50] =	vst v8;
	v7 =	vmov v12;
	s1 =	smov.u32 s14  }
0x2b3: {  	v8 =	vld [tilespmem:s1+$0x12E50];
	_ =	sdelay $0x1  }
0x2b4: {  	v3 =	vadd.f32 v6, v3  }
0x2b5: {  	v5 =	vadd.f32 v7, v5  }
0x2b6: {  	s6 =	sadd.s32 s10, s22;
	[tilespmem:s1+$0x12E20] =	vst v3;
	v2 =	vadd.f32 v2, v4  }
0x2b7: {  	s6 =	sshll.u32 s6, $0xA;
	[tilespmem:s1+$0x12E30] =	vst v5;
	v1 =	vadd.f32 v1, v8  }
0x2b8: {  	s6 =	sand.u32 $0x1FFFFC00, s6;
	[tilespmem:s1+$0x12E40] =	vst v2  }
0x2b9: {  	s14 =	simm.s32 $0x12E20;
	s6 =	sadd.s32 s0, s6;
	[tilespmem:s1+$0x12E50] =	vst v1  }
0x2ba: {  	[hbm4b:s6+s3] =	stream.linear.scatter [tilespmem:s14], [sflag:$0xC], $0x2000, $0x38;
	[tilespmem:$0x1AE20] =	vst v63  }
0x2bb: {  	_ =	swait.ge [sflag:s29], $0x2000  }
0x2bc: {  	s1 =	sadd.s32 @!p1 $0x300, s28;
	[sflag:s29] =	ssyncset.done $0x0  }
0x2bd: {  	s6 =	simm.s32 @!p1 $0x80;
	s14 =	simm.s32 @!p1 $0x8E20;
	[sflag:s29] =	ssyncadd.s32 $0xFFFFE000  }
0x2be: {  	[tilespmem:s14], [sflag:$0x2] =	stream.indirect.gather @!p1 [hbm4b:s4+s6], $0x40, s1, s6, $0xb8;
	[tilespmem:$0x1AE20] =	vst v63  }
0x2bf: {  	s1 =	sadd.s32 @!p1 $0x1C00, s28;
	s14 =	simm.s32 @!p1 $0x12E20  }
0x2c0: {  	[tilespmem:s14], [sflag:$0x7] =	stream.indirect.gather @!p1 [spmem:s2], $0x40, s1, s6, $0xb8;
	[tilespmem:$0x1AE20] =	vst v63  }
0x2c1: {  	_ =	swait.ge [sflag:s30], $0x2000  }
0x2c2: {  	[sflag:s30] =	ssyncset.done $0x0  }
0x2c3: {  	[sflag:s30] =	ssyncadd.s32 $0xFFFFE000  }
0x2c4: {  	_ =	swait.ge [sflag:s31], $0x2000  }
0x2c5: {  	[sflag:s31] =	ssyncset.done $0x0  }
0x2c6: {  	s1 =	simm.s32 $0x0;
	[sflag:s31] =	ssyncadd.s32 $0xFFFFE000  }
0x2c7: {  	v6 =	vld [tilespmem:s1+$0xAE20]  }
0x2c8: {  	v7 =	vld [tilespmem:s1+$0xAE30]  }
0x2c9: {  	v2 =	vld [tilespmem:s1+$0xAE40]  }
0x2ca: {  	v1 =	vld [tilespmem:s1+$0xAE50]  }
0x2cb: {  	v3 =	vld [tilespmem:s1+$0x14E20]  }
0x2cc: {  	v5 =	vld [tilespmem:s1+$0x14E30]  }
0x2cd: {  	s6 =	simm.s32 $0x100;
	v4 =	vld [tilespmem:s1+$0x14E40]  }
.LBB2_21:
0x2ce: {  	s14 =	sshra.s32 s6, $0x2;
	p2 =	sne.s32 s6, $0x7F00;
	v8 =	vld [tilespmem:s1+$0x14E50];
	v9 =	vmov v2  }
0x2cf: {  	v10 =	vld [tilespmem:s14+$0xAE20];
	v11 =	vmov v1  }
0x2d0: {  	v12 =	vld [tilespmem:s14+$0xAE30];
	v3 =	vadd.f32 v6, v3  }
.Ltmp9:
0x2d1: {  	v2 =	vld [tilespmem:s14+$0xAE40];
	v5 =	vadd.f32 v7, v5;
	(pc) =	sbr.rel @p2 .LBB2_21-.Ltmp9, $4  }
0x2d2: {  	v1 =	vld [tilespmem:s14+$0xAE50];
	[tilespmem:s1+$0x14E20] =	vst v3;
	v4 =	vadd.f32 v9, v4  }
0x2d3: {  	v3 =	vld [tilespmem:s14+$0x14E20];
	[tilespmem:s1+$0x14E30] =	vst v5;
	v8 =	vadd.f32 v11, v8  }
0x2d4: {  	v5 =	vld [tilespmem:s14+$0x14E30];
	[tilespmem:s1+$0x14E40] =	vst v4;
	v6 =	vmov v10  }
0x2d5: {  	s6 =	sadd.s32 $0x100, s6;
	v4 =	vld [tilespmem:s14+$0x14E40];
	[tilespmem:s1+$0x14E50] =	vst v8;
	v7 =	vmov v12;
	s1 =	smov.u32 s14  }
0x2d6: {  	v8 =	vld [tilespmem:s1+$0x14E50];
	_ =	sdelay $0x1  }
0x2d7: {  	v3 =	vadd.f32 v6, v3  }
0x2d8: {  	v5 =	vadd.f32 v7, v5  }
0x2d9: {  	s6 =	sadd.s32 s10, s15;
	[tilespmem:s1+$0x14E20] =	vst v3;
	v2 =	vadd.f32 v2, v4  }
0x2da: {  	s6 =	sshll.u32 s6, $0xA;
	[tilespmem:s1+$0x14E30] =	vst v5;
	v1 =	vadd.f32 v1, v8  }
0x2db: {  	s6 =	sand.u32 $0x1FFFFC00, s6;
	[tilespmem:s1+$0x14E40] =	vst v2  }
0x2dc: {  	s14 =	simm.s32 $0x14E20;
	s6 =	sadd.s32 s0, s6;
	[tilespmem:s1+$0x14E50] =	vst v1  }
0x2dd: {  	[hbm4b:s6+s3] =	stream.linear.scatter [tilespmem:s14], [sflag:$0xD], $0x2000, $0x38;
	[tilespmem:$0x1AE20] =	vst v63  }
0x2de: {  	_ =	swait.ge [sflag:s20], $0x2000  }
0x2df: {  	s1 =	sadd.s32 @!p1 $0x380, s28;
	[sflag:s20] =	ssyncset.done $0x0  }
0x2e0: {  	s6 =	simm.s32 @!p1 $0x80;
	s14 =	simm.s32 @!p1 $0xAE20;
	[sflag:s20] =	ssyncadd.s32 $0xFFFFE000  }
0x2e1: {  	[tilespmem:s14], [sflag:$0x3] =	stream.indirect.gather @!p1 [hbm4b:s4+s6], $0x40, s1, s6, $0xb8;
	[tilespmem:$0x1AE20] =	vst v63  }
0x2e2: {  	s1 =	sadd.s32 @!p1 $0x1C80, s28;
	s14 =	simm.s32 @!p1 $0x14E20  }
0x2e3: {  	[tilespmem:s14], [sflag:$0x8] =	stream.indirect.gather @!p1 [spmem:s2], $0x40, s1, s6, $0xb8;
	[tilespmem:$0x1AE20] =	vst v63  }
0x2e4: {  	_ =	swait.ge [sflag:s21], $0x2000  }
0x2e5: {  	[sflag:s21] =	ssyncset.done $0x0  }
0x2e6: {  	[sflag:s21] =	ssyncadd.s32 $0xFFFFE000  }
0x2e7: {  	_ =	swait.ge [sflag:s5], $0x2000  }
0x2e8: {  	[sflag:s5] =	ssyncset.done $0x0  }
0x2e9: {  	s1 =	simm.s32 $0x0;
	[sflag:s5] =	ssyncadd.s32 $0xFFFFE000  }
0x2ea: {  	v6 =	vld [tilespmem:s1+$0xCE20]  }
0x2eb: {  	v7 =	vld [tilespmem:s1+$0xCE30]  }
0x2ec: {  	v2 =	vld [tilespmem:s1+$0xCE40]  }
0x2ed: {  	v1 =	vld [tilespmem:s1+$0xCE50]  }
0x2ee: {  	v3 =	vld [tilespmem:s1+$0x16E20]  }
0x2ef: {  	v5 =	vld [tilespmem:s1+$0x16E30]  }
0x2f0: {  	s6 =	simm.s32 $0x100;
	v4 =	vld [tilespmem:s1+$0x16E40]  }
.LBB2_23:
0x2f1: {  	s14 =	sshra.s32 s6, $0x2;
	p2 =	sne.s32 s6, $0x7F00;
	v8 =	vld [tilespmem:s1+$0x16E50];
	v9 =	vmov v2  }
0x2f2: {  	v10 =	vld [tilespmem:s14+$0xCE20];
	v11 =	vmov v1  }
0x2f3: {  	v12 =	vld [tilespmem:s14+$0xCE30];
	v3 =	vadd.f32 v6, v3  }
.Ltmp10:
0x2f4: {  	v2 =	vld [tilespmem:s14+$0xCE40];
	v5 =	vadd.f32 v7, v5;
	(pc) =	sbr.rel @p2 .LBB2_23-.Ltmp10, $4  }
0x2f5: {  	v1 =	vld [tilespmem:s14+$0xCE50];
	[tilespmem:s1+$0x16E20] =	vst v3;
	v4 =	vadd.f32 v9, v4  }
0x2f6: {  	v3 =	vld [tilespmem:s14+$0x16E20];
	[tilespmem:s1+$0x16E30] =	vst v5;
	v8 =	vadd.f32 v11, v8  }
0x2f7: {  	v5 =	vld [tilespmem:s14+$0x16E30];
	[tilespmem:s1+$0x16E40] =	vst v4;
	v6 =	vmov v10  }
0x2f8: {  	s6 =	sadd.s32 $0x100, s6;
	v4 =	vld [tilespmem:s14+$0x16E40];
	[tilespmem:s1+$0x16E50] =	vst v8;
	v7 =	vmov v12;
	s1 =	smov.u32 s14  }
0x2f9: {  	v8 =	vld [tilespmem:s1+$0x16E50];
	_ =	sdelay $0x1  }
0x2fa: {  	v3 =	vadd.f32 v6, v3  }
0x2fb: {  	v5 =	vadd.f32 v7, v5  }
0x2fc: {  	s6 =	sadd.s32 s10, s16;
	[tilespmem:s1+$0x16E20] =	vst v3;
	v2 =	vadd.f32 v2, v4  }
0x2fd: {  	s6 =	sshll.u32 s6, $0xA;
	[tilespmem:s1+$0x16E30] =	vst v5;
	v1 =	vadd.f32 v1, v8  }
0x2fe: {  	s6 =	sand.u32 $0x1FFFFC00, s6;
	[tilespmem:s1+$0x16E40] =	vst v2  }
0x2ff: {  	s14 =	simm.s32 $0x16E20;
	s10 =	sadd.s32 s0, s6;
	[tilespmem:s1+$0x16E50] =	vst v1  }
0x300: {  	[hbm4b:s10+s3] =	stream.linear.scatter [tilespmem:s14], [sflag:$0xE], $0x2000, $0x38;
	[tilespmem:$0x1AE20] =	vst v63  }
0x301: {  	_ =	swait.ge [sflag:s19], $0x2000  }
0x302: {  	s6 =	simm.s32 @!p1 $0x80;
	[sflag:s19] =	ssyncset.done $0x0  }
0x303: {  	s1 =	sadd.s32 @!p1 $0x400, s28;
	s10 =	simm.s32 @!p1 $0xCE20;
	[sflag:s19] =	ssyncadd.s32 $0xFFFFE000  }
0x304: {  	[tilespmem:s10], [sflag:$0x4] =	stream.indirect.gather @!p1 [hbm4b:s4+s6], $0x40, s1, s6, $0xb8;
	[tilespmem:$0x1AE20] =	vst v63  }
0x305: {  	s1 =	sadd.s32 @!p1 $0x1D00, s28;
	s10 =	simm.s32 @!p1 $0x16E20  }
0x306: {  	[tilespmem:s10], [sflag:$0x9] =	stream.indirect.gather @!p1 [spmem:s2], $0x40, s1, s6, $0xb8;
	[tilespmem:$0x1AE20] =	vst v63  }
0x307: {  	_ =	swait.ge [sflag:s8], $0x2000  }
0x308: {  	[sflag:s8] =	ssyncset.done $0x0  }
0x309: {  	[sflag:s8] =	ssyncadd.s32 $0xFFFFE000  }
0x30a: {  	_ =	swait.ge [sflag:s9], $0x2000  }
0x30b: {  	[sflag:s9] =	ssyncset.done $0x0  }
0x30c: {  	s1 =	simm.s32 $0x0;
	[sflag:s9] =	ssyncadd.s32 $0xFFFFE000  }
0x30d: {  	v6 =	vld [tilespmem:s1+$0xEE20]  }
0x30e: {  	v7 =	vld [tilespmem:s1+$0xEE30]  }
0x30f: {  	v2 =	vld [tilespmem:s1+$0xEE40]  }
0x310: {  	v1 =	vld [tilespmem:s1+$0xEE50]  }
0x311: {  	v3 =	vld [tilespmem:s1+$0x18E20]  }
0x312: {  	v5 =	vld [tilespmem:s1+$0x18E30]  }
0x313: {  	s6 =	simm.s32 $0x100;
	v4 =	vld [tilespmem:s1+$0x18E40]  }
.LBB2_25:
0x314: {  	s10 =	sshra.s32 s6, $0x2;
	p1 =	sne.s32 s6, $0x7F00;
	v8 =	vld [tilespmem:s1+$0x18E50];
	v9 =	vmov v2  }
0x315: {  	v10 =	vld [tilespmem:s10+$0xEE20];
	v11 =	vmov v1  }
0x316: {  	v12 =	vld [tilespmem:s10+$0xEE30];
	v3 =	vadd.f32 v6, v3  }
.Ltmp11:
0x317: {  	v2 =	vld [tilespmem:s10+$0xEE40];
	v5 =	vadd.f32 v7, v5;
	(pc) =	sbr.rel @p1 .LBB2_25-.Ltmp11, $4  }
0x318: {  	v1 =	vld [tilespmem:s10+$0xEE50];
	[tilespmem:s1+$0x18E20] =	vst v3;
	v4 =	vadd.f32 v9, v4  }
0x319: {  	v3 =	vld [tilespmem:s10+$0x18E20];
	[tilespmem:s1+$0x18E30] =	vst v5;
	v8 =	vadd.f32 v11, v8  }
0x31a: {  	v5 =	vld [tilespmem:s10+$0x18E30];
	[tilespmem:s1+$0x18E40] =	vst v4;
	v6 =	vmov v10  }
0x31b: {  	s6 =	sadd.s32 $0x100, s6;
	v4 =	vld [tilespmem:s10+$0x18E40];
	[tilespmem:s1+$0x18E50] =	vst v8;
	v7 =	vmov v12;
	s1 =	smov.u32 s10  }
0x31c: {  	v8 =	vld [tilespmem:s1+$0x18E50];
	_ =	sdelay $0x1  }
0x31d: {  	s18 =	sadd.s32 $0x1, s18;
	v3 =	vadd.f32 v6, v3  }
0x31e: {  	p1 =	sne.s32 s18, $0xA;
	v5 =	vadd.f32 v7, v5  }
.Ltmp12:
0x31f: {  	s6 =	sadd.s32 s7, s17;
	[tilespmem:s1+$0x18E20] =	vst v3;
	v2 =	vadd.f32 v2, v4;
	(pc) =	sbr.rel @p1 .LBB2_16-.Ltmp12, $4  }
0x320: {  	s6 =	sshll.u32 s6, $0xA;
	[tilespmem:s1+$0x18E30] =	vst v5;
	v1 =	vadd.f32 v1, v8  }
0x321: {  	s6 =	sand.u32 $0x1FFFFC00, s6;
	[tilespmem:s1+$0x18E40] =	vst v2  }
0x322: {  	s28 =	sadd.s32 s0, s6;
	[tilespmem:s1+$0x18E50] =	vst v1  }
0x323: {  	[hbm4b:s28+s3] =	stream.linear.scatter [tilespmem:s11], [sflag:$0xF], $0x2000, $0x38;
	[tilespmem:$0x1AE20] =	vst v63  }
0x324: {  	s6 =	simm.s32 $0xF  }
0x325: {  	_ =	swait.ge [sflag:s6], $0x2000  }
0x326: {  	s10 =	rddreg [dreg:$0xe]  }
0x327: {  	s1 =	rddreg [dreg:$0xd];
	s10 =	sadd.s32 $0x1, s10  }
0x328: {  	p1 =	sne.s32 s10, s1  }
.Ltmp13:
0x329: {  	_ = 	snop;
	(pc) =	sbr.rel @p1 .LBB2_1-.Ltmp13, $3  }
0x32a: {  	_ =	sdelay $0x1  }
0x32b: {  	[sflag:s6] =	ssyncset.done $0x0  }
0x32c: {  	[sflag:s6] =	ssyncadd.s32 $0xFFFFE000  }
0x32d: {  	_ =	sfence.sel $0x180000  }
0x32e: {  	[bflag:$0x0] =	sbarrier.arrive $0xFFFF  }
0x32f: {  	_ =	strace $0x90000047  }
0x330: {  	[bflag:$0x2] =	sbarrier.arrive $0xFFFF  }
0x331: {  	s0 =	rddreg [dreg:$0x3]  }
0x332: {  	s0 =	sadd.s32 @!p0 $0x100000, s0  }
0x333: {  	[sflag:s0] =	ssyncadd.tile.s32 @!p0 $0x1;
	_ =	shalt  }
.Lfunc_end2:
_tile_overlayer_lowered:
.L_overlay_start_2:
0x334: {  	(tag) =	ssettag $0x2  }
0x335: {  	s0 =	rddreg [dreg:$0x0];
	s2 =	stileid.u32  }
0x336: {  	s1 =	rddreg [dreg:$0x1];
	p0 =	sne.s32 s2, $0x0  }
0x337: {  	s3 =	rddreg [dreg:$0x2];
	[bflag:$0x3] =	sbarrier.arrive $0xFFFF;
	s2 =	simm.s32 @!p0 $0x1C10  }
0x338: {  	[timem:s3], [sflag:s2] =	dma.local @!p0 [hbm:s0], s1  }
0x339: {  	s0 =	simm.s32 @!p0 $0x10  }
0x33a: {  	_ =	swait.ge @!p0 [sflag:s0], s1  }
0x33b: {  	s1 =	ssub.s32 @!p0 $0x0, s1;
	[sflag:s0] =	ssyncset.done @!p0 $0x0  }
0x33c: {  	[sflag:s0] =	ssyncadd.s32 @!p0 s1  }
0x33d: {  	[bflag:$0x3] =	sbarrier.arrive $0xFFFF  }
0x33e: {  	_ =	shalt  }

// kernel: sparse-core-data-format-call.cloned.1.call-start
scs
called_computation_lowered:
.L_overlay_start_0:
0x0: {  	s2 =	sld [smem:$0x3FD9]  }
0x1: {  	s3 =	sld [smem:$0x3FFE];
	_ =	sdelay $0x1  }
0x2: {  	s1 =	srdreg.scid  }
0x3: {  	s0 =	sand.u32 $0x1, s1  }
0x4: {  	s18 =	sshll.u32 s0, $0xA;
	s2 =	sadd.s32 s3, s2  }
0x5: {  	s2 =	sadd.s32 s2, s18  }
0x6: {  	[smem:$0x3FC3] =	sst s2  }
0x7: {  	_ = 	snop  }
0x8: {  	s2 =	sld [smem:$0x3FD0];
	(tm) =	ssettm $0x1  }
0x9: {  	s19 =	sld [smem:$0x3FFB];
	_ =	sdelay $0x3  }
0xa: {  	_ =	strace s19  }
0xb: {  	s3 =	sld [smem:$0x3FFC];
	_ =	sdelay $0x3  }
0xc: {  	_ =	strace s3  }
0xd: {  	s3 =	sld [smem:$0x3FFD];
	_ =	sdelay $0x3  }
0xe: {  	_ =	strace s3  }
0xf: {  	_ =	strace $0x8FFFFFFF  }
0x10: {  	s20 =	sld [smem:$0x3FDB];
	_ =	sdelay $0x1  }
0x11: {  	s4 =	simm.s32 $_scs_section_size  }
0x12: {  	s5 =	simm.s32 $_size__tile_overlayer_lowered;
	s6 =	simm.s32 $_tile_overlayer_lowered  }
0x13: {  	s23 =	simm.s32 $0x1BFF;
	s22 =	sshll.u32 s6, $0x1;
	s3 =	sadd.s32 s4, s20  }
0x14: {  	s7 =	simm.s32 $0x0;
	s21 =	sshll.u32 s5, $0x1;
	s5 =	sadd.s32 s22, s3  }
0x15: {  	[timem:s7], [sflag:s23] =	dma.local [hbm:s5], s21  }
0x16: {  	_ =	swait.ge [sflag:s23], s21  }
0x17: {  	s4 =	ssub.s32 $0x0, s21;
	[sflag:s23] =	ssyncset.done $0x0  }
0x18: {  	[sflag:s23] =	ssyncadd.s32 s4;
	_ =	sdelay $0x1  }
0x19: {  	s24 =	simm.s32 $0x1B8B  }
0x1a: {  	_ =	swait.ge [sflag:s24], $0x1  }
0x1b: {  	[sflag:s24] =	ssyncset.done $0x0  }
0x1c: {  	s26 =	simm.s32 $0x1B8E;
	s25 =	sld [smem:$0x3FFE];
	[sflag:s24] =	ssyncadd.s32 $0xFFFFFFFF  }
0x1d: {  	s27 =	simm.s32 $execute0_lowered;
	[smem:$0x3FD2] =	sst s26  }
0x1e: {  	s5 =	sshll.u32 s27, $0x1;
	_ =	strace $0x80000049;
	[dreg:$0x1] =	wrdreg $0xFFFFFFFF  }
0x1f: {  	s28 =	simm.s32 $_size_execute0_lowered;
	s3 =	sadd.s32 s3, s5;
	[dreg:$0x0] =	wrdreg $0x0  }
0x20: {  	s5 =	sshll.u32 s28, $0x1;
	[dreg:$0x2] =	wrdreg s3  }
0x21: {  	[dreg:$0x3] =	wrdreg s5  }
0x22: {  	[dreg:$0x4] =	wrdreg $0xC0  }
0x23: {  	_ =	task [dreg:s7], $0x5FFFF  }
0x24: {  	[dreg:$0x1] =	wrdreg $0xFFFFFFFF  }
0x25: {  	[dreg:$0x0] =	wrdreg $0x60  }
0x26: {  	[dreg:$0x2] =	wrdreg s25  }
0x27: {  	[dreg:$0x3] =	wrdreg s2  }
0x28: {  	[dreg:$0x4] =	wrdreg $0x9  }
0x29: {  	_ =	task.clear_ibuf [dreg:s7], $0x5FFFF;
	_ =	strace $0x90000049  }
0x2a: {  	s29 =	simm.s32 $0x9;
	_ =	strace $0x8000004B  }
0x2b: {  	_ =	swait.ge [sflag:s29], $0x1  }
0x2c: {  	[sflag:s29] =	ssyncadd.s32 $0xFFFFFFFF  }
0x2d: {  	_ =	strace $0x9000004B  }
0x2e: {  	_ =	sfence  }
0x2f: {  	s30 =	sld [smem:$0x0];
	_ =	sdelay $0x2  }
0x30: {  	s31 =	sshll.u32 s1, $0xD;
	s1 =	sshrl.u32 s1, $0x2  }
0x31: {  	s3 =	sand.u32 $0x4000, s31;
	s1 =	sadd.s32 s1, s30  }
0x32: {  	s0 =	sor.u32 s3, s0;
	s1 =	sshll.u32 s1, $0x11  }
0x33: {  	s0 =	sor.u32 s1, s0  }
0x34: {  	s0 =	sadd.s32 $0x8F2B, s0  }
0x35: {  	[sflag:s0] =	ssyncadd.remote.s32 $0x1  }
0x36: {  	_ =	sfence.sel $0xFFFF  }
0x37: {  	[dreg:$0x0] =	wrdreg $0xFFFFFFFF;
	(pc) =	sbr.abs _section_cstart, $3  }
0x38: {  	[dreg:$0x1] =	wrdreg $0xFFFFFFFF  }
0x39: {  	_ =	task.clear_ibuf [dreg:s7], $0x2FFFF;
	_ =	strace $0x9FFFFFFF  }
0x3a: {  	(tm) =	ssettm $0x7FFFFFFF  }
0x3b: {  	_ =	shalt  }
tec
execute0_lowered:
.L_overlay_start_1:
0x0: {  	(tag) =	ssettag $0x1  }
0x1: {  	s0 =	stileid.u32;
	s6 =	rddreg [dreg:$0x0]  }
0x2: {  	s2 =	rddreg [dreg:$0x1];
	s5 =	srdreg.scid  }
0x3: {  	s31 =	simm.s32 $0x2;
	s13 =	simm.s32 $0x0;
	s1 =	sshll.u32 s0, $0x7  }
0x4: {  	s14 =	simm.s32 $0x0;
	s12 =	simm.s32 $0x0;
	s3 =	sand.u32 $0x380, s1  }
0x5: {  	s5 =	sshll.u32 s5, $0x4;
	s6 =	sadd.s32 $0x800, s6;
	s4 =	ssub.s32 $0x400, s3  }
0x6: {  	s1 =	rddreg [dreg:$0x2];
	_ =	strace $0x8000004A;
	s7 =	sand.u32 $0x380, s4  }
0x7: {  	s5 =	sand.u32 $0x10, s5;
	p0 =	sne.s32 s7, $0x0;
	s7 =	simm.s32 $0x1  }
.Ltmp0:
0x8: {  	s8 =	sshrl.u32 s4, $0xA;
	s7 =	simm.s32 @!p0 $0x0;
	(pc) =	sbr.rel .LBB1_1-.Ltmp0, $4  }
0x9: {  	s9 =	sor.u32 s0, s5;
	s4 =	simm.s32 $0x1;
	s30 =	sadd.s32 s7, s8  }
0xa: {  	s11 =	smov.u32 s3;
	[sflag:s4] =	ssyncpa.u1 $0x0;
	s5 =	smul.u32 $0x32, s30  }
0xb: {  	[sflag:s31] =	ssyncpa.u1 $0x0;
	p0 =	por $0x0, $0x0;
	s7 =	sshrl.u32 s9, $0x3  }
0xc: {  	s9 =	simm.s32 $0x2000;
	s10 =	smov.u32 s7;
	s8 =	sor.u32 $0x1, s5  }
.LBB1_4:
0xd: {  	s17 =	sand.u32 $0x1F80, s14;
	s13 =	sshll.u32 s13, $0xD  }
0xe: {  	[tilespmem:s16+$0x810 ss:$0x81] =	vst.msk $0xffff, v2;
	s18 =	sshrl.u32 s14, $0x3;
	s31 =	sand.u32 $0x7, s14;
	s17 =	sadd.s32 s2, s17  }
0xf: {  	[tilespmem:s16+$0x1020 ss:$0x81] =	vst.msk $0xffff, v0;
	s18 =	sand.u32 $0xF, s18;
	s14 =	sshll.u32 s31, $0x12;
	s13 =	sadd.s32 s13, s17  }
0x10: {  	[tilespmem:s16+$0x0 ss:$0x81] =	vst.msk $0xffff, v1;
	s14 =	sor.u32 $0x400, s14;
	s13 =	sadd.s32 s18, s13  }
0x11: {  	[hbm4b:s13+s14] =	stream.strided.scatter [tilespmem:s15], [sflag:$0x2], $0x2000, s9, s14, $0x20;
	[tilespmem:$0x8080] =	vst v63  }
.LBB1_5:
0x12: {  	s15 =	sadd.s32 $0x4, s10  }
0x13: {  	s13 =	sadd.s32 $0x400, s11;
	s17 =	smov.u32 s11;
	p2 =	sgt.s32 s15, $0xC7  }
0x14: {  	s17 =	smov.u32 @p2 s13  }
0x15: {  	s15 =	smov.u32 @p2 s7;
	p2 =	sgt.s32 s17, $0x3FF  }
0x16: {  	s17 =	smov.u32 @p2 s3;
	p2 =	sne.s32 s12, s8  }
.Ltmp1:
0x17: {  	p1 =	slt.u32 s12, $0x2;
	(pc) =	sbr.rel @!p2 .LBB1_6-.Ltmp1, $4  }
0x18: {  	s16 =	simm.s32 @!p1 $0x2  }
0x19: {  	s14 =	smov.u32 s11;
	p0 =	por !p0, !p0;
	_ =	swait.ge @!p1 [sflag:s16], $0x2000  }
0x1a: {  	s13 =	smov.u32 s10;
	[sflag:s16] =	ssyncset.done @!p1 $0x0;
	s10 =	smov.u32 s15  }
0x1b: {  	s12 =	sadd.s32 $0x1, s12;
	[sflag:s16] =	ssyncadd.s32 @!p1 $0xFFFFE000;
	s11 =	smov.u32 s17  }
.LBB1_1:
0x1c: {  	p1 =	sge.u32 s12, s5  }
0x1d: {  	s15 =	sand.u32 @!p1 $0x1FFFFFF, s10  }
0x1e: {  	s16 =	smulhi.u32 @!p1 $0x147AE15, s15;
	_ =	sdelay $0x1  }
0x1f: {  	s16 =	smul.u32 @!p1 $0xC8, s16  }
0x20: {  	s17 =	sxor.u32 @!p1 $0xFFFFFFFF, s12;
	s18 =	smul.u32 @!p1 $0xC80, s11  }
0x21: {  	s31 =	sadd.s32 $0xFFFFFFFF, s12;
	s17 =	sshll.u32 @!p1 s17, $0xD;
	s15 =	ssub.s32 @!p1 s15, s16  }
0x22: {  	s16 =	sand.u32 @!p1 $0x2000, s17;
	s17 =	sadd.s32 @!p1 s6, s18;
	s15 =	sshll.u32 @!p1 s15, $0x4  }
0x23: {  	s18 =	simm.s32 @!p1 $0x6400;
	s15 =	sadd.s32 @!p1 s15, s17;
	s17 =	simm.s32 @!p1 $0x40  }
0x24: {  	[tilespmem:s16], [sflag:$0x1] =	stream.strided.gather @!p1 [hbm4b:s15+s17], $0x2000, s18, s17, $0x38;
	[tilespmem:$0x8080] =	vst v63  }
0x25: {  	p1 =	sge.u32 s31, s5  }
.Ltmp2:
0x26: {  	_ = 	snop;
	(pc) =	sbr.rel @p1 .LBB1_5-.Ltmp2, $1  }
0x27: {  	_ =	sdelay $0x3  }
0x28: {  	s15 =	simm.s32 $0x1  }
0x29: {  	_ =	swait.ge [sflag:s4], $0x2000;
	s15 =	simm.s32 @!p0 $0x0  }
0x2a: {  	[sflag:s4] =	ssyncset.done $0x0;
	s16 =	sshll.u32 s15, $0xD  }
0x2b: {  	[sflag:s4] =	ssyncadd.s32 $0xFFFFE000;
	s19 =	sor.u32 $0x20, s16  }
0x2c: {  	s15 =	smul.u32 $0x8100, s15;
	v3 =	vld [tilespmem:s19+$0x10]  }
0x2d: {  	s30 =	sand.u32 $0x1, s12;
	v2 =	vld [tilespmem:s19+$0xFFFFFFF0]  }
0x2e: {  	s16 =	smul.u32 $0x8100, s30;
	s15 =	sshrl.u32 s15, $0x2;
	v0 =	vld [tilespmem:s19+$0x0]  }
0x2f: {  	v1 =	vld [tilespmem:s19+$0xFFFFFFE0];
	s17 =	sor.u32 $0x4000, s15  }
0x30: {  	s31 =	sshrl.u32 s16, $0x2;
	s16 =	sadd.s32 $0x0, s17  }
0x31: {  	s18 =	simm.s32 $0x4;
	s19 =	sadd.s32 $0x40, s19;
	s15 =	sor.u32 $0x4000, s31;
	[tilespmem:s16+$0x1830 ss:$0x81] =	vst.msk $0xffff, v3  }
.LBB1_3:
0x32: {  	v3 =	vld [tilespmem:s19+$0x10];
	p1 =	sne.s32 s18, $0x1FC;
	[tilespmem:s16+$0x810 ss:$0x81] =	vst.msk $0xffff, v2;
	s20 =	smov.u32 s18;
	s18 =	sadd.s32 $0x4, s18  }
.Ltmp3:
0x33: {  	v2 =	vld [tilespmem:s19+$0xFFFFFFF0];
	[tilespmem:s16+$0x1020 ss:$0x81] =	vst.msk $0xffff, v0;
	(pc) =	sbr.rel @p1 .LBB1_3-.Ltmp3, $4  }
0x34: {  	v0 =	vld [tilespmem:s19+$0x0];
	[tilespmem:s16+$0x0 ss:$0x81] =	vst.msk $0xffff, v1  }
0x35: {  	s16 =	sshra.s32 s20, $0x2;
	v1 =	vld [tilespmem:s19+$0xFFFFFFE0]  }
0x36: {  	s16 =	sadd.s32 s16, s17  }
0x37: {  	s19 =	sadd.s32 $0x40, s19;
	[tilespmem:s16+$0x1830 ss:$0x81] =	vst.msk $0xffff, v3  }
.Ltmp4:
0x38: {  	_ = 	snop;
	(pc) =	sbr.rel .LBB1_4-.Ltmp4, $1  }
0x39: {  	_ =	sdelay $0x3  }
.LBB1_6:
0x3a: {  	_ =	sfence.sel $0x180000  }
0x3b: {  	s2 =	simm.s32 $0x1;
	[bflag:$0x0] =	sbarrier.arrive $0xFFFF  }
0x3c: {  	s31 =	simm.s32 $0x2;
	[sflag:s2] =	ssyncpa.u1 $0x1  }
0x3d: {  	[sflag:s31] =	ssyncpa.u1 $0x1  }
0x3e: {  	p0 =	sne.s32 s0, $0x0;
	_ =	strace $0x9000004A  }
0x3f: {  	s0 =	sadd.s32 @!p0 $0x100000, s1;
	[bflag:$0x2] =	sbarrier.arrive $0xFFFF  }
0x40: {  	[sflag:s0] =	ssyncadd.tile.s32 @!p0 $0x1;
	_ =	shalt  }
.Lfunc_end1:
_tile_overlayer_lowered:
.L_overlay_start_2:
0x41: {  	(tag) =	ssettag $0x2  }
0x42: {  	s0 =	rddreg [dreg:$0x0];
	s2 =	stileid.u32  }
0x43: {  	s1 =	rddreg [dreg:$0x1];
	p0 =	sne.s32 s2, $0x0  }
0x44: {  	s3 =	rddreg [dreg:$0x2];
	[bflag:$0x3] =	sbarrier.arrive $0xFFFF;
	s2 =	simm.s32 @!p0 $0x1C01  }
0x45: {  	[timem:s3], [sflag:s2] =	dma.local @!p0 [hbm:s0], s1  }
0x46: {  	s0 =	simm.s32 @!p0 $0x1  }
0x47: {  	_ =	swait.ge @!p0 [sflag:s0], s1  }
0x48: {  	s1 =	ssub.s32 @!p0 $0x0, s1;
	[sflag:s0] =	ssyncset.done @!p0 $0x0  }
0x49: {  	[sflag:s0] =	ssyncadd.s32 @!p0 s1  }
0x4a: {  	[bflag:$0x3] =	sbarrier.arrive $0xFFFF  }
0x4b: {  	_ =	shalt  }

</sc_bundles>
